<compile_context>
chip_gen: v7x
topology: tpu7x:2x2x1
jax: 0.10.2.dev20260603
libtpu: 0.0.44.dev20260713+nightly
codegen_flags: <defaults>
</compile_context>

<pallas_src>
import functools

import jax
import jax.numpy as jnp
from jax import lax
from jax.experimental import pallas as pl
from jax.experimental.pallas import tpu as pltpu
from jax.experimental.pallas import tpu_sc as plsc

NUM_L0 = 4
NUM_L1 = 16
NUM_L2 = 16
TOKENS_PER_TIMESTEP = NUM_L0 + NUM_L1 + NUM_L2 + 1
B = 1024
T = 16
D = 384
SEQ = T * TOKENS_PER_TIMESTEP
ROWS_TOTAL = B * SEQ

TSTRIDE = 2128
OFF_L1 = 64
OFF_L2 = 1088
OFF_ACT = 2112

NC, NS = 2, 16
NW = NC * NS
ROWS_PER_W = ROWS_TOTAL // NW
CHUNK = 32
NCHUNK = ROWS_PER_W // CHUNK
CPR = 128 // CHUNK
NBUF = 8
NOUTER = NCHUNK // NBUF


def _build_body(l0, l1, l2, act, lvl, patch, pos_r, out):
    base_l0 = l0[...] + lvl[0:1, :]
    for j in range(NUM_L0):
        out[0, j * 16:(j + 1) * 16, :] = (
            base_l0 + (patch[j:j + 1, :] + pos_r[0, j:j + 1, :]))
    base_l1 = l1[...] + lvl[1:2, :]
    for j in range(NUM_L1):
        out[0, OFF_L1 + j * 64:OFF_L1 + (j + 1) * 64, :] = (
            base_l1 + (patch[j:j + 1, :] + pos_r[0, 4 + j:5 + j, :]))
    base_l2 = l2[...] + lvl[2:3, :]
    for j in range(NUM_L2):
        out[0, OFF_L2 + j * 64:OFF_L2 + (j + 1) * 64, :] = (
            base_l2 + (patch[j:j + 1, :] + pos_r[0, 20 + j:21 + j, :]))
    act_block = jnp.concatenate(
        [act[...] + (lvl[3:4, :] + pos_r[0, 36:37, :]),
         jnp.zeros((16 - 9, D), jnp.float32)], axis=0)
    out[0, OFF_ACT:OFF_ACT + 16, :] = act_block


_build_ftab = pl.pallas_call(
    _build_body,
    grid=(T,),
    in_specs=[
        pl.BlockSpec((16, D), lambda t: (0, 0)),
        pl.BlockSpec((64, D), lambda t: (0, 0)),
        pl.BlockSpec((64, D), lambda t: (0, 0)),
        pl.BlockSpec((9, D), lambda t: (0, 0)),
        pl.BlockSpec((4, D), lambda t: (0, 0)),
        pl.BlockSpec((16, D), lambda t: (0, 0)),
        pl.BlockSpec((1, TOKENS_PER_TIMESTEP, D), lambda t: (t, 0, 0)),
    ],
    out_specs=pl.BlockSpec((1, TSTRIDE, D), lambda t: (t, 0, 0)),
    out_shape=jax.ShapeDtypeStruct((T, TSTRIDE, D), jnp.float32),
)

@functools.cache
def _make_sc_gather():
    mesh = plsc.VectorSubcoreMesh(core_axis_name="c", subcore_axis_name="s",
                                  num_cores=NC, num_subcores=NS)
    return functools.partial(
        pl.kernel,
        out_type=jax.ShapeDtypeStruct((ROWS_TOTAL, D), jnp.float32),
        mesh=mesh,
        scratch_types=[
        pltpu.VMEM((NCHUNK // CPR, 128), jnp.int32),
    ] + [pltpu.VMEM((CHUNK, D), jnp.float32)] * NBUF
      + [pltpu.SemaphoreType.DMA] * (2 * NBUF),
    )(_sc_gather_body)


def _sc_gather_body(ftab_hbm, gidx_hbm, out_hbm, idx_v, *bufs_sems):
    bufs = bufs_sems[:NBUF]
    gsems = bufs_sems[NBUF:2 * NBUF]
    ssems = bufs_sems[2 * NBUF:]
    wid = lax.axis_index("s") * NC + lax.axis_index("c")
    base = wid * ROWS_PER_W
    pltpu.sync_copy(gidx_hbm.at[wid], idx_v)

    def g_desc(c, b):
        idx_slice = idx_v.at[c // CPR, pl.ds((c % CPR) * CHUNK, CHUNK)]
        return pltpu.make_async_copy(ftab_hbm.at[idx_slice], bufs[b],
                                     gsems[b])

    def s_desc(c, b):
        return pltpu.make_async_copy(
            bufs[b], out_hbm.at[pl.ds(base + c * CHUNK, CHUNK)], ssems[b])

    for b in range(NBUF):
        g_desc(b, b).start()

    def body(i, carry):
        for b in range(NBUF):
            c = i * NBUF + b
            g_desc(c, b).wait()
            s_desc(c, b).start()
            pb = (b - 1) % NBUF
            cond = (i > 0) if b == 0 else (i < NOUTER - 1)

            @pl.when(cond)
            def _(c=c, pb=pb):
                s_desc(c - 1, pb).wait()
                g_desc(c - 1 + NBUF, pb).start()

        return carry

    lax.fori_loop(0, NOUTER, body, 0)
    for b in range(NBUF):
        s_desc(NCHUNK - NBUF + b, b).wait()


def kernel(tokens_l0, tokens_l1, tokens_l2, actions, l0_embed, l1_embed,
           l2_embed, act_embed, level_embed, patch_embed, pos_embed):
    ftab = _build_ftab(l0_embed, l1_embed, l2_embed, act_embed, level_embed,
                       patch_embed, pos_embed.reshape(T, TOKENS_PER_TIMESTEP, D))
    ftab_flat = ftab.reshape(T * TSTRIDE, D)

    g0 = tokens_l0 + jnp.arange(NUM_L0, dtype=jnp.int32) * 16
    g1 = tokens_l1 + (OFF_L1 + jnp.arange(NUM_L1, dtype=jnp.int32) * 64)
    g2 = tokens_l2 + (OFF_L2 + jnp.arange(NUM_L2, dtype=jnp.int32) * 64)
    ga = actions[:, :, None] + OFF_ACT
    gidx = jnp.concatenate([g0, g1, g2, ga], axis=2)
    gidx = gidx + (jnp.arange(T, dtype=jnp.int32) * TSTRIDE)[None, :, None]
    gidx = gidx.reshape(NW, NCHUNK // CPR, 128)

    out = _make_sc_gather()(ftab_flat, gidx)
    return out.reshape(B, SEQ, D)

# --- scband reference (transcript-rebuilt; emitter-appended) ---
"""Pipeline reference for scband-spatial-token-embedding-57724360458339 (READ-ONLY COPY).

The authoritative reference and input builder live on the scoring server;
editing this copy changes nothing except your own understanding.
"""

import jax, jax.numpy as jnp
import numpy as np

NUM_L0 = 4
NUM_L1 = 16
NUM_L2 = 16
TOKENS_PER_TIMESTEP = NUM_L0 + NUM_L1 + NUM_L2 + 1  # 37


def setup_inputs(seed: int = 0) -> dict:
    key = jax.random.key(seed)
    ks = jax.random.split(key, 11)
    B, T, D = 1024, 16, 384
    num_codes_l0, num_codes_l1, num_codes_l2, num_actions = 16, 64, 64, 9
    max_seq_len = 592
    return {
        "tokens_l0": jax.random.randint(ks[0], (B, T, NUM_L0), 0, num_codes_l0, dtype=jnp.int32),
        "tokens_l1": jax.random.randint(ks[1], (B, T, NUM_L1), 0, num_codes_l1, dtype=jnp.int32),
        "tokens_l2": jax.random.randint(ks[2], (B, T, NUM_L2), 0, num_codes_l2, dtype=jnp.int32),
        "actions": jax.random.randint(ks[3], (B, T), 0, num_actions, dtype=jnp.int32),
        "l0_embed": jax.random.normal(ks[4], (num_codes_l0, D), dtype=jnp.float32) * 0.02,
        "l1_embed": jax.random.normal(ks[5], (num_codes_l1, D), dtype=jnp.float32) * 0.02,
        "l2_embed": jax.random.normal(ks[6], (num_codes_l2, D), dtype=jnp.float32) * 0.02,
        "act_embed": jax.random.normal(ks[7], (num_actions, D), dtype=jnp.float32) * 0.02,
        "level_embed": jax.random.normal(ks[8], (4, D), dtype=jnp.float32) * 0.02,
        "patch_embed": jax.random.normal(ks[9], (NUM_L1, D), dtype=jnp.float32) * 0.02,
        "pos_embed": jax.random.normal(ks[10], (max_seq_len, D), dtype=jnp.float32) * 0.02,
    }


def reference(tokens_l0, tokens_l1, tokens_l2, actions, l0_embed, l1_embed, l2_embed, act_embed, level_embed, patch_embed, pos_embed):
    B, T, _ = tokens_l0.shape
    D = l0_embed.shape[1]
    lvl = level_embed  # (4, D)
    # per-level code embeddings (gathers) + level-type embedding + patch embedding
    e_l0 = jnp.take(l0_embed, tokens_l0, axis=0) + lvl[0] + patch_embed[:NUM_L0]
    e_l1 = jnp.take(l1_embed, tokens_l1, axis=0) + lvl[1] + patch_embed[:NUM_L1]
    e_l2 = jnp.take(l2_embed, tokens_l2, axis=0) + lvl[2] + patch_embed[:NUM_L2]
    e_act = (jnp.take(act_embed, actions, axis=0) + lvl[3])[:, :, None, :]
    timestep = jnp.concatenate([e_l0, e_l1, e_l2, e_act], axis=2)  # (B, T, 37, D)
    seq = timestep.reshape(B, T * TOKENS_PER_TIMESTEP, D)
    positions = jnp.arange(T * TOKENS_PER_TIMESTEP)
    seq = seq + jnp.take(pos_embed, positions, axis=0)
    return seq

if __name__ == "__main__":
    import jax
    _d = setup_inputs()
    print(jax.jit(kernel)(*tuple(_d.values())))

</pallas_src>

<mosaic_0001>
#map = affine_map<(d0, d1) -> (0, 0)>
#map1 = affine_map<(d0, d1) -> (0, 0, 0)>
module attributes {stable_mosaic.version = 14 : i64} {
  func.func @_sc_gather_body(%arg0: i32, %arg1: i32, %arg2: memref<34048x384xf32, #tpu.memory_space<hbm>>, %arg3: memref<32x148x128xi32, #tpu.memory_space<hbm>>, %arg4: memref<606208x384xf32, #tpu.memory_space<hbm>>, %arg5: memref<148x128xi32, #tpu.memory_space<vmem>>, %arg6: memref<32x384xf32, #tpu.memory_space<vmem>>, %arg7: memref<32x384xf32, #tpu.memory_space<vmem>>, %arg8: memref<32x384xf32, #tpu.memory_space<vmem>>, %arg9: memref<32x384xf32, #tpu.memory_space<vmem>>, %arg10: memref<32x384xf32, #tpu.memory_space<vmem>>, %arg11: memref<32x384xf32, #tpu.memory_space<vmem>>, %arg12: memref<32x384xf32, #tpu.memory_space<vmem>>, %arg13: memref<32x384xf32, #tpu.memory_space<vmem>>, %arg14: memref<!tpu.dma_semaphore, #tpu.memory_space<semaphore_mem>>, %arg15: memref<!tpu.dma_semaphore, #tpu.memory_space<semaphore_mem>>, %arg16: memref<!tpu.dma_semaphore, #tpu.memory_space<semaphore_mem>>, %arg17: memref<!tpu.dma_semaphore, #tpu.memory_space<semaphore_mem>>, %arg18: memref<!tpu.dma_semaphore, #tpu.memory_space<semaphore_mem>>, %arg19: memref<!tpu.dma_semaphore, #tpu.memory_space<semaphore_mem>>, %arg20: memref<!tpu.dma_semaphore, #tpu.memory_space<semaphore_mem>>, %arg21: memref<!tpu.dma_semaphore, #tpu.memory_space<semaphore_mem>>, %arg22: memref<!tpu.dma_semaphore, #tpu.memory_space<semaphore_mem>>, %arg23: memref<!tpu.dma_semaphore, #tpu.memory_space<semaphore_mem>>, %arg24: memref<!tpu.dma_semaphore, #tpu.memory_space<semaphore_mem>>, %arg25: memref<!tpu.dma_semaphore, #tpu.memory_space<semaphore_mem>>, %arg26: memref<!tpu.dma_semaphore, #tpu.memory_space<semaphore_mem>>, %arg27: memref<!tpu.dma_semaphore, #tpu.memory_space<semaphore_mem>>, %arg28: memref<!tpu.dma_semaphore, #tpu.memory_space<semaphore_mem>>, %arg29: memref<!tpu.dma_semaphore, #tpu.memory_space<semaphore_mem>>) attributes {dimension_semantics = [#tpu.dimension_semantics<core_parallel>, #tpu.dimension_semantics<subcore_parallel>], iteration_bounds = array<i64: 2, 16>, scalar_prefetch = 0 : i64, scratch_operands = 25 : i64, tpu.core_type = #tpu.core_type<sc_vector_subcore>, window_params = [{transform_indices = #map}, {transform_indices = #map1}, {transform_indices = #map}]} {
    %mul3A = arith.constant 2 : i32
    %mul3A_0 = arith.muli %arg1, %mul3A : i32
    %add3A = arith.addi %mul3A_0, %arg0 : i32
    %mul3A_1 = arith.constant 18944 : i32
    %mul3A_2 = arith.muli %add3A, %mul3A_1 : i32
    "tpu.region"() ({
      %run_scoped3A = tpu.sem_alloc : memref<!tpu.dma_semaphore, #tpu.memory_space<semaphore_mem>>
      %dma_start3A_110 = arith.constant 0 : i32
      %dma_start3A_111 = arith.constant 0 : i32
      %dma_start3A_112 = tpu.memref_slice %arg3[%add3A, %dma_start3A_110, %dma_start3A_111] : memref<32x148x128xi32, #tpu.memory_space<hbm>> -> memref<1x148x128xi32, #tpu.memory_space<hbm>>
      %dma_start3A_113 = tpu.memref_squeeze %dma_start3A_112 : memref<1x148x128xi32, #tpu.memory_space<hbm>> -> memref<148x128xi32, #tpu.memory_space<hbm>>
      %dma_start3A_114 = arith.constant 0 : i32
      %dma_start3A_115 = arith.constant 0 : i32
      %dma_start3A_116 = tpu.memref_slice %arg3[%add3A, %dma_start3A_114, %dma_start3A_115] : memref<32x148x128xi32, #tpu.memory_space<hbm>> -> memref<1x148x128xi32, #tpu.memory_space<hbm>>
      %dma_start3A_117 = tpu.memref_squeeze %dma_start3A_116 : memref<1x148x128xi32, #tpu.memory_space<hbm>> -> memref<148x128xi32, #tpu.memory_space<hbm>>
      tpu.enqueue_dma source(%dma_start3A_117 : memref<148x128xi32, #tpu.memory_space<hbm>>) target(%arg5 : memref<148x128xi32, #tpu.memory_space<vmem>>) target_semaphore(%run_scoped3A : memref<!tpu.dma_semaphore, #tpu.memory_space<semaphore_mem>>)
      %dma_wait3A_118 = arith.constant 0 : i32
      %dma_wait3A_119 = arith.constant 0 : i32
      %dma_wait3A_120 = tpu.memref_slice %arg3[%add3A, %dma_wait3A_118, %dma_wait3A_119] : memref<32x148x128xi32, #tpu.memory_space<hbm>> -> memref<1x148x128xi32, #tpu.memory_space<hbm>>
      %dma_wait3A_121 = tpu.memref_squeeze %dma_wait3A_120 : memref<1x148x128xi32, #tpu.memory_space<hbm>> -> memref<148x128xi32, #tpu.memory_space<hbm>>
      %dma_wait3A_122 = arith.constant 0 : i32
      %dma_wait3A_123 = arith.constant 0 : i32
      %dma_wait3A_124 = tpu.memref_slice %arg3[%add3A, %dma_wait3A_122, %dma_wait3A_123] : memref<32x148x128xi32, #tpu.memory_space<hbm>> -> memref<1x148x128xi32, #tpu.memory_space<hbm>>
      %dma_wait3A_125 = tpu.memref_squeeze %dma_wait3A_124 : memref<1x148x128xi32, #tpu.memory_space<hbm>> -> memref<148x128xi32, #tpu.memory_space<hbm>>
      tpu.wait_dma2 semaphore(%run_scoped3A : memref<!tpu.dma_semaphore, #tpu.memory_space<semaphore_mem>>) src(%dma_wait3A_125 : memref<148x128xi32, #tpu.memory_space<hbm>>) dst(%arg5 : memref<148x128xi32, #tpu.memory_space<vmem>>)
      tpu.yield
    }) : () -> ()
    %dma_start3A = arith.constant 0 : i32
    %dma_start3A_3 = arith.constant 0 : i32
    %dma_start3A_4 = tpu.memref_slice %arg5[%dma_start3A, %dma_start3A_3] : memref<148x128xi32, #tpu.memory_space<vmem>> -> memref<1x32xi32, #tpu.memory_space<vmem>>
    %dma_start3A_5 = tpu.memref_squeeze %dma_start3A_4 : memref<1x32xi32, #tpu.memory_space<vmem>> -> memref<32xi32, #tpu.memory_space<vmem>>
    %dma_start3A_6 = arith.constant 0 : i32
    %dma_start3A_7 = arith.constant 0 : i32
    %dma_start3A_8 = tpu.memref_slice %arg2[%dma_start3A_6, %dma_start3A_7] : memref<34048x384xf32, #tpu.memory_space<hbm>> -> memref<34048x384xf32, #tpu.memory_space<hbm>>
    tpu.enqueue_indirect_dma source(%dma_start3A_8 : memref<34048x384xf32, #tpu.memory_space<hbm>>) target(%arg6 : memref<32x384xf32, #tpu.memory_space<vmem>>) offsets(%dma_start3A_5 : memref<32xi32, #tpu.memory_space<vmem>>) semaphore(%arg14 : memref<!tpu.dma_semaphore, #tpu.memory_space<semaphore_mem>>)
    %dma_start3A_9 = arith.constant 0 : i32
    %dma_start3A_10 = arith.constant 32 : i32
    %dma_start3A_11 = tpu.memref_slice %arg5[%dma_start3A_9, %dma_start3A_10] : memref<148x128xi32, #tpu.memory_space<vmem>> -> memref<1x32xi32, #tpu.memory_space<vmem>>
    %dma_start3A_12 = tpu.memref_squeeze %dma_start3A_11 : memref<1x32xi32, #tpu.memory_space<vmem>> -> memref<32xi32, #tpu.memory_space<vmem>>
    %dma_start3A_13 = arith.constant 0 : i32
    %dma_start3A_14 = arith.constant 0 : i32
    %dma_start3A_15 = tpu.memref_slice %arg2[%dma_start3A_13, %dma_start3A_14] : memref<34048x384xf32, #tpu.memory_space<hbm>> -> memref<34048x384xf32, #tpu.memory_space<hbm>>
    tpu.enqueue_indirect_dma source(%dma_start3A_15 : memref<34048x384xf32, #tpu.memory_space<hbm>>) target(%arg7 : memref<32x384xf32, #tpu.memory_space<vmem>>) offsets(%dma_start3A_12 : memref<32xi32, #tpu.memory_space<vmem>>) semaphore(%arg15 : memref<!tpu.dma_semaphore, #tpu.memory_space<semaphore_mem>>)
    %dma_start3A_16 = arith.constant 0 : i32
    %dma_start3A_17 = arith.constant 64 : i32
    %dma_start3A_18 = tpu.memref_slice %arg5[%dma_start3A_16, %dma_start3A_17] : memref<148x128xi32, #tpu.memory_space<vmem>> -> memref<1x32xi32, #tpu.memory_space<vmem>>
    %dma_start3A_19 = tpu.memref_squeeze %dma_start3A_18 : memref<1x32xi32, #tpu.memory_space<vmem>> -> memref<32xi32, #tpu.memory_space<vmem>>
    %dma_start3A_20 = arith.constant 0 : i32
    %dma_start3A_21 = arith.constant 0 : i32
    %dma_start3A_22 = tpu.memref_slice %arg2[%dma_start3A_20, %dma_start3A_21] : memref<34048x384xf32, #tpu.memory_space<hbm>> -> memref<34048x384xf32, #tpu.memory_space<hbm>>
    tpu.enqueue_indirect_dma source(%dma_start3A_22 : memref<34048x384xf32, #tpu.memory_space<hbm>>) target(%arg8 : memref<32x384xf32, #tpu.memory_space<vmem>>) offsets(%dma_start3A_19 : memref<32xi32, #tpu.memory_space<vmem>>) semaphore(%arg16 : memref<!tpu.dma_semaphore, #tpu.memory_space<semaphore_mem>>)
    %dma_start3A_23 = arith.constant 0 : i32
    %dma_start3A_24 = arith.constant 96 : i32
    %dma_start3A_25 = tpu.memref_slice %arg5[%dma_start3A_23, %dma_start3A_24] : memref<148x128xi32, #tpu.memory_space<vmem>> -> memref<1x32xi32, #tpu.memory_space<vmem>>
    %dma_start3A_26 = tpu.memref_squeeze %dma_start3A_25 : memref<1x32xi32, #tpu.memory_space<vmem>> -> memref<32xi32, #tpu.memory_space<vmem>>
    %dma_start3A_27 = arith.constant 0 : i32
    %dma_start3A_28 = arith.constant 0 : i32
    %dma_start3A_29 = tpu.memref_slice %arg2[%dma_start3A_27, %dma_start3A_28] : memref<34048x384xf32, #tpu.memory_space<hbm>> -> memref<34048x384xf32, #tpu.memory_space<hbm>>
    tpu.enqueue_indirect_dma source(%dma_start3A_29 : memref<34048x384xf32, #tpu.memory_space<hbm>>) target(%arg9 : memref<32x384xf32, #tpu.memory_space<vmem>>) offsets(%dma_start3A_26 : memref<32xi32, #tpu.memory_space<vmem>>) semaphore(%arg17 : memref<!tpu.dma_semaphore, #tpu.memory_space<semaphore_mem>>)
    %dma_start3A_30 = arith.constant 1 : i32
    %dma_start3A_31 = arith.constant 0 : i32
    %dma_start3A_32 = tpu.memref_slice %arg5[%dma_start3A_30, %dma_start3A_31] : memref<148x128xi32, #tpu.memory_space<vmem>> -> memref<1x32xi32, #tpu.memory_space<vmem>>
    %dma_start3A_33 = tpu.memref_squeeze %dma_start3A_32 : memref<1x32xi32, #tpu.memory_space<vmem>> -> memref<32xi32, #tpu.memory_space<vmem>>
    %dma_start3A_34 = arith.constant 0 : i32
    %dma_start3A_35 = arith.constant 0 : i32
    %dma_start3A_36 = tpu.memref_slice %arg2[%dma_start3A_34, %dma_start3A_35] : memref<34048x384xf32, #tpu.memory_space<hbm>> -> memref<34048x384xf32, #tpu.memory_space<hbm>>
    tpu.enqueue_indirect_dma source(%dma_start3A_36 : memref<34048x384xf32, #tpu.memory_space<hbm>>) target(%arg10 : memref<32x384xf32, #tpu.memory_space<vmem>>) offsets(%dma_start3A_33 : memref<32xi32, #tpu.memory_space<vmem>>) semaphore(%arg18 : memref<!tpu.dma_semaphore, #tpu.memory_space<semaphore_mem>>)
    %dma_start3A_37 = arith.constant 1 : i32
    %dma_start3A_38 = arith.constant 32 : i32
    %dma_start3A_39 = tpu.memref_slice %arg5[%dma_start3A_37, %dma_start3A_38] : memref<148x128xi32, #tpu.memory_space<vmem>> -> memref<1x32xi32, #tpu.memory_space<vmem>>
    %dma_start3A_40 = tpu.memref_squeeze %dma_start3A_39 : memref<1x32xi32, #tpu.memory_space<vmem>> -> memref<32xi32, #tpu.memory_space<vmem>>
    %dma_start3A_41 = arith.constant 0 : i32
    %dma_start3A_42 = arith.constant 0 : i32
    %dma_start3A_43 = tpu.memref_slice %arg2[%dma_start3A_41, %dma_start3A_42] : memref<34048x384xf32, #tpu.memory_space<hbm>> -> memref<34048x384xf32, #tpu.memory_space<hbm>>
    tpu.enqueue_indirect_dma source(%dma_start3A_43 : memref<34048x384xf32, #tpu.memory_space<hbm>>) target(%arg11 : memref<32x384xf32, #tpu.memory_space<vmem>>) offsets(%dma_start3A_40 : memref<32xi32, #tpu.memory_space<vmem>>) semaphore(%arg19 : memref<!tpu.dma_semaphore, #tpu.memory_space<semaphore_mem>>)
    %dma_start3A_44 = arith.constant 1 : i32
    %dma_start3A_45 = arith.constant 64 : i32
    %dma_start3A_46 = tpu.memref_slice %arg5[%dma_start3A_44, %dma_start3A_45] : memref<148x128xi32, #tpu.memory_space<vmem>> -> memref<1x32xi32, #tpu.memory_space<vmem>>
    %dma_start3A_47 = tpu.memref_squeeze %dma_start3A_46 : memref<1x32xi32, #tpu.memory_space<vmem>> -> memref<32xi32, #tpu.memory_space<vmem>>
    %dma_start3A_48 = arith.constant 0 : i32
    %dma_start3A_49 = arith.constant 0 : i32
    %dma_start3A_50 = tpu.memref_slice %arg2[%dma_start3A_48, %dma_start3A_49] : memref<34048x384xf32, #tpu.memory_space<hbm>> -> memref<34048x384xf32, #tpu.memory_space<hbm>>
    tpu.enqueue_indirect_dma source(%dma_start3A_50 : memref<34048x384xf32, #tpu.memory_space<hbm>>) target(%arg12 : memref<32x384xf32, #tpu.memory_space<vmem>>) offsets(%dma_start3A_47 : memref<32xi32, #tpu.memory_space<vmem>>) semaphore(%arg20 : memref<!tpu.dma_semaphore, #tpu.memory_space<semaphore_mem>>)
    %dma_start3A_51 = arith.constant 1 : i32
    %dma_start3A_52 = arith.constant 96 : i32
    %dma_start3A_53 = tpu.memref_slice %arg5[%dma_start3A_51, %dma_start3A_52] : memref<148x128xi32, #tpu.memory_space<vmem>> -> memref<1x32xi32, #tpu.memory_space<vmem>>
    %dma_start3A_54 = tpu.memref_squeeze %dma_start3A_53 : memref<1x32xi32, #tpu.memory_space<vmem>> -> memref<32xi32, #tpu.memory_space<vmem>>
    %dma_start3A_55 = arith.constant 0 : i32
    %dma_start3A_56 = arith.constant 0 : i32
    %dma_start3A_57 = tpu.memref_slice %arg2[%dma_start3A_55, %dma_start3A_56] : memref<34048x384xf32, #tpu.memory_space<hbm>> -> memref<34048x384xf32, #tpu.memory_space<hbm>>
    tpu.enqueue_indirect_dma source(%dma_start3A_57 : memref<34048x384xf32, #tpu.memory_space<hbm>>) target(%arg13 : memref<32x384xf32, #tpu.memory_space<vmem>>) offsets(%dma_start3A_54 : memref<32xi32, #tpu.memory_space<vmem>>) semaphore(%arg21 : memref<!tpu.dma_semaphore, #tpu.memory_space<semaphore_mem>>)
    %scan3A = arith.constant 0 : i32
    %scan3A_58 = arith.constant 0 : i32
    %scan3A_59 = arith.constant 74 : i32
    %scan3A_60 = arith.addi %scan3A_58, %scan3A_59 : i32
    %scan3A_61 = arith.constant 1 : i32
    scf.for %scan3A_110 = %scan3A_58 to %scan3A_60 step %scan3A_61  : i32 {
      %mul3A_111 = arith.constant 8 : i32
      %mul3A_112 = arith.muli %scan3A_110, %mul3A_111 : i32
      %add3A_113 = arith.constant 0 : i32
      %add3A_114 = arith.addi %mul3A_112, %add3A_113 : i32
      %jit3A = arith.constant 4 : i32
      %div3A = arith.divsi %add3A_114, %jit3A : i32
      %sign3A = arith.constant 0 : i32
      %sign3A_115 = arith.cmpi sgt, %add3A_114, %sign3A : i32
      %sign3A_116 = arith.extui %sign3A_115 : i1 to i32
      %sign3A_117 = arith.constant 0 : i32
      %sign3A_118 = arith.cmpi slt, %add3A_114, %sign3A_117 : i32
      %sign3A_119 = arith.extui %sign3A_118 : i1 to i32
      %sign3A_120 = arith.subi %sign3A_116, %sign3A_119 : i32
      %sign3A_121 = arith.constant 0 : i32
      %sign3A_122 = arith.cmpi sgt, %jit3A, %sign3A_121 : i32
      %sign3A_123 = arith.extui %sign3A_122 : i1 to i32
      %sign3A_124 = arith.constant 0 : i32
      %sign3A_125 = arith.cmpi slt, %jit3A, %sign3A_124 : i32
      %sign3A_126 = arith.extui %sign3A_125 : i1 to i32
      %sign3A_127 = arith.subi %sign3A_123, %sign3A_126 : i32
      %ne3A = arith.cmpi ne, %sign3A_120, %sign3A_127 : i32
      %rem3A = arith.remsi %add3A_114, %jit3A : i32
      %ne3A_128 = arith.constant 0 : i32
      %ne3A_129 = arith.cmpi ne, %rem3A, %ne3A_128 : i32
      %and3A = arith.andi %ne3A, %ne3A_129 : i1
      %sub3A = arith.constant 1 : i32
      %sub3A_130 = arith.subi %div3A, %sub3A : i32
      %select_n3A = arith.select %and3A, %sub3A_130, %div3A : i32
      %jit3A_131 = arith.constant 4 : i32
      %eq3A = arith.constant 0 : i32
      %eq3A_132 = arith.cmpi eq, %jit3A_131, %eq3A : i32
      %jit3A_133 = arith.constant 1 : i32
      %select_n3A_134 = arith.select %eq3A_132, %jit3A_133, %jit3A_131 : i32
      %rem3A_135 = arith.remsi %add3A_114, %select_n3A_134 : i32
      %ne3A_136 = arith.constant 0 : i32
      %ne3A_137 = arith.cmpi ne, %rem3A_135, %ne3A_136 : i32
      %lt3A = arith.constant 0 : i32
      %lt3A_138 = arith.cmpi slt, %rem3A_135, %lt3A : i32
      %lt3A_139 = arith.constant 0 : i32
      %lt3A_140 = arith.cmpi slt, %select_n3A_134, %lt3A_139 : i32
      %ne3A_141 = arith.xori %lt3A_138, %lt3A_140 : i1
      %and3A_142 = arith.andi %ne3A_141, %ne3A_137 : i1
      %add3A_143 = arith.addi %rem3A_135, %select_n3A_134 : i32
      %select_n3A_144 = arith.select %and3A_142, %add3A_143, %rem3A_135 : i32
      %mul3A_145 = arith.constant 32 : i32
      %mul3A_146 = arith.muli %select_n3A_144, %mul3A_145 : i32
      %dma_wait3A_147 = tpu.memref_slice %arg5[%select_n3A, %mul3A_146] : memref<148x128xi32, #tpu.memory_space<vmem>> -> memref<1x32xi32, #tpu.memory_space<vmem>>
      %dma_wait3A_148 = tpu.memref_squeeze %dma_wait3A_147 : memref<1x32xi32, #tpu.memory_space<vmem>> -> memref<32xi32, #tpu.memory_space<vmem>>
      %dma_wait3A_149 = arith.constant 0 : i32
      %dma_wait3A_150 = arith.constant 0 : i32
      %dma_wait3A_151 = tpu.memref_slice %arg2[%dma_wait3A_149, %dma_wait3A_150] : memref<34048x384xf32, #tpu.memory_space<hbm>> -> memref<34048x384xf32, #tpu.memory_space<hbm>>
      tpu.wait_indirect_dma semaphore(%arg14 : memref<!tpu.dma_semaphore, #tpu.memory_space<semaphore_mem>>) src(%dma_wait3A_151 : memref<34048x384xf32, #tpu.memory_space<hbm>>) dst(%arg6 : memref<32x384xf32, #tpu.memory_space<vmem>>)
      %mul3A_152 = arith.constant 32 : i32
      %mul3A_153 = arith.muli %add3A_114, %mul3A_152 : i32
      %add3A_154 = arith.addi %mul3A_2, %mul3A_153 : i32
      %dma_start3A_155 = arith.constant 0 : i32
      %dma_start3A_156 = tpu.memref_slice %arg4[%add3A_154, %dma_start3A_155] : memref<606208x384xf32, #tpu.memory_space<hbm>> -> memref<32x384xf32, #tpu.memory_space<hbm>>
      %dma_start3A_157 = arith.constant 0 : i32
      %dma_start3A_158 = tpu.memref_slice %arg4[%add3A_154, %dma_start3A_157] : memref<606208x384xf32, #tpu.memory_space<hbm>> -> memref<32x384xf32, #tpu.memory_space<hbm>>
      tpu.enqueue_dma source(%arg6 : memref<32x384xf32, #tpu.memory_space<vmem>>) target(%dma_start3A_158 : memref<32x384xf32, #tpu.memory_space<hbm>>) target_semaphore(%arg22 : memref<!tpu.dma_semaphore, #tpu.memory_space<semaphore_mem>>)
      %gt3A = arith.constant 0 : i32
      %gt3A_159 = arith.cmpi sgt, %scan3A_110, %gt3A : i32
      %convert_element_type3A = arith.extui %gt3A_159 : i1 to i32
      %cond3A = arith.constant 0 : i32
      %cond3A_160 = arith.cmpi ne, %convert_element_type3A, %cond3A : i32
      scf.if %cond3A_160 {
        %sub3A_602 = arith.constant 1 : i32
        %sub3A_603 = arith.subi %add3A_114, %sub3A_602 : i32
        %mul3A_604 = arith.constant 32 : i32
        %mul3A_605 = arith.muli %sub3A_603, %mul3A_604 : i32
        %add3A_606 = arith.addi %mul3A_2, %mul3A_605 : i32
        %dma_wait3A_607 = arith.constant 0 : i32
        %dma_wait3A_608 = tpu.memref_slice %arg4[%add3A_606, %dma_wait3A_607] : memref<606208x384xf32, #tpu.memory_space<hbm>> -> memref<32x384xf32, #tpu.memory_space<hbm>>
        %dma_wait3A_609 = arith.constant 0 : i32
        %dma_wait3A_610 = tpu.memref_slice %arg4[%add3A_606, %dma_wait3A_609] : memref<606208x384xf32, #tpu.memory_space<hbm>> -> memref<32x384xf32, #tpu.memory_space<hbm>>
        tpu.wait_dma2 semaphore(%arg29 : memref<!tpu.dma_semaphore, #tpu.memory_space<semaphore_mem>>) src(%arg13 : memref<32x384xf32, #tpu.memory_space<vmem>>) dst(%dma_wait3A_610 : memref<32x384xf32, #tpu.memory_space<hbm>>)
        %sub3A_611 = arith.constant 1 : i32
        %sub3A_612 = arith.subi %add3A_114, %sub3A_611 : i32
        %add3A_613 = arith.constant 8 : i32
        %add3A_614 = arith.addi %sub3A_612, %add3A_613 : i32
        %jit3A_615 = arith.constant 4 : i32
        %div3A_616 = arith.divsi %add3A_614, %jit3A_615 : i32
        %sign3A_617 = arith.constant 0 : i32
        %sign3A_618 = arith.cmpi sgt, %add3A_614, %sign3A_617 : i32
        %sign3A_619 = arith.extui %sign3A_618 : i1 to i32
        %sign3A_620 = arith.constant 0 : i32
        %sign3A_621 = arith.cmpi slt, %add3A_614, %sign3A_620 : i32
        %sign3A_622 = arith.extui %sign3A_621 : i1 to i32
        %sign3A_623 = arith.subi %sign3A_619, %sign3A_622 : i32
        %sign3A_624 = arith.constant 0 : i32
        %sign3A_625 = arith.cmpi sgt, %jit3A_615, %sign3A_624 : i32
        %sign3A_626 = arith.extui %sign3A_625 : i1 to i32
        %sign3A_627 = arith.constant 0 : i32
        %sign3A_628 = arith.cmpi slt, %jit3A_615, %sign3A_627 : i32
        %sign3A_629 = arith.extui %sign3A_628 : i1 to i32
        %sign3A_630 = arith.subi %sign3A_626, %sign3A_629 : i32
        %ne3A_631 = arith.cmpi ne, %sign3A_623, %sign3A_630 : i32
        %rem3A_632 = arith.remsi %add3A_614, %jit3A_615 : i32
        %ne3A_633 = arith.constant 0 : i32
        %ne3A_634 = arith.cmpi ne, %rem3A_632, %ne3A_633 : i32
        %and3A_635 = arith.andi %ne3A_631, %ne3A_634 : i1
        %sub3A_636 = arith.constant 1 : i32
        %sub3A_637 = arith.subi %div3A_616, %sub3A_636 : i32
        %select_n3A_638 = arith.select %and3A_635, %sub3A_637, %div3A_616 : i32
        %jit3A_639 = arith.constant 4 : i32
        %eq3A_640 = arith.constant 0 : i32
        %eq3A_641 = arith.cmpi eq, %jit3A_639, %eq3A_640 : i32
        %jit3A_642 = arith.constant 1 : i32
        %select_n3A_643 = arith.select %eq3A_641, %jit3A_642, %jit3A_639 : i32
        %rem3A_644 = arith.remsi %add3A_614, %select_n3A_643 : i32
        %ne3A_645 = arith.constant 0 : i32
        %ne3A_646 = arith.cmpi ne, %rem3A_644, %ne3A_645 : i32
        %lt3A_647 = arith.constant 0 : i32
        %lt3A_648 = arith.cmpi slt, %rem3A_644, %lt3A_647 : i32
        %lt3A_649 = arith.constant 0 : i32
        %lt3A_650 = arith.cmpi slt, %select_n3A_643, %lt3A_649 : i32
        %ne3A_651 = arith.xori %lt3A_648, %lt3A_650 : i1
        %and3A_652 = arith.andi %ne3A_651, %ne3A_646 : i1
        %add3A_653 = arith.addi %rem3A_644, %select_n3A_643 : i32
        %select_n3A_654 = arith.select %and3A_652, %add3A_653, %rem3A_644 : i32
        %mul3A_655 = arith.constant 32 : i32
        %mul3A_656 = arith.muli %select_n3A_654, %mul3A_655 : i32
        %dma_start3A_657 = tpu.memref_slice %arg5[%select_n3A_638, %mul3A_656] : memref<148x128xi32, #tpu.memory_space<vmem>> -> memref<1x32xi32, #tpu.memory_space<vmem>>
        %dma_start3A_658 = tpu.memref_squeeze %dma_start3A_657 : memref<1x32xi32, #tpu.memory_space<vmem>> -> memref<32xi32, #tpu.memory_space<vmem>>
        %dma_start3A_659 = arith.constant 0 : i32
        %dma_start3A_660 = arith.constant 0 : i32
        %dma_start3A_661 = tpu.memref_slice %arg2[%dma_start3A_659, %dma_start3A_660] : memref<34048x384xf32, #tpu.memory_space<hbm>> -> memref<34048x384xf32, #tpu.memory_space<hbm>>
        tpu.enqueue_indirect_dma source(%dma_start3A_661 : memref<34048x384xf32, #tpu.memory_space<hbm>>) target(%arg13 : memref<32x384xf32, #tpu.memory_space<vmem>>) offsets(%dma_start3A_658 : memref<32xi32, #tpu.memory_space<vmem>>) semaphore(%arg21 : memref<!tpu.dma_semaphore, #tpu.memory_space<semaphore_mem>>)
      } else {
      }
      %mul3A_161 = arith.constant 8 : i32
      %mul3A_162 = arith.muli %scan3A_110, %mul3A_161 : i32
      %add3A_163 = arith.constant 1 : i32
      %add3A_164 = arith.addi %mul3A_162, %add3A_163 : i32
      %jit3A_165 = arith.constant 4 : i32
      %div3A_166 = arith.divsi %add3A_164, %jit3A_165 : i32
      %sign3A_167 = arith.constant 0 : i32
      %sign3A_168 = arith.cmpi sgt, %add3A_164, %sign3A_167 : i32
      %sign3A_169 = arith.extui %sign3A_168 : i1 to i32
      %sign3A_170 = arith.constant 0 : i32
      %sign3A_171 = arith.cmpi slt, %add3A_164, %sign3A_170 : i32
      %sign3A_172 = arith.extui %sign3A_171 : i1 to i32
      %sign3A_173 = arith.subi %sign3A_169, %sign3A_172 : i32
      %sign3A_174 = arith.constant 0 : i32
      %sign3A_175 = arith.cmpi sgt, %jit3A_165, %sign3A_174 : i32
      %sign3A_176 = arith.extui %sign3A_175 : i1 to i32
      %sign3A_177 = arith.constant 0 : i32
      %sign3A_178 = arith.cmpi slt, %jit3A_165, %sign3A_177 : i32
      %sign3A_179 = arith.extui %sign3A_178 : i1 to i32
      %sign3A_180 = arith.subi %sign3A_176, %sign3A_179 : i32
      %ne3A_181 = arith.cmpi ne, %sign3A_173, %sign3A_180 : i32
      %rem3A_182 = arith.remsi %add3A_164, %jit3A_165 : i32
      %ne3A_183 = arith.constant 0 : i32
      %ne3A_184 = arith.cmpi ne, %rem3A_182, %ne3A_183 : i32
      %and3A_185 = arith.andi %ne3A_181, %ne3A_184 : i1
      %sub3A_186 = arith.constant 1 : i32
      %sub3A_187 = arith.subi %div3A_166, %sub3A_186 : i32
      %select_n3A_188 = arith.select %and3A_185, %sub3A_187, %div3A_166 : i32
      %jit3A_189 = arith.constant 4 : i32
      %eq3A_190 = arith.constant 0 : i32
      %eq3A_191 = arith.cmpi eq, %jit3A_189, %eq3A_190 : i32
      %jit3A_192 = arith.constant 1 : i32
      %select_n3A_193 = arith.select %eq3A_191, %jit3A_192, %jit3A_189 : i32
      %rem3A_194 = arith.remsi %add3A_164, %select_n3A_193 : i32
      %ne3A_195 = arith.constant 0 : i32
      %ne3A_196 = arith.cmpi ne, %rem3A_194, %ne3A_195 : i32
      %lt3A_197 = arith.constant 0 : i32
      %lt3A_198 = arith.cmpi slt, %rem3A_194, %lt3A_197 : i32
      %lt3A_199 = arith.constant 0 : i32
      %lt3A_200 = arith.cmpi slt, %select_n3A_193, %lt3A_199 : i32
      %ne3A_201 = arith.xori %lt3A_198, %lt3A_200 : i1
      %and3A_202 = arith.andi %ne3A_201, %ne3A_196 : i1
      %add3A_203 = arith.addi %rem3A_194, %select_n3A_193 : i32
      %select_n3A_204 = arith.select %and3A_202, %add3A_203, %rem3A_194 : i32
      %mul3A_205 = arith.constant 32 : i32
      %mul3A_206 = arith.muli %select_n3A_204, %mul3A_205 : i32
      %dma_wait3A_207 = tpu.memref_slice %arg5[%select_n3A_188, %mul3A_206] : memref<148x128xi32, #tpu.memory_space<vmem>> -> memref<1x32xi32, #tpu.memory_space<vmem>>
      %dma_wait3A_208 = tpu.memref_squeeze %dma_wait3A_207 : memref<1x32xi32, #tpu.memory_space<vmem>> -> memref<32xi32, #tpu.memory_space<vmem>>
      %dma_wait3A_209 = arith.constant 0 : i32
      %dma_wait3A_210 = arith.constant 0 : i32
      %dma_wait3A_211 = tpu.memref_slice %arg2[%dma_wait3A_209, %dma_wait3A_210] : memref<34048x384xf32, #tpu.memory_space<hbm>> -> memref<34048x384xf32, #tpu.memory_space<hbm>>
      tpu.wait_indirect_dma semaphore(%arg15 : memref<!tpu.dma_semaphore, #tpu.memory_space<semaphore_mem>>) src(%dma_wait3A_211 : memref<34048x384xf32, #tpu.memory_space<hbm>>) dst(%arg7 : memref<32x384xf32, #tpu.memory_space<vmem>>)
      %mul3A_212 = arith.constant 32 : i32
      %mul3A_213 = arith.muli %add3A_164, %mul3A_212 : i32
      %add3A_214 = arith.addi %mul3A_2, %mul3A_213 : i32
      %dma_start3A_215 = arith.constant 0 : i32
      %dma_start3A_216 = tpu.memref_slice %arg4[%add3A_214, %dma_start3A_215] : memref<606208x384xf32, #tpu.memory_space<hbm>> -> memref<32x384xf32, #tpu.memory_space<hbm>>
      %dma_start3A_217 = arith.constant 0 : i32
      %dma_start3A_218 = tpu.memref_slice %arg4[%add3A_214, %dma_start3A_217] : memref<606208x384xf32, #tpu.memory_space<hbm>> -> memref<32x384xf32, #tpu.memory_space<hbm>>
      tpu.enqueue_dma source(%arg7 : memref<32x384xf32, #tpu.memory_space<vmem>>) target(%dma_start3A_218 : memref<32x384xf32, #tpu.memory_space<hbm>>) target_semaphore(%arg23 : memref<!tpu.dma_semaphore, #tpu.memory_space<semaphore_mem>>)
      %lt3A_219 = arith.constant 73 : i32
      %lt3A_220 = arith.cmpi slt, %scan3A_110, %lt3A_219 : i32
      %convert_element_type3A_221 = arith.extui %lt3A_220 : i1 to i32
      %cond3A_222 = arith.constant 0 : i32
      %cond3A_223 = arith.cmpi ne, %convert_element_type3A_221, %cond3A_222 : i32
      scf.if %cond3A_223 {
        %sub3A_602 = arith.constant 1 : i32
        %sub3A_603 = arith.subi %add3A_164, %sub3A_602 : i32
        %mul3A_604 = arith.constant 32 : i32
        %mul3A_605 = arith.muli %sub3A_603, %mul3A_604 : i32
        %add3A_606 = arith.addi %mul3A_2, %mul3A_605 : i32
        %dma_wait3A_607 = arith.constant 0 : i32
        %dma_wait3A_608 = tpu.memref_slice %arg4[%add3A_606, %dma_wait3A_607] : memref<606208x384xf32, #tpu.memory_space<hbm>> -> memref<32x384xf32, #tpu.memory_space<hbm>>
        %dma_wait3A_609 = arith.constant 0 : i32
        %dma_wait3A_610 = tpu.memref_slice %arg4[%add3A_606, %dma_wait3A_609] : memref<606208x384xf32, #tpu.memory_space<hbm>> -> memref<32x384xf32, #tpu.memory_space<hbm>>
        tpu.wait_dma2 semaphore(%arg22 : memref<!tpu.dma_semaphore, #tpu.memory_space<semaphore_mem>>) src(%arg6 : memref<32x384xf32, #tpu.memory_space<vmem>>) dst(%dma_wait3A_610 : memref<32x384xf32, #tpu.memory_space<hbm>>)
        %sub3A_611 = arith.constant 1 : i32
        %sub3A_612 = arith.subi %add3A_164, %sub3A_611 : i32
        %add3A_613 = arith.constant 8 : i32
        %add3A_614 = arith.addi %sub3A_612, %add3A_613 : i32
        %jit3A_615 = arith.constant 4 : i32
        %div3A_616 = arith.divsi %add3A_614, %jit3A_615 : i32
        %sign3A_617 = arith.constant 0 : i32
        %sign3A_618 = arith.cmpi sgt, %add3A_614, %sign3A_617 : i32
        %sign3A_619 = arith.extui %sign3A_618 : i1 to i32
        %sign3A_620 = arith.constant 0 : i32
        %sign3A_621 = arith.cmpi slt, %add3A_614, %sign3A_620 : i32
        %sign3A_622 = arith.extui %sign3A_621 : i1 to i32
        %sign3A_623 = arith.subi %sign3A_619, %sign3A_622 : i32
        %sign3A_624 = arith.constant 0 : i32
        %sign3A_625 = arith.cmpi sgt, %jit3A_615, %sign3A_624 : i32
        %sign3A_626 = arith.extui %sign3A_625 : i1 to i32
        %sign3A_627 = arith.constant 0 : i32
        %sign3A_628 = arith.cmpi slt, %jit3A_615, %sign3A_627 : i32
        %sign3A_629 = arith.extui %sign3A_628 : i1 to i32
        %sign3A_630 = arith.subi %sign3A_626, %sign3A_629 : i32
        %ne3A_631 = arith.cmpi ne, %sign3A_623, %sign3A_630 : i32
        %rem3A_632 = arith.remsi %add3A_614, %jit3A_615 : i32
        %ne3A_633 = arith.constant 0 : i32
        %ne3A_634 = arith.cmpi ne, %rem3A_632, %ne3A_633 : i32
        %and3A_635 = arith.andi %ne3A_631, %ne3A_634 : i1
        %sub3A_636 = arith.constant 1 : i32
        %sub3A_637 = arith.subi %div3A_616, %sub3A_636 : i32
        %select_n3A_638 = arith.select %and3A_635, %sub3A_637, %div3A_616 : i32
        %jit3A_639 = arith.constant 4 : i32
        %eq3A_640 = arith.constant 0 : i32
        %eq3A_641 = arith.cmpi eq, %jit3A_639, %eq3A_640 : i32
        %jit3A_642 = arith.constant 1 : i32
        %select_n3A_643 = arith.select %eq3A_641, %jit3A_642, %jit3A_639 : i32
        %rem3A_644 = arith.remsi %add3A_614, %select_n3A_643 : i32
        %ne3A_645 = arith.constant 0 : i32
        %ne3A_646 = arith.cmpi ne, %rem3A_644, %ne3A_645 : i32
        %lt3A_647 = arith.constant 0 : i32
        %lt3A_648 = arith.cmpi slt, %rem3A_644, %lt3A_647 : i32
        %lt3A_649 = arith.constant 0 : i32
        %lt3A_650 = arith.cmpi slt, %select_n3A_643, %lt3A_649 : i32
        %ne3A_651 = arith.xori %lt3A_648, %lt3A_650 : i1
        %and3A_652 = arith.andi %ne3A_651, %ne3A_646 : i1
        %add3A_653 = arith.addi %rem3A_644, %select_n3A_643 : i32
        %select_n3A_654 = arith.select %and3A_652, %add3A_653, %rem3A_644 : i32
        %mul3A_655 = arith.constant 32 : i32
        %mul3A_656 = arith.muli %select_n3A_654, %mul3A_655 : i32
        %dma_start3A_657 = tpu.memref_slice %arg5[%select_n3A_638, %mul3A_656] : memref<148x128xi32, #tpu.memory_space<vmem>> -> memref<1x32xi32, #tpu.memory_space<vmem>>
        %dma_start3A_658 = tpu.memref_squeeze %dma_start3A_657 : memref<1x32xi32, #tpu.memory_space<vmem>> -> memref<32xi32, #tpu.memory_space<vmem>>
        %dma_start3A_659 = arith.constant 0 : i32
        %dma_start3A_660 = arith.constant 0 : i32
        %dma_start3A_661 = tpu.memref_slice %arg2[%dma_start3A_659, %dma_start3A_660] : memref<34048x384xf32, #tpu.memory_space<hbm>> -> memref<34048x384xf32, #tpu.memory_space<hbm>>
        tpu.enqueue_indirect_dma source(%dma_start3A_661 : memref<34048x384xf32, #tpu.memory_space<hbm>>) target(%arg6 : memref<32x384xf32, #tpu.memory_space<vmem>>) offsets(%dma_start3A_658 : memref<32xi32, #tpu.memory_space<vmem>>) semaphore(%arg14 : memref<!tpu.dma_semaphore, #tpu.memory_space<semaphore_mem>>)
      } else {
      }
      %mul3A_224 = arith.constant 8 : i32
      %mul3A_225 = arith.muli %scan3A_110, %mul3A_224 : i32
      %add3A_226 = arith.constant 2 : i32
      %add3A_227 = arith.addi %mul3A_225, %add3A_226 : i32
      %jit3A_228 = arith.constant 4 : i32
      %div3A_229 = arith.divsi %add3A_227, %jit3A_228 : i32
      %sign3A_230 = arith.constant 0 : i32
      %sign3A_231 = arith.cmpi sgt, %add3A_227, %sign3A_230 : i32
      %sign3A_232 = arith.extui %sign3A_231 : i1 to i32
      %sign3A_233 = arith.constant 0 : i32
      %sign3A_234 = arith.cmpi slt, %add3A_227, %sign3A_233 : i32
      %sign3A_235 = arith.extui %sign3A_234 : i1 to i32
      %sign3A_236 = arith.subi %sign3A_232, %sign3A_235 : i32
      %sign3A_237 = arith.constant 0 : i32
      %sign3A_238 = arith.cmpi sgt, %jit3A_228, %sign3A_237 : i32
      %sign3A_239 = arith.extui %sign3A_238 : i1 to i32
      %sign3A_240 = arith.constant 0 : i32
      %sign3A_241 = arith.cmpi slt, %jit3A_228, %sign3A_240 : i32
      %sign3A_242 = arith.extui %sign3A_241 : i1 to i32
      %sign3A_243 = arith.subi %sign3A_239, %sign3A_242 : i32
      %ne3A_244 = arith.cmpi ne, %sign3A_236, %sign3A_243 : i32
      %rem3A_245 = arith.remsi %add3A_227, %jit3A_228 : i32
      %ne3A_246 = arith.constant 0 : i32
      %ne3A_247 = arith.cmpi ne, %rem3A_245, %ne3A_246 : i32
      %and3A_248 = arith.andi %ne3A_244, %ne3A_247 : i1
      %sub3A_249 = arith.constant 1 : i32
      %sub3A_250 = arith.subi %div3A_229, %sub3A_249 : i32
      %select_n3A_251 = arith.select %and3A_248, %sub3A_250, %div3A_229 : i32
      %jit3A_252 = arith.constant 4 : i32
      %eq3A_253 = arith.constant 0 : i32
      %eq3A_254 = arith.cmpi eq, %jit3A_252, %eq3A_253 : i32
      %jit3A_255 = arith.constant 1 : i32
      %select_n3A_256 = arith.select %eq3A_254, %jit3A_255, %jit3A_252 : i32
      %rem3A_257 = arith.remsi %add3A_227, %select_n3A_256 : i32
      %ne3A_258 = arith.constant 0 : i32
      %ne3A_259 = arith.cmpi ne, %rem3A_257, %ne3A_258 : i32
      %lt3A_260 = arith.constant 0 : i32
      %lt3A_261 = arith.cmpi slt, %rem3A_257, %lt3A_260 : i32
      %lt3A_262 = arith.constant 0 : i32
      %lt3A_263 = arith.cmpi slt, %select_n3A_256, %lt3A_262 : i32
      %ne3A_264 = arith.xori %lt3A_261, %lt3A_263 : i1
      %and3A_265 = arith.andi %ne3A_264, %ne3A_259 : i1
      %add3A_266 = arith.addi %rem3A_257, %select_n3A_256 : i32
      %select_n3A_267 = arith.select %and3A_265, %add3A_266, %rem3A_257 : i32
      %mul3A_268 = arith.constant 32 : i32
      %mul3A_269 = arith.muli %select_n3A_267, %mul3A_268 : i32
      %dma_wait3A_270 = tpu.memref_slice %arg5[%select_n3A_251, %mul3A_269] : memref<148x128xi32, #tpu.memory_space<vmem>> -> memref<1x32xi32, #tpu.memory_space<vmem>>
      %dma_wait3A_271 = tpu.memref_squeeze %dma_wait3A_270 : memref<1x32xi32, #tpu.memory_space<vmem>> -> memref<32xi32, #tpu.memory_space<vmem>>
      %dma_wait3A_272 = arith.constant 0 : i32
      %dma_wait3A_273 = arith.constant 0 : i32
      %dma_wait3A_274 = tpu.memref_slice %arg2[%dma_wait3A_272, %dma_wait3A_273] : memref<34048x384xf32, #tpu.memory_space<hbm>> -> memref<34048x384xf32, #tpu.memory_space<hbm>>
      tpu.wait_indirect_dma semaphore(%arg16 : memref<!tpu.dma_semaphore, #tpu.memory_space<semaphore_mem>>) src(%dma_wait3A_274 : memref<34048x384xf32, #tpu.memory_space<hbm>>) dst(%arg8 : memref<32x384xf32, #tpu.memory_space<vmem>>)
      %mul3A_275 = arith.constant 32 : i32
      %mul3A_276 = arith.muli %add3A_227, %mul3A_275 : i32
      %add3A_277 = arith.addi %mul3A_2, %mul3A_276 : i32
      %dma_start3A_278 = arith.constant 0 : i32
      %dma_start3A_279 = tpu.memref_slice %arg4[%add3A_277, %dma_start3A_278] : memref<606208x384xf32, #tpu.memory_space<hbm>> -> memref<32x384xf32, #tpu.memory_space<hbm>>
      %dma_start3A_280 = arith.constant 0 : i32
      %dma_start3A_281 = tpu.memref_slice %arg4[%add3A_277, %dma_start3A_280] : memref<606208x384xf32, #tpu.memory_space<hbm>> -> memref<32x384xf32, #tpu.memory_space<hbm>>
      tpu.enqueue_dma source(%arg8 : memref<32x384xf32, #tpu.memory_space<vmem>>) target(%dma_start3A_281 : memref<32x384xf32, #tpu.memory_space<hbm>>) target_semaphore(%arg24 : memref<!tpu.dma_semaphore, #tpu.memory_space<semaphore_mem>>)
      %lt3A_282 = arith.constant 73 : i32
      %lt3A_283 = arith.cmpi slt, %scan3A_110, %lt3A_282 : i32
      %convert_element_type3A_284 = arith.extui %lt3A_283 : i1 to i32
      %cond3A_285 = arith.constant 0 : i32
      %cond3A_286 = arith.cmpi ne, %convert_element_type3A_284, %cond3A_285 : i32
      scf.if %cond3A_286 {
        %sub3A_602 = arith.constant 1 : i32
        %sub3A_603 = arith.subi %add3A_227, %sub3A_602 : i32
        %mul3A_604 = arith.constant 32 : i32
        %mul3A_605 = arith.muli %sub3A_603, %mul3A_604 : i32
        %add3A_606 = arith.addi %mul3A_2, %mul3A_605 : i32
        %dma_wait3A_607 = arith.constant 0 : i32
        %dma_wait3A_608 = tpu.memref_slice %arg4[%add3A_606, %dma_wait3A_607] : memref<606208x384xf32, #tpu.memory_space<hbm>> -> memref<32x384xf32, #tpu.memory_space<hbm>>
        %dma_wait3A_609 = arith.constant 0 : i32
        %dma_wait3A_610 = tpu.memref_slice %arg4[%add3A_606, %dma_wait3A_609] : memref<606208x384xf32, #tpu.memory_space<hbm>> -> memref<32x384xf32, #tpu.memory_space<hbm>>
        tpu.wait_dma2 semaphore(%arg23 : memref<!tpu.dma_semaphore, #tpu.memory_space<semaphore_mem>>) src(%arg7 : memref<32x384xf32, #tpu.memory_space<vmem>>) dst(%dma_wait3A_610 : memref<32x384xf32, #tpu.memory_space<hbm>>)
        %sub3A_611 = arith.constant 1 : i32
        %sub3A_612 = arith.subi %add3A_227, %sub3A_611 : i32
        %add3A_613 = arith.constant 8 : i32
        %add3A_614 = arith.addi %sub3A_612, %add3A_613 : i32
        %jit3A_615 = arith.constant 4 : i32
        %div3A_616 = arith.divsi %add3A_614, %jit3A_615 : i32
        %sign3A_617 = arith.constant 0 : i32
        %sign3A_618 = arith.cmpi sgt, %add3A_614, %sign3A_617 : i32
        %sign3A_619 = arith.extui %sign3A_618 : i1 to i32
        %sign3A_620 = arith.constant 0 : i32
        %sign3A_621 = arith.cmpi slt, %add3A_614, %sign3A_620 : i32
        %sign3A_622 = arith.extui %sign3A_621 : i1 to i32
        %sign3A_623 = arith.subi %sign3A_619, %sign3A_622 : i32
        %sign3A_624 = arith.constant 0 : i32
        %sign3A_625 = arith.cmpi sgt, %jit3A_615, %sign3A_624 : i32
        %sign3A_626 = arith.extui %sign3A_625 : i1 to i32
        %sign3A_627 = arith.constant 0 : i32
        %sign3A_628 = arith.cmpi slt, %jit3A_615, %sign3A_627 : i32
        %sign3A_629 = arith.extui %sign3A_628 : i1 to i32
        %sign3A_630 = arith.subi %sign3A_626, %sign3A_629 : i32
        %ne3A_631 = arith.cmpi ne, %sign3A_623, %sign3A_630 : i32
        %rem3A_632 = arith.remsi %add3A_614, %jit3A_615 : i32
        %ne3A_633 = arith.constant 0 : i32
        %ne3A_634 = arith.cmpi ne, %rem3A_632, %ne3A_633 : i32
        %and3A_635 = arith.andi %ne3A_631, %ne3A_634 : i1
        %sub3A_636 = arith.constant 1 : i32
        %sub3A_637 = arith.subi %div3A_616, %sub3A_636 : i32
        %select_n3A_638 = arith.select %and3A_635, %sub3A_637, %div3A_616 : i32
        %jit3A_639 = arith.constant 4 : i32
        %eq3A_640 = arith.constant 0 : i32
        %eq3A_641 = arith.cmpi eq, %jit3A_639, %eq3A_640 : i32
        %jit3A_642 = arith.constant 1 : i32
        %select_n3A_643 = arith.select %eq3A_641, %jit3A_642, %jit3A_639 : i32
        %rem3A_644 = arith.remsi %add3A_614, %select_n3A_643 : i32
        %ne3A_645 = arith.constant 0 : i32
        %ne3A_646 = arith.cmpi ne, %rem3A_644, %ne3A_645 : i32
        %lt3A_647 = arith.constant 0 : i32
        %lt3A_648 = arith.cmpi slt, %rem3A_644, %lt3A_647 : i32
        %lt3A_649 = arith.constant 0 : i32
        %lt3A_650 = arith.cmpi slt, %select_n3A_643, %lt3A_649 : i32
        %ne3A_651 = arith.xori %lt3A_648, %lt3A_650 : i1
        %and3A_652 = arith.andi %ne3A_651, %ne3A_646 : i1
        %add3A_653 = arith.addi %rem3A_644, %select_n3A_643 : i32
        %select_n3A_654 = arith.select %and3A_652, %add3A_653, %rem3A_644 : i32
        %mul3A_655 = arith.constant 32 : i32
        %mul3A_656 = arith.muli %select_n3A_654, %mul3A_655 : i32
        %dma_start3A_657 = tpu.memref_slice %arg5[%select_n3A_638, %mul3A_656] : memref<148x128xi32, #tpu.memory_space<vmem>> -> memref<1x32xi32, #tpu.memory_space<vmem>>
        %dma_start3A_658 = tpu.memref_squeeze %dma_start3A_657 : memref<1x32xi32, #tpu.memory_space<vmem>> -> memref<32xi32, #tpu.memory_space<vmem>>
        %dma_start3A_659 = arith.constant 0 : i32
        %dma_start3A_660 = arith.constant 0 : i32
        %dma_start3A_661 = tpu.memref_slice %arg2[%dma_start3A_659, %dma_start3A_660] : memref<34048x384xf32, #tpu.memory_space<hbm>> -> memref<34048x384xf32, #tpu.memory_space<hbm>>
        tpu.enqueue_indirect_dma source(%dma_start3A_661 : memref<34048x384xf32, #tpu.memory_space<hbm>>) target(%arg7 : memref<32x384xf32, #tpu.memory_space<vmem>>) offsets(%dma_start3A_658 : memref<32xi32, #tpu.memory_space<vmem>>) semaphore(%arg15 : memref<!tpu.dma_semaphore, #tpu.memory_space<semaphore_mem>>)
      } else {
      }
      %mul3A_287 = arith.constant 8 : i32
      %mul3A_288 = arith.muli %scan3A_110, %mul3A_287 : i32
      %add3A_289 = arith.constant 3 : i32
      %add3A_290 = arith.addi %mul3A_288, %add3A_289 : i32
      %jit3A_291 = arith.constant 4 : i32
      %div3A_292 = arith.divsi %add3A_290, %jit3A_291 : i32
      %sign3A_293 = arith.constant 0 : i32
      %sign3A_294 = arith.cmpi sgt, %add3A_290, %sign3A_293 : i32
      %sign3A_295 = arith.extui %sign3A_294 : i1 to i32
      %sign3A_296 = arith.constant 0 : i32
      %sign3A_297 = arith.cmpi slt, %add3A_290, %sign3A_296 : i32
      %sign3A_298 = arith.extui %sign3A_297 : i1 to i32
      %sign3A_299 = arith.subi %sign3A_295, %sign3A_298 : i32
      %sign3A_300 = arith.constant 0 : i32
      %sign3A_301 = arith.cmpi sgt, %jit3A_291, %sign3A_300 : i32
      %sign3A_302 = arith.extui %sign3A_301 : i1 to i32
      %sign3A_303 = arith.constant 0 : i32
      %sign3A_304 = arith.cmpi slt, %jit3A_291, %sign3A_303 : i32
      %sign3A_305 = arith.extui %sign3A_304 : i1 to i32
      %sign3A_306 = arith.subi %sign3A_302, %sign3A_305 : i32
      %ne3A_307 = arith.cmpi ne, %sign3A_299, %sign3A_306 : i32
      %rem3A_308 = arith.remsi %add3A_290, %jit3A_291 : i32
      %ne3A_309 = arith.constant 0 : i32
      %ne3A_310 = arith.cmpi ne, %rem3A_308, %ne3A_309 : i32
      %and3A_311 = arith.andi %ne3A_307, %ne3A_310 : i1
      %sub3A_312 = arith.constant 1 : i32
      %sub3A_313 = arith.subi %div3A_292, %sub3A_312 : i32
      %select_n3A_314 = arith.select %and3A_311, %sub3A_313, %div3A_292 : i32
      %jit3A_315 = arith.constant 4 : i32
      %eq3A_316 = arith.constant 0 : i32
      %eq3A_317 = arith.cmpi eq, %jit3A_315, %eq3A_316 : i32
      %jit3A_318 = arith.constant 1 : i32
      %select_n3A_319 = arith.select %eq3A_317, %jit3A_318, %jit3A_315 : i32
      %rem3A_320 = arith.remsi %add3A_290, %select_n3A_319 : i32
      %ne3A_321 = arith.constant 0 : i32
      %ne3A_322 = arith.cmpi ne, %rem3A_320, %ne3A_321 : i32
      %lt3A_323 = arith.constant 0 : i32
      %lt3A_324 = arith.cmpi slt, %rem3A_320, %lt3A_323 : i32
      %lt3A_325 = arith.constant 0 : i32
      %lt3A_326 = arith.cmpi slt, %select_n3A_319, %lt3A_325 : i32
      %ne3A_327 = arith.xori %lt3A_324, %lt3A_326 : i1
      %and3A_328 = arith.andi %ne3A_327, %ne3A_322 : i1
      %add3A_329 = arith.addi %rem3A_320, %select_n3A_319 : i32
      %select_n3A_330 = arith.select %and3A_328, %add3A_329, %rem3A_320 : i32
      %mul3A_331 = arith.constant 32 : i32
      %mul3A_332 = arith.muli %select_n3A_330, %mul3A_331 : i32
      %dma_wait3A_333 = tpu.memref_slice %arg5[%select_n3A_314, %mul3A_332] : memref<148x128xi32, #tpu.memory_space<vmem>> -> memref<1x32xi32, #tpu.memory_space<vmem>>
      %dma_wait3A_334 = tpu.memref_squeeze %dma_wait3A_333 : memref<1x32xi32, #tpu.memory_space<vmem>> -> memref<32xi32, #tpu.memory_space<vmem>>
      %dma_wait3A_335 = arith.constant 0 : i32
      %dma_wait3A_336 = arith.constant 0 : i32
      %dma_wait3A_337 = tpu.memref_slice %arg2[%dma_wait3A_335, %dma_wait3A_336] : memref<34048x384xf32, #tpu.memory_space<hbm>> -> memref<34048x384xf32, #tpu.memory_space<hbm>>
      tpu.wait_indirect_dma semaphore(%arg17 : memref<!tpu.dma_semaphore, #tpu.memory_space<semaphore_mem>>) src(%dma_wait3A_337 : memref<34048x384xf32, #tpu.memory_space<hbm>>) dst(%arg9 : memref<32x384xf32, #tpu.memory_space<vmem>>)
      %mul3A_338 = arith.constant 32 : i32
      %mul3A_339 = arith.muli %add3A_290, %mul3A_338 : i32
      %add3A_340 = arith.addi %mul3A_2, %mul3A_339 : i32
      %dma_start3A_341 = arith.constant 0 : i32
      %dma_start3A_342 = tpu.memref_slice %arg4[%add3A_340, %dma_start3A_341] : memref<606208x384xf32, #tpu.memory_space<hbm>> -> memref<32x384xf32, #tpu.memory_space<hbm>>
      %dma_start3A_343 = arith.constant 0 : i32
      %dma_start3A_344 = tpu.memref_slice %arg4[%add3A_340, %dma_start3A_343] : memref<606208x384xf32, #tpu.memory_space<hbm>> -> memref<32x384xf32, #tpu.memory_space<hbm>>
      tpu.enqueue_dma source(%arg9 : memref<32x384xf32, #tpu.memory_space<vmem>>) target(%dma_start3A_344 : memref<32x384xf32, #tpu.memory_space<hbm>>) target_semaphore(%arg25 : memref<!tpu.dma_semaphore, #tpu.memory_space<semaphore_mem>>)
      %lt3A_345 = arith.constant 73 : i32
      %lt3A_346 = arith.cmpi slt, %scan3A_110, %lt3A_345 : i32
      %convert_element_type3A_347 = arith.extui %lt3A_346 : i1 to i32
      %cond3A_348 = arith.constant 0 : i32
      %cond3A_349 = arith.cmpi ne, %convert_element_type3A_347, %cond3A_348 : i32
      scf.if %cond3A_349 {
        %sub3A_602 = arith.constant 1 : i32
        %sub3A_603 = arith.subi %add3A_290, %sub3A_602 : i32
        %mul3A_604 = arith.constant 32 : i32
        %mul3A_605 = arith.muli %sub3A_603, %mul3A_604 : i32
        %add3A_606 = arith.addi %mul3A_2, %mul3A_605 : i32
        %dma_wait3A_607 = arith.constant 0 : i32
        %dma_wait3A_608 = tpu.memref_slice %arg4[%add3A_606, %dma_wait3A_607] : memref<606208x384xf32, #tpu.memory_space<hbm>> -> memref<32x384xf32, #tpu.memory_space<hbm>>
        %dma_wait3A_609 = arith.constant 0 : i32
        %dma_wait3A_610 = tpu.memref_slice %arg4[%add3A_606, %dma_wait3A_609] : memref<606208x384xf32, #tpu.memory_space<hbm>> -> memref<32x384xf32, #tpu.memory_space<hbm>>
        tpu.wait_dma2 semaphore(%arg24 : memref<!tpu.dma_semaphore, #tpu.memory_space<semaphore_mem>>) src(%arg8 : memref<32x384xf32, #tpu.memory_space<vmem>>) dst(%dma_wait3A_610 : memref<32x384xf32, #tpu.memory_space<hbm>>)
        %sub3A_611 = arith.constant 1 : i32
        %sub3A_612 = arith.subi %add3A_290, %sub3A_611 : i32
        %add3A_613 = arith.constant 8 : i32
        %add3A_614 = arith.addi %sub3A_612, %add3A_613 : i32
        %jit3A_615 = arith.constant 4 : i32
        %div3A_616 = arith.divsi %add3A_614, %jit3A_615 : i32
        %sign3A_617 = arith.constant 0 : i32
        %sign3A_618 = arith.cmpi sgt, %add3A_614, %sign3A_617 : i32
        %sign3A_619 = arith.extui %sign3A_618 : i1 to i32
        %sign3A_620 = arith.constant 0 : i32
        %sign3A_621 = arith.cmpi slt, %add3A_614, %sign3A_620 : i32
        %sign3A_622 = arith.extui %sign3A_621 : i1 to i32
        %sign3A_623 = arith.subi %sign3A_619, %sign3A_622 : i32
        %sign3A_624 = arith.constant 0 : i32
        %sign3A_625 = arith.cmpi sgt, %jit3A_615, %sign3A_624 : i32
        %sign3A_626 = arith.extui %sign3A_625 : i1 to i32
        %sign3A_627 = arith.constant 0 : i32
        %sign3A_628 = arith.cmpi slt, %jit3A_615, %sign3A_627 : i32
        %sign3A_629 = arith.extui %sign3A_628 : i1 to i32
        %sign3A_630 = arith.subi %sign3A_626, %sign3A_629 : i32
        %ne3A_631 = arith.cmpi ne, %sign3A_623, %sign3A_630 : i32
        %rem3A_632 = arith.remsi %add3A_614, %jit3A_615 : i32
        %ne3A_633 = arith.constant 0 : i32
        %ne3A_634 = arith.cmpi ne, %rem3A_632, %ne3A_633 : i32
        %and3A_635 = arith.andi %ne3A_631, %ne3A_634 : i1
        %sub3A_636 = arith.constant 1 : i32
        %sub3A_637 = arith.subi %div3A_616, %sub3A_636 : i32
        %select_n3A_638 = arith.select %and3A_635, %sub3A_637, %div3A_616 : i32
        %jit3A_639 = arith.constant 4 : i32
        %eq3A_640 = arith.constant 0 : i32
        %eq3A_641 = arith.cmpi eq, %jit3A_639, %eq3A_640 : i32
        %jit3A_642 = arith.constant 1 : i32
        %select_n3A_643 = arith.select %eq3A_641, %jit3A_642, %jit3A_639 : i32
        %rem3A_644 = arith.remsi %add3A_614, %select_n3A_643 : i32
        %ne3A_645 = arith.constant 0 : i32
        %ne3A_646 = arith.cmpi ne, %rem3A_644, %ne3A_645 : i32
        %lt3A_647 = arith.constant 0 : i32
        %lt3A_648 = arith.cmpi slt, %rem3A_644, %lt3A_647 : i32
        %lt3A_649 = arith.constant 0 : i32
        %lt3A_650 = arith.cmpi slt, %select_n3A_643, %lt3A_649 : i32
        %ne3A_651 = arith.xori %lt3A_648, %lt3A_650 : i1
        %and3A_652 = arith.andi %ne3A_651, %ne3A_646 : i1
        %add3A_653 = arith.addi %rem3A_644, %select_n3A_643 : i32
        %select_n3A_654 = arith.select %and3A_652, %add3A_653, %rem3A_644 : i32
        %mul3A_655 = arith.constant 32 : i32
        %mul3A_656 = arith.muli %select_n3A_654, %mul3A_655 : i32
        %dma_start3A_657 = tpu.memref_slice %arg5[%select_n3A_638, %mul3A_656] : memref<148x128xi32, #tpu.memory_space<vmem>> -> memref<1x32xi32, #tpu.memory_space<vmem>>
        %dma_start3A_658 = tpu.memref_squeeze %dma_start3A_657 : memref<1x32xi32, #tpu.memory_space<vmem>> -> memref<32xi32, #tpu.memory_space<vmem>>
        %dma_start3A_659 = arith.constant 0 : i32
        %dma_start3A_660 = arith.constant 0 : i32
        %dma_start3A_661 = tpu.memref_slice %arg2[%dma_start3A_659, %dma_start3A_660] : memref<34048x384xf32, #tpu.memory_space<hbm>> -> memref<34048x384xf32, #tpu.memory_space<hbm>>
        tpu.enqueue_indirect_dma source(%dma_start3A_661 : memref<34048x384xf32, #tpu.memory_space<hbm>>) target(%arg8 : memref<32x384xf32, #tpu.memory_space<vmem>>) offsets(%dma_start3A_658 : memref<32xi32, #tpu.memory_space<vmem>>) semaphore(%arg16 : memref<!tpu.dma_semaphore, #tpu.memory_space<semaphore_mem>>)
      } else {
      }
      %mul3A_350 = arith.constant 8 : i32
      %mul3A_351 = arith.muli %scan3A_110, %mul3A_350 : i32
      %add3A_352 = arith.constant 4 : i32
      %add3A_353 = arith.addi %mul3A_351, %add3A_352 : i32
      %jit3A_354 = arith.constant 4 : i32
      %div3A_355 = arith.divsi %add3A_353, %jit3A_354 : i32
      %sign3A_356 = arith.constant 0 : i32
      %sign3A_357 = arith.cmpi sgt, %add3A_353, %sign3A_356 : i32
      %sign3A_358 = arith.extui %sign3A_357 : i1 to i32
      %sign3A_359 = arith.constant 0 : i32
      %sign3A_360 = arith.cmpi slt, %add3A_353, %sign3A_359 : i32
      %sign3A_361 = arith.extui %sign3A_360 : i1 to i32
      %sign3A_362 = arith.subi %sign3A_358, %sign3A_361 : i32
      %sign3A_363 = arith.constant 0 : i32
      %sign3A_364 = arith.cmpi sgt, %jit3A_354, %sign3A_363 : i32
      %sign3A_365 = arith.extui %sign3A_364 : i1 to i32
      %sign3A_366 = arith.constant 0 : i32
      %sign3A_367 = arith.cmpi slt, %jit3A_354, %sign3A_366 : i32
      %sign3A_368 = arith.extui %sign3A_367 : i1 to i32
      %sign3A_369 = arith.subi %sign3A_365, %sign3A_368 : i32
      %ne3A_370 = arith.cmpi ne, %sign3A_362, %sign3A_369 : i32
      %rem3A_371 = arith.remsi %add3A_353, %jit3A_354 : i32
      %ne3A_372 = arith.constant 0 : i32
      %ne3A_373 = arith.cmpi ne, %rem3A_371, %ne3A_372 : i32
      %and3A_374 = arith.andi %ne3A_370, %ne3A_373 : i1
      %sub3A_375 = arith.constant 1 : i32
      %sub3A_376 = arith.subi %div3A_355, %sub3A_375 : i32
      %select_n3A_377 = arith.select %and3A_374, %sub3A_376, %div3A_355 : i32
      %jit3A_378 = arith.constant 4 : i32
      %eq3A_379 = arith.constant 0 : i32
      %eq3A_380 = arith.cmpi eq, %jit3A_378, %eq3A_379 : i32
      %jit3A_381 = arith.constant 1 : i32
      %select_n3A_382 = arith.select %eq3A_380, %jit3A_381, %jit3A_378 : i32
      %rem3A_383 = arith.remsi %add3A_353, %select_n3A_382 : i32
      %ne3A_384 = arith.constant 0 : i32
      %ne3A_385 = arith.cmpi ne, %rem3A_383, %ne3A_384 : i32
      %lt3A_386 = arith.constant 0 : i32
      %lt3A_387 = arith.cmpi slt, %rem3A_383, %lt3A_386 : i32
      %lt3A_388 = arith.constant 0 : i32
      %lt3A_389 = arith.cmpi slt, %select_n3A_382, %lt3A_388 : i32
      %ne3A_390 = arith.xori %lt3A_387, %lt3A_389 : i1
      %and3A_391 = arith.andi %ne3A_390, %ne3A_385 : i1
      %add3A_392 = arith.addi %rem3A_383, %select_n3A_382 : i32
      %select_n3A_393 = arith.select %and3A_391, %add3A_392, %rem3A_383 : i32
      %mul3A_394 = arith.constant 32 : i32
      %mul3A_395 = arith.muli %select_n3A_393, %mul3A_394 : i32
      %dma_wait3A_396 = tpu.memref_slice %arg5[%select_n3A_377, %mul3A_395] : memref<148x128xi32, #tpu.memory_space<vmem>> -> memref<1x32xi32, #tpu.memory_space<vmem>>
      %dma_wait3A_397 = tpu.memref_squeeze %dma_wait3A_396 : memref<1x32xi32, #tpu.memory_space<vmem>> -> memref<32xi32, #tpu.memory_space<vmem>>
      %dma_wait3A_398 = arith.constant 0 : i32
      %dma_wait3A_399 = arith.constant 0 : i32
      %dma_wait3A_400 = tpu.memref_slice %arg2[%dma_wait3A_398, %dma_wait3A_399] : memref<34048x384xf32, #tpu.memory_space<hbm>> -> memref<34048x384xf32, #tpu.memory_space<hbm>>
      tpu.wait_indirect_dma semaphore(%arg18 : memref<!tpu.dma_semaphore, #tpu.memory_space<semaphore_mem>>) src(%dma_wait3A_400 : memref<34048x384xf32, #tpu.memory_space<hbm>>) dst(%arg10 : memref<32x384xf32, #tpu.memory_space<vmem>>)
      %mul3A_401 = arith.constant 32 : i32
      %mul3A_402 = arith.muli %add3A_353, %mul3A_401 : i32
      %add3A_403 = arith.addi %mul3A_2, %mul3A_402 : i32
      %dma_start3A_404 = arith.constant 0 : i32
      %dma_start3A_405 = tpu.memref_slice %arg4[%add3A_403, %dma_start3A_404] : memref<606208x384xf32, #tpu.memory_space<hbm>> -> memref<32x384xf32, #tpu.memory_space<hbm>>
      %dma_start3A_406 = arith.constant 0 : i32
      %dma_start3A_407 = tpu.memref_slice %arg4[%add3A_403, %dma_start3A_406] : memref<606208x384xf32, #tpu.memory_space<hbm>> -> memref<32x384xf32, #tpu.memory_space<hbm>>
      tpu.enqueue_dma source(%arg10 : memref<32x384xf32, #tpu.memory_space<vmem>>) target(%dma_start3A_407 : memref<32x384xf32, #tpu.memory_space<hbm>>) target_semaphore(%arg26 : memref<!tpu.dma_semaphore, #tpu.memory_space<semaphore_mem>>)
      %lt3A_408 = arith.constant 73 : i32
      %lt3A_409 = arith.cmpi slt, %scan3A_110, %lt3A_408 : i32
      %convert_element_type3A_410 = arith.extui %lt3A_409 : i1 to i32
      %cond3A_411 = arith.constant 0 : i32
      %cond3A_412 = arith.cmpi ne, %convert_element_type3A_410, %cond3A_411 : i32
      scf.if %cond3A_412 {
        %sub3A_602 = arith.constant 1 : i32
        %sub3A_603 = arith.subi %add3A_353, %sub3A_602 : i32
        %mul3A_604 = arith.constant 32 : i32
        %mul3A_605 = arith.muli %sub3A_603, %mul3A_604 : i32
        %add3A_606 = arith.addi %mul3A_2, %mul3A_605 : i32
        %dma_wait3A_607 = arith.constant 0 : i32
        %dma_wait3A_608 = tpu.memref_slice %arg4[%add3A_606, %dma_wait3A_607] : memref<606208x384xf32, #tpu.memory_space<hbm>> -> memref<32x384xf32, #tpu.memory_space<hbm>>
        %dma_wait3A_609 = arith.constant 0 : i32
        %dma_wait3A_610 = tpu.memref_slice %arg4[%add3A_606, %dma_wait3A_609] : memref<606208x384xf32, #tpu.memory_space<hbm>> -> memref<32x384xf32, #tpu.memory_space<hbm>>
        tpu.wait_dma2 semaphore(%arg25 : memref<!tpu.dma_semaphore, #tpu.memory_space<semaphore_mem>>) src(%arg9 : memref<32x384xf32, #tpu.memory_space<vmem>>) dst(%dma_wait3A_610 : memref<32x384xf32, #tpu.memory_space<hbm>>)
        %sub3A_611 = arith.constant 1 : i32
        %sub3A_612 = arith.subi %add3A_353, %sub3A_611 : i32
        %add3A_613 = arith.constant 8 : i32
        %add3A_614 = arith.addi %sub3A_612, %add3A_613 : i32
        %jit3A_615 = arith.constant 4 : i32
        %div3A_616 = arith.divsi %add3A_614, %jit3A_615 : i32
        %sign3A_617 = arith.constant 0 : i32
        %sign3A_618 = arith.cmpi sgt, %add3A_614, %sign3A_617 : i32
        %sign3A_619 = arith.extui %sign3A_618 : i1 to i32
        %sign3A_620 = arith.constant 0 : i32
        %sign3A_621 = arith.cmpi slt, %add3A_614, %sign3A_620 : i32
        %sign3A_622 = arith.extui %sign3A_621 : i1 to i32
        %sign3A_623 = arith.subi %sign3A_619, %sign3A_622 : i32
        %sign3A_624 = arith.constant 0 : i32
        %sign3A_625 = arith.cmpi sgt, %jit3A_615, %sign3A_624 : i32
        %sign3A_626 = arith.extui %sign3A_625 : i1 to i32
        %sign3A_627 = arith.constant 0 : i32
        %sign3A_628 = arith.cmpi slt, %jit3A_615, %sign3A_627 : i32
        %sign3A_629 = arith.extui %sign3A_628 : i1 to i32
        %sign3A_630 = arith.subi %sign3A_626, %sign3A_629 : i32
        %ne3A_631 = arith.cmpi ne, %sign3A_623, %sign3A_630 : i32
        %rem3A_632 = arith.remsi %add3A_614, %jit3A_615 : i32
        %ne3A_633 = arith.constant 0 : i32
        %ne3A_634 = arith.cmpi ne, %rem3A_632, %ne3A_633 : i32
        %and3A_635 = arith.andi %ne3A_631, %ne3A_634 : i1
        %sub3A_636 = arith.constant 1 : i32
        %sub3A_637 = arith.subi %div3A_616, %sub3A_636 : i32
        %select_n3A_638 = arith.select %and3A_635, %sub3A_637, %div3A_616 : i32
        %jit3A_639 = arith.constant 4 : i32
        %eq3A_640 = arith.constant 0 : i32
        %eq3A_641 = arith.cmpi eq, %jit3A_639, %eq3A_640 : i32
        %jit3A_642 = arith.constant 1 : i32
        %select_n3A_643 = arith.select %eq3A_641, %jit3A_642, %jit3A_639 : i32
        %rem3A_644 = arith.remsi %add3A_614, %select_n3A_643 : i32
        %ne3A_645 = arith.constant 0 : i32
        %ne3A_646 = arith.cmpi ne, %rem3A_644, %ne3A_645 : i32
        %lt3A_647 = arith.constant 0 : i32
        %lt3A_648 = arith.cmpi slt, %rem3A_644, %lt3A_647 : i32
        %lt3A_649 = arith.constant 0 : i32
        %lt3A_650 = arith.cmpi slt, %select_n3A_643, %lt3A_649 : i32
        %ne3A_651 = arith.xori %lt3A_648, %lt3A_650 : i1
        %and3A_652 = arith.andi %ne3A_651, %ne3A_646 : i1
        %add3A_653 = arith.addi %rem3A_644, %select_n3A_643 : i32
        %select_n3A_654 = arith.select %and3A_652, %add3A_653, %rem3A_644 : i32
        %mul3A_655 = arith.constant 32 : i32
        %mul3A_656 = arith.muli %select_n3A_654, %mul3A_655 : i32
        %dma_start3A_657 = tpu.memref_slice %arg5[%select_n3A_638, %mul3A_656] : memref<148x128xi32, #tpu.memory_space<vmem>> -> memref<1x32xi32, #tpu.memory_space<vmem>>
        %dma_start3A_658 = tpu.memref_squeeze %dma_start3A_657 : memref<1x32xi32, #tpu.memory_space<vmem>> -> memref<32xi32, #tpu.memory_space<vmem>>
        %dma_start3A_659 = arith.constant 0 : i32
        %dma_start3A_660 = arith.constant 0 : i32
        %dma_start3A_661 = tpu.memref_slice %arg2[%dma_start3A_659, %dma_start3A_660] : memref<34048x384xf32, #tpu.memory_space<hbm>> -> memref<34048x384xf32, #tpu.memory_space<hbm>>
        tpu.enqueue_indirect_dma source(%dma_start3A_661 : memref<34048x384xf32, #tpu.memory_space<hbm>>) target(%arg9 : memref<32x384xf32, #tpu.memory_space<vmem>>) offsets(%dma_start3A_658 : memref<32xi32, #tpu.memory_space<vmem>>) semaphore(%arg17 : memref<!tpu.dma_semaphore, #tpu.memory_space<semaphore_mem>>)
      } else {
      }
      %mul3A_413 = arith.constant 8 : i32
      %mul3A_414 = arith.muli %scan3A_110, %mul3A_413 : i32
      %add3A_415 = arith.constant 5 : i32
      %add3A_416 = arith.addi %mul3A_414, %add3A_415 : i32
      %jit3A_417 = arith.constant 4 : i32
      %div3A_418 = arith.divsi %add3A_416, %jit3A_417 : i32
      %sign3A_419 = arith.constant 0 : i32
      %sign3A_420 = arith.cmpi sgt, %add3A_416, %sign3A_419 : i32
      %sign3A_421 = arith.extui %sign3A_420 : i1 to i32
      %sign3A_422 = arith.constant 0 : i32
      %sign3A_423 = arith.cmpi slt, %add3A_416, %sign3A_422 : i32
      %sign3A_424 = arith.extui %sign3A_423 : i1 to i32
      %sign3A_425 = arith.subi %sign3A_421, %sign3A_424 : i32
      %sign3A_426 = arith.constant 0 : i32
      %sign3A_427 = arith.cmpi sgt, %jit3A_417, %sign3A_426 : i32
      %sign3A_428 = arith.extui %sign3A_427 : i1 to i32
      %sign3A_429 = arith.constant 0 : i32
      %sign3A_430 = arith.cmpi slt, %jit3A_417, %sign3A_429 : i32
      %sign3A_431 = arith.extui %sign3A_430 : i1 to i32
      %sign3A_432 = arith.subi %sign3A_428, %sign3A_431 : i32
      %ne3A_433 = arith.cmpi ne, %sign3A_425, %sign3A_432 : i32
      %rem3A_434 = arith.remsi %add3A_416, %jit3A_417 : i32
      %ne3A_435 = arith.constant 0 : i32
      %ne3A_436 = arith.cmpi ne, %rem3A_434, %ne3A_435 : i32
      %and3A_437 = arith.andi %ne3A_433, %ne3A_436 : i1
      %sub3A_438 = arith.constant 1 : i32
      %sub3A_439 = arith.subi %div3A_418, %sub3A_438 : i32
      %select_n3A_440 = arith.select %and3A_437, %sub3A_439, %div3A_418 : i32
      %jit3A_441 = arith.constant 4 : i32
      %eq3A_442 = arith.constant 0 : i32
      %eq3A_443 = arith.cmpi eq, %jit3A_441, %eq3A_442 : i32
      %jit3A_444 = arith.constant 1 : i32
      %select_n3A_445 = arith.select %eq3A_443, %jit3A_444, %jit3A_441 : i32
      %rem3A_446 = arith.remsi %add3A_416, %select_n3A_445 : i32
      %ne3A_447 = arith.constant 0 : i32
      %ne3A_448 = arith.cmpi ne, %rem3A_446, %ne3A_447 : i32
      %lt3A_449 = arith.constant 0 : i32
      %lt3A_450 = arith.cmpi slt, %rem3A_446, %lt3A_449 : i32
      %lt3A_451 = arith.constant 0 : i32
      %lt3A_452 = arith.cmpi slt, %select_n3A_445, %lt3A_451 : i32
      %ne3A_453 = arith.xori %lt3A_450, %lt3A_452 : i1
      %and3A_454 = arith.andi %ne3A_453, %ne3A_448 : i1
      %add3A_455 = arith.addi %rem3A_446, %select_n3A_445 : i32
      %select_n3A_456 = arith.select %and3A_454, %add3A_455, %rem3A_446 : i32
      %mul3A_457 = arith.constant 32 : i32
      %mul3A_458 = arith.muli %select_n3A_456, %mul3A_457 : i32
      %dma_wait3A_459 = tpu.memref_slice %arg5[%select_n3A_440, %mul3A_458] : memref<148x128xi32, #tpu.memory_space<vmem>> -> memref<1x32xi32, #tpu.memory_space<vmem>>
      %dma_wait3A_460 = tpu.memref_squeeze %dma_wait3A_459 : memref<1x32xi32, #tpu.memory_space<vmem>> -> memref<32xi32, #tpu.memory_space<vmem>>
      %dma_wait3A_461 = arith.constant 0 : i32
      %dma_wait3A_462 = arith.constant 0 : i32
      %dma_wait3A_463 = tpu.memref_slice %arg2[%dma_wait3A_461, %dma_wait3A_462] : memref<34048x384xf32, #tpu.memory_space<hbm>> -> memref<34048x384xf32, #tpu.memory_space<hbm>>
      tpu.wait_indirect_dma semaphore(%arg19 : memref<!tpu.dma_semaphore, #tpu.memory_space<semaphore_mem>>) src(%dma_wait3A_463 : memref<34048x384xf32, #tpu.memory_space<hbm>>) dst(%arg11 : memref<32x384xf32, #tpu.memory_space<vmem>>)
      %mul3A_464 = arith.constant 32 : i32
      %mul3A_465 = arith.muli %add3A_416, %mul3A_464 : i32
      %add3A_466 = arith.addi %mul3A_2, %mul3A_465 : i32
      %dma_start3A_467 = arith.constant 0 : i32
      %dma_start3A_468 = tpu.memref_slice %arg4[%add3A_466, %dma_start3A_467] : memref<606208x384xf32, #tpu.memory_space<hbm>> -> memref<32x384xf32, #tpu.memory_space<hbm>>
      %dma_start3A_469 = arith.constant 0 : i32
      %dma_start3A_470 = tpu.memref_slice %arg4[%add3A_466, %dma_start3A_469] : memref<606208x384xf32, #tpu.memory_space<hbm>> -> memref<32x384xf32, #tpu.memory_space<hbm>>
      tpu.enqueue_dma source(%arg11 : memref<32x384xf32, #tpu.memory_space<vmem>>) target(%dma_start3A_470 : memref<32x384xf32, #tpu.memory_space<hbm>>) target_semaphore(%arg27 : memref<!tpu.dma_semaphore, #tpu.memory_space<semaphore_mem>>)
      %lt3A_471 = arith.constant 73 : i32
      %lt3A_472 = arith.cmpi slt, %scan3A_110, %lt3A_471 : i32
      %convert_element_type3A_473 = arith.extui %lt3A_472 : i1 to i32
      %cond3A_474 = arith.constant 0 : i32
      %cond3A_475 = arith.cmpi ne, %convert_element_type3A_473, %cond3A_474 : i32
      scf.if %cond3A_475 {
        %sub3A_602 = arith.constant 1 : i32
        %sub3A_603 = arith.subi %add3A_416, %sub3A_602 : i32
        %mul3A_604 = arith.constant 32 : i32
        %mul3A_605 = arith.muli %sub3A_603, %mul3A_604 : i32
        %add3A_606 = arith.addi %mul3A_2, %mul3A_605 : i32
        %dma_wait3A_607 = arith.constant 0 : i32
        %dma_wait3A_608 = tpu.memref_slice %arg4[%add3A_606, %dma_wait3A_607] : memref<606208x384xf32, #tpu.memory_space<hbm>> -> memref<32x384xf32, #tpu.memory_space<hbm>>
        %dma_wait3A_609 = arith.constant 0 : i32
        %dma_wait3A_610 = tpu.memref_slice %arg4[%add3A_606, %dma_wait3A_609] : memref<606208x384xf32, #tpu.memory_space<hbm>> -> memref<32x384xf32, #tpu.memory_space<hbm>>
        tpu.wait_dma2 semaphore(%arg26 : memref<!tpu.dma_semaphore, #tpu.memory_space<semaphore_mem>>) src(%arg10 : memref<32x384xf32, #tpu.memory_space<vmem>>) dst(%dma_wait3A_610 : memref<32x384xf32, #tpu.memory_space<hbm>>)
        %sub3A_611 = arith.constant 1 : i32
        %sub3A_612 = arith.subi %add3A_416, %sub3A_611 : i32
        %add3A_613 = arith.constant 8 : i32
        %add3A_614 = arith.addi %sub3A_612, %add3A_613 : i32
        %jit3A_615 = arith.constant 4 : i32
        %div3A_616 = arith.divsi %add3A_614, %jit3A_615 : i32
        %sign3A_617 = arith.constant 0 : i32
        %sign3A_618 = arith.cmpi sgt, %add3A_614, %sign3A_617 : i32
        %sign3A_619 = arith.extui %sign3A_618 : i1 to i32
        %sign3A_620 = arith.constant 0 : i32
        %sign3A_621 = arith.cmpi slt, %add3A_614, %sign3A_620 : i32
        %sign3A_622 = arith.extui %sign3A_621 : i1 to i32
        %sign3A_623 = arith.subi %sign3A_619, %sign3A_622 : i32
        %sign3A_624 = arith.constant 0 : i32
        %sign3A_625 = arith.cmpi sgt, %jit3A_615, %sign3A_624 : i32
        %sign3A_626 = arith.extui %sign3A_625 : i1 to i32
        %sign3A_627 = arith.constant 0 : i32
        %sign3A_628 = arith.cmpi slt, %jit3A_615, %sign3A_627 : i32
        %sign3A_629 = arith.extui %sign3A_628 : i1 to i32
        %sign3A_630 = arith.subi %sign3A_626, %sign3A_629 : i32
        %ne3A_631 = arith.cmpi ne, %sign3A_623, %sign3A_630 : i32
        %rem3A_632 = arith.remsi %add3A_614, %jit3A_615 : i32
        %ne3A_633 = arith.constant 0 : i32
        %ne3A_634 = arith.cmpi ne, %rem3A_632, %ne3A_633 : i32
        %and3A_635 = arith.andi %ne3A_631, %ne3A_634 : i1
        %sub3A_636 = arith.constant 1 : i32
        %sub3A_637 = arith.subi %div3A_616, %sub3A_636 : i32
        %select_n3A_638 = arith.select %and3A_635, %sub3A_637, %div3A_616 : i32
        %jit3A_639 = arith.constant 4 : i32
        %eq3A_640 = arith.constant 0 : i32
        %eq3A_641 = arith.cmpi eq, %jit3A_639, %eq3A_640 : i32
        %jit3A_642 = arith.constant 1 : i32
        %select_n3A_643 = arith.select %eq3A_641, %jit3A_642, %jit3A_639 : i32
        %rem3A_644 = arith.remsi %add3A_614, %select_n3A_643 : i32
        %ne3A_645 = arith.constant 0 : i32
        %ne3A_646 = arith.cmpi ne, %rem3A_644, %ne3A_645 : i32
        %lt3A_647 = arith.constant 0 : i32
        %lt3A_648 = arith.cmpi slt, %rem3A_644, %lt3A_647 : i32
        %lt3A_649 = arith.constant 0 : i32
        %lt3A_650 = arith.cmpi slt, %select_n3A_643, %lt3A_649 : i32
        %ne3A_651 = arith.xori %lt3A_648, %lt3A_650 : i1
        %and3A_652 = arith.andi %ne3A_651, %ne3A_646 : i1
        %add3A_653 = arith.addi %rem3A_644, %select_n3A_643 : i32
        %select_n3A_654 = arith.select %and3A_652, %add3A_653, %rem3A_644 : i32
        %mul3A_655 = arith.constant 32 : i32
        %mul3A_656 = arith.muli %select_n3A_654, %mul3A_655 : i32
        %dma_start3A_657 = tpu.memref_slice %arg5[%select_n3A_638, %mul3A_656] : memref<148x128xi32, #tpu.memory_space<vmem>> -> memref<1x32xi32, #tpu.memory_space<vmem>>
        %dma_start3A_658 = tpu.memref_squeeze %dma_start3A_657 : memref<1x32xi32, #tpu.memory_space<vmem>> -> memref<32xi32, #tpu.memory_space<vmem>>
        %dma_start3A_659 = arith.constant 0 : i32
        %dma_start3A_660 = arith.constant 0 : i32
        %dma_start3A_661 = tpu.memref_slice %arg2[%dma_start3A_659, %dma_start3A_660] : memref<34048x384xf32, #tpu.memory_space<hbm>> -> memref<34048x384xf32, #tpu.memory_space<hbm>>
        tpu.enqueue_indirect_dma source(%dma_start3A_661 : memref<34048x384xf32, #tpu.memory_space<hbm>>) target(%arg10 : memref<32x384xf32, #tpu.memory_space<vmem>>) offsets(%dma_start3A_658 : memref<32xi32, #tpu.memory_space<vmem>>) semaphore(%arg18 : memref<!tpu.dma_semaphore, #tpu.memory_space<semaphore_mem>>)
      } else {
      }
      %mul3A_476 = arith.constant 8 : i32
      %mul3A_477 = arith.muli %scan3A_110, %mul3A_476 : i32
      %add3A_478 = arith.constant 6 : i32
      %add3A_479 = arith.addi %mul3A_477, %add3A_478 : i32
      %jit3A_480 = arith.constant 4 : i32
      %div3A_481 = arith.divsi %add3A_479, %jit3A_480 : i32
      %sign3A_482 = arith.constant 0 : i32
      %sign3A_483 = arith.cmpi sgt, %add3A_479, %sign3A_482 : i32
      %sign3A_484 = arith.extui %sign3A_483 : i1 to i32
      %sign3A_485 = arith.constant 0 : i32
      %sign3A_486 = arith.cmpi slt, %add3A_479, %sign3A_485 : i32
      %sign3A_487 = arith.extui %sign3A_486 : i1 to i32
      %sign3A_488 = arith.subi %sign3A_484, %sign3A_487 : i32
      %sign3A_489 = arith.constant 0 : i32
      %sign3A_490 = arith.cmpi sgt, %jit3A_480, %sign3A_489 : i32
      %sign3A_491 = arith.extui %sign3A_490 : i1 to i32
      %sign3A_492 = arith.constant 0 : i32
      %sign3A_493 = arith.cmpi slt, %jit3A_480, %sign3A_492 : i32
      %sign3A_494 = arith.extui %sign3A_493 : i1 to i32
      %sign3A_495 = arith.subi %sign3A_491, %sign3A_494 : i32
      %ne3A_496 = arith.cmpi ne, %sign3A_488, %sign3A_495 : i32
      %rem3A_497 = arith.remsi %add3A_479, %jit3A_480 : i32
      %ne3A_498 = arith.constant 0 : i32
      %ne3A_499 = arith.cmpi ne, %rem3A_497, %ne3A_498 : i32
      %and3A_500 = arith.andi %ne3A_496, %ne3A_499 : i1
      %sub3A_501 = arith.constant 1 : i32
      %sub3A_502 = arith.subi %div3A_481, %sub3A_501 : i32
      %select_n3A_503 = arith.select %and3A_500, %sub3A_502, %div3A_481 : i32
      %jit3A_504 = arith.constant 4 : i32
      %eq3A_505 = arith.constant 0 : i32
      %eq3A_506 = arith.cmpi eq, %jit3A_504, %eq3A_505 : i32
      %jit3A_507 = arith.constant 1 : i32
      %select_n3A_508 = arith.select %eq3A_506, %jit3A_507, %jit3A_504 : i32
      %rem3A_509 = arith.remsi %add3A_479, %select_n3A_508 : i32
      %ne3A_510 = arith.constant 0 : i32
      %ne3A_511 = arith.cmpi ne, %rem3A_509, %ne3A_510 : i32
      %lt3A_512 = arith.constant 0 : i32
      %lt3A_513 = arith.cmpi slt, %rem3A_509, %lt3A_512 : i32
      %lt3A_514 = arith.constant 0 : i32
      %lt3A_515 = arith.cmpi slt, %select_n3A_508, %lt3A_514 : i32
      %ne3A_516 = arith.xori %lt3A_513, %lt3A_515 : i1
      %and3A_517 = arith.andi %ne3A_516, %ne3A_511 : i1
      %add3A_518 = arith.addi %rem3A_509, %select_n3A_508 : i32
      %select_n3A_519 = arith.select %and3A_517, %add3A_518, %rem3A_509 : i32
      %mul3A_520 = arith.constant 32 : i32
      %mul3A_521 = arith.muli %select_n3A_519, %mul3A_520 : i32
      %dma_wait3A_522 = tpu.memref_slice %arg5[%select_n3A_503, %mul3A_521] : memref<148x128xi32, #tpu.memory_space<vmem>> -> memref<1x32xi32, #tpu.memory_space<vmem>>
      %dma_wait3A_523 = tpu.memref_squeeze %dma_wait3A_522 : memref<1x32xi32, #tpu.memory_space<vmem>> -> memref<32xi32, #tpu.memory_space<vmem>>
      %dma_wait3A_524 = arith.constant 0 : i32
      %dma_wait3A_525 = arith.constant 0 : i32
      %dma_wait3A_526 = tpu.memref_slice %arg2[%dma_wait3A_524, %dma_wait3A_525] : memref<34048x384xf32, #tpu.memory_space<hbm>> -> memref<34048x384xf32, #tpu.memory_space<hbm>>
      tpu.wait_indirect_dma semaphore(%arg20 : memref<!tpu.dma_semaphore, #tpu.memory_space<semaphore_mem>>) src(%dma_wait3A_526 : memref<34048x384xf32, #tpu.memory_space<hbm>>) dst(%arg12 : memref<32x384xf32, #tpu.memory_space<vmem>>)
      %mul3A_527 = arith.constant 32 : i32
      %mul3A_528 = arith.muli %add3A_479, %mul3A_527 : i32
      %add3A_529 = arith.addi %mul3A_2, %mul3A_528 : i32
      %dma_start3A_530 = arith.constant 0 : i32
      %dma_start3A_531 = tpu.memref_slice %arg4[%add3A_529, %dma_start3A_530] : memref<606208x384xf32, #tpu.memory_space<hbm>> -> memref<32x384xf32, #tpu.memory_space<hbm>>
      %dma_start3A_532 = arith.constant 0 : i32
      %dma_start3A_533 = tpu.memref_slice %arg4[%add3A_529, %dma_start3A_532] : memref<606208x384xf32, #tpu.memory_space<hbm>> -> memref<32x384xf32, #tpu.memory_space<hbm>>
      tpu.enqueue_dma source(%arg12 : memref<32x384xf32, #tpu.memory_space<vmem>>) target(%dma_start3A_533 : memref<32x384xf32, #tpu.memory_space<hbm>>) target_semaphore(%arg28 : memref<!tpu.dma_semaphore, #tpu.memory_space<semaphore_mem>>)
      %lt3A_534 = arith.constant 73 : i32
      %lt3A_535 = arith.cmpi slt, %scan3A_110, %lt3A_534 : i32
      %convert_element_type3A_536 = arith.extui %lt3A_535 : i1 to i32
      %cond3A_537 = arith.constant 0 : i32
      %cond3A_538 = arith.cmpi ne, %convert_element_type3A_536, %cond3A_537 : i32
      scf.if %cond3A_538 {
        %sub3A_602 = arith.constant 1 : i32
        %sub3A_603 = arith.subi %add3A_479, %sub3A_602 : i32
        %mul3A_604 = arith.constant 32 : i32
        %mul3A_605 = arith.muli %sub3A_603, %mul3A_604 : i32
        %add3A_606 = arith.addi %mul3A_2, %mul3A_605 : i32
        %dma_wait3A_607 = arith.constant 0 : i32
        %dma_wait3A_608 = tpu.memref_slice %arg4[%add3A_606, %dma_wait3A_607] : memref<606208x384xf32, #tpu.memory_space<hbm>> -> memref<32x384xf32, #tpu.memory_space<hbm>>
        %dma_wait3A_609 = arith.constant 0 : i32
        %dma_wait3A_610 = tpu.memref_slice %arg4[%add3A_606, %dma_wait3A_609] : memref<606208x384xf32, #tpu.memory_space<hbm>> -> memref<32x384xf32, #tpu.memory_space<hbm>>
        tpu.wait_dma2 semaphore(%arg27 : memref<!tpu.dma_semaphore, #tpu.memory_space<semaphore_mem>>) src(%arg11 : memref<32x384xf32, #tpu.memory_space<vmem>>) dst(%dma_wait3A_610 : memref<32x384xf32, #tpu.memory_space<hbm>>)
        %sub3A_611 = arith.constant 1 : i32
        %sub3A_612 = arith.subi %add3A_479, %sub3A_611 : i32
        %add3A_613 = arith.constant 8 : i32
        %add3A_614 = arith.addi %sub3A_612, %add3A_613 : i32
        %jit3A_615 = arith.constant 4 : i32
        %div3A_616 = arith.divsi %add3A_614, %jit3A_615 : i32
        %sign3A_617 = arith.constant 0 : i32
        %sign3A_618 = arith.cmpi sgt, %add3A_614, %sign3A_617 : i32
        %sign3A_619 = arith.extui %sign3A_618 : i1 to i32
        %sign3A_620 = arith.constant 0 : i32
        %sign3A_621 = arith.cmpi slt, %add3A_614, %sign3A_620 : i32
        %sign3A_622 = arith.extui %sign3A_621 : i1 to i32
        %sign3A_623 = arith.subi %sign3A_619, %sign3A_622 : i32
        %sign3A_624 = arith.constant 0 : i32
        %sign3A_625 = arith.cmpi sgt, %jit3A_615, %sign3A_624 : i32
        %sign3A_626 = arith.extui %sign3A_625 : i1 to i32
        %sign3A_627 = arith.constant 0 : i32
        %sign3A_628 = arith.cmpi slt, %jit3A_615, %sign3A_627 : i32
        %sign3A_629 = arith.extui %sign3A_628 : i1 to i32
        %sign3A_630 = arith.subi %sign3A_626, %sign3A_629 : i32
        %ne3A_631 = arith.cmpi ne, %sign3A_623, %sign3A_630 : i32
        %rem3A_632 = arith.remsi %add3A_614, %jit3A_615 : i32
        %ne3A_633 = arith.constant 0 : i32
        %ne3A_634 = arith.cmpi ne, %rem3A_632, %ne3A_633 : i32
        %and3A_635 = arith.andi %ne3A_631, %ne3A_634 : i1
        %sub3A_636 = arith.constant 1 : i32
        %sub3A_637 = arith.subi %div3A_616, %sub3A_636 : i32
        %select_n3A_638 = arith.select %and3A_635, %sub3A_637, %div3A_616 : i32
        %jit3A_639 = arith.constant 4 : i32
        %eq3A_640 = arith.constant 0 : i32
        %eq3A_641 = arith.cmpi eq, %jit3A_639, %eq3A_640 : i32
        %jit3A_642 = arith.constant 1 : i32
        %select_n3A_643 = arith.select %eq3A_641, %jit3A_642, %jit3A_639 : i32
        %rem3A_644 = arith.remsi %add3A_614, %select_n3A_643 : i32
        %ne3A_645 = arith.constant 0 : i32
        %ne3A_646 = arith.cmpi ne, %rem3A_644, %ne3A_645 : i32
        %lt3A_647 = arith.constant 0 : i32
        %lt3A_648 = arith.cmpi slt, %rem3A_644, %lt3A_647 : i32
        %lt3A_649 = arith.constant 0 : i32
        %lt3A_650 = arith.cmpi slt, %select_n3A_643, %lt3A_649 : i32
        %ne3A_651 = arith.xori %lt3A_648, %lt3A_650 : i1
        %and3A_652 = arith.andi %ne3A_651, %ne3A_646 : i1
        %add3A_653 = arith.addi %rem3A_644, %select_n3A_643 : i32
        %select_n3A_654 = arith.select %and3A_652, %add3A_653, %rem3A_644 : i32
        %mul3A_655 = arith.constant 32 : i32
        %mul3A_656 = arith.muli %select_n3A_654, %mul3A_655 : i32
        %dma_start3A_657 = tpu.memref_slice %arg5[%select_n3A_638, %mul3A_656] : memref<148x128xi32, #tpu.memory_space<vmem>> -> memref<1x32xi32, #tpu.memory_space<vmem>>
        %dma_start3A_658 = tpu.memref_squeeze %dma_start3A_657 : memref<1x32xi32, #tpu.memory_space<vmem>> -> memref<32xi32, #tpu.memory_space<vmem>>
        %dma_start3A_659 = arith.constant 0 : i32
        %dma_start3A_660 = arith.constant 0 : i32
        %dma_start3A_661 = tpu.memref_slice %arg2[%dma_start3A_659, %dma_start3A_660] : memref<34048x384xf32, #tpu.memory_space<hbm>> -> memref<34048x384xf32, #tpu.memory_space<hbm>>
        tpu.enqueue_indirect_dma source(%dma_start3A_661 : memref<34048x384xf32, #tpu.memory_space<hbm>>) target(%arg11 : memref<32x384xf32, #tpu.memory_space<vmem>>) offsets(%dma_start3A_658 : memref<32xi32, #tpu.memory_space<vmem>>) semaphore(%arg19 : memref<!tpu.dma_semaphore, #tpu.memory_space<semaphore_mem>>)
      } else {
      }
      %mul3A_539 = arith.constant 8 : i32
      %mul3A_540 = arith.muli %scan3A_110, %mul3A_539 : i32
      %add3A_541 = arith.constant 7 : i32
      %add3A_542 = arith.addi %mul3A_540, %add3A_541 : i32
      %jit3A_543 = arith.constant 4 : i32
      %div3A_544 = arith.divsi %add3A_542, %jit3A_543 : i32
      %sign3A_545 = arith.constant 0 : i32
      %sign3A_546 = arith.cmpi sgt, %add3A_542, %sign3A_545 : i32
      %sign3A_547 = arith.extui %sign3A_546 : i1 to i32
      %sign3A_548 = arith.constant 0 : i32
      %sign3A_549 = arith.cmpi slt, %add3A_542, %sign3A_548 : i32
      %sign3A_550 = arith.extui %sign3A_549 : i1 to i32
      %sign3A_551 = arith.subi %sign3A_547, %sign3A_550 : i32
      %sign3A_552 = arith.constant 0 : i32
      %sign3A_553 = arith.cmpi sgt, %jit3A_543, %sign3A_552 : i32
      %sign3A_554 = arith.extui %sign3A_553 : i1 to i32
      %sign3A_555 = arith.constant 0 : i32
      %sign3A_556 = arith.cmpi slt, %jit3A_543, %sign3A_555 : i32
      %sign3A_557 = arith.extui %sign3A_556 : i1 to i32
      %sign3A_558 = arith.subi %sign3A_554, %sign3A_557 : i32
      %ne3A_559 = arith.cmpi ne, %sign3A_551, %sign3A_558 : i32
      %rem3A_560 = arith.remsi %add3A_542, %jit3A_543 : i32
      %ne3A_561 = arith.constant 0 : i32
      %ne3A_562 = arith.cmpi ne, %rem3A_560, %ne3A_561 : i32
      %and3A_563 = arith.andi %ne3A_559, %ne3A_562 : i1
      %sub3A_564 = arith.constant 1 : i32
      %sub3A_565 = arith.subi %div3A_544, %sub3A_564 : i32
      %select_n3A_566 = arith.select %and3A_563, %sub3A_565, %div3A_544 : i32
      %jit3A_567 = arith.constant 4 : i32
      %eq3A_568 = arith.constant 0 : i32
      %eq3A_569 = arith.cmpi eq, %jit3A_567, %eq3A_568 : i32
      %jit3A_570 = arith.constant 1 : i32
      %select_n3A_571 = arith.select %eq3A_569, %jit3A_570, %jit3A_567 : i32
      %rem3A_572 = arith.remsi %add3A_542, %select_n3A_571 : i32
      %ne3A_573 = arith.constant 0 : i32
      %ne3A_574 = arith.cmpi ne, %rem3A_572, %ne3A_573 : i32
      %lt3A_575 = arith.constant 0 : i32
      %lt3A_576 = arith.cmpi slt, %rem3A_572, %lt3A_575 : i32
      %lt3A_577 = arith.constant 0 : i32
      %lt3A_578 = arith.cmpi slt, %select_n3A_571, %lt3A_577 : i32
      %ne3A_579 = arith.xori %lt3A_576, %lt3A_578 : i1
      %and3A_580 = arith.andi %ne3A_579, %ne3A_574 : i1
      %add3A_581 = arith.addi %rem3A_572, %select_n3A_571 : i32
      %select_n3A_582 = arith.select %and3A_580, %add3A_581, %rem3A_572 : i32
      %mul3A_583 = arith.constant 32 : i32
      %mul3A_584 = arith.muli %select_n3A_582, %mul3A_583 : i32
      %dma_wait3A_585 = tpu.memref_slice %arg5[%select_n3A_566, %mul3A_584] : memref<148x128xi32, #tpu.memory_space<vmem>> -> memref<1x32xi32, #tpu.memory_space<vmem>>
      %dma_wait3A_586 = tpu.memref_squeeze %dma_wait3A_585 : memref<1x32xi32, #tpu.memory_space<vmem>> -> memref<32xi32, #tpu.memory_space<vmem>>
      %dma_wait3A_587 = arith.constant 0 : i32
      %dma_wait3A_588 = arith.constant 0 : i32
      %dma_wait3A_589 = tpu.memref_slice %arg2[%dma_wait3A_587, %dma_wait3A_588] : memref<34048x384xf32, #tpu.memory_space<hbm>> -> memref<34048x384xf32, #tpu.memory_space<hbm>>
      tpu.wait_indirect_dma semaphore(%arg21 : memref<!tpu.dma_semaphore, #tpu.memory_space<semaphore_mem>>) src(%dma_wait3A_589 : memref<34048x384xf32, #tpu.memory_space<hbm>>) dst(%arg13 : memref<32x384xf32, #tpu.memory_space<vmem>>)
      %mul3A_590 = arith.constant 32 : i32
      %mul3A_591 = arith.muli %add3A_542, %mul3A_590 : i32
      %add3A_592 = arith.addi %mul3A_2, %mul3A_591 : i32
      %dma_start3A_593 = arith.constant 0 : i32
      %dma_start3A_594 = tpu.memref_slice %arg4[%add3A_592, %dma_start3A_593] : memref<606208x384xf32, #tpu.memory_space<hbm>> -> memref<32x384xf32, #tpu.memory_space<hbm>>
      %dma_start3A_595 = arith.constant 0 : i32
      %dma_start3A_596 = tpu.memref_slice %arg4[%add3A_592, %dma_start3A_595] : memref<606208x384xf32, #tpu.memory_space<hbm>> -> memref<32x384xf32, #tpu.memory_space<hbm>>
      tpu.enqueue_dma source(%arg13 : memref<32x384xf32, #tpu.memory_space<vmem>>) target(%dma_start3A_596 : memref<32x384xf32, #tpu.memory_space<hbm>>) target_semaphore(%arg29 : memref<!tpu.dma_semaphore, #tpu.memory_space<semaphore_mem>>)
      %lt3A_597 = arith.constant 73 : i32
      %lt3A_598 = arith.cmpi slt, %scan3A_110, %lt3A_597 : i32
      %convert_element_type3A_599 = arith.extui %lt3A_598 : i1 to i32
      %cond3A_600 = arith.constant 0 : i32
      %cond3A_601 = arith.cmpi ne, %convert_element_type3A_599, %cond3A_600 : i32
      scf.if %cond3A_601 {
        %sub3A_602 = arith.constant 1 : i32
        %sub3A_603 = arith.subi %add3A_542, %sub3A_602 : i32
        %mul3A_604 = arith.constant 32 : i32
        %mul3A_605 = arith.muli %sub3A_603, %mul3A_604 : i32
        %add3A_606 = arith.addi %mul3A_2, %mul3A_605 : i32
        %dma_wait3A_607 = arith.constant 0 : i32
        %dma_wait3A_608 = tpu.memref_slice %arg4[%add3A_606, %dma_wait3A_607] : memref<606208x384xf32, #tpu.memory_space<hbm>> -> memref<32x384xf32, #tpu.memory_space<hbm>>
        %dma_wait3A_609 = arith.constant 0 : i32
        %dma_wait3A_610 = tpu.memref_slice %arg4[%add3A_606, %dma_wait3A_609] : memref<606208x384xf32, #tpu.memory_space<hbm>> -> memref<32x384xf32, #tpu.memory_space<hbm>>
        tpu.wait_dma2 semaphore(%arg28 : memref<!tpu.dma_semaphore, #tpu.memory_space<semaphore_mem>>) src(%arg12 : memref<32x384xf32, #tpu.memory_space<vmem>>) dst(%dma_wait3A_610 : memref<32x384xf32, #tpu.memory_space<hbm>>)
        %sub3A_611 = arith.constant 1 : i32
        %sub3A_612 = arith.subi %add3A_542, %sub3A_611 : i32
        %add3A_613 = arith.constant 8 : i32
        %add3A_614 = arith.addi %sub3A_612, %add3A_613 : i32
        %jit3A_615 = arith.constant 4 : i32
        %div3A_616 = arith.divsi %add3A_614, %jit3A_615 : i32
        %sign3A_617 = arith.constant 0 : i32
        %sign3A_618 = arith.cmpi sgt, %add3A_614, %sign3A_617 : i32
        %sign3A_619 = arith.extui %sign3A_618 : i1 to i32
        %sign3A_620 = arith.constant 0 : i32
        %sign3A_621 = arith.cmpi slt, %add3A_614, %sign3A_620 : i32
        %sign3A_622 = arith.extui %sign3A_621 : i1 to i32
        %sign3A_623 = arith.subi %sign3A_619, %sign3A_622 : i32
        %sign3A_624 = arith.constant 0 : i32
        %sign3A_625 = arith.cmpi sgt, %jit3A_615, %sign3A_624 : i32
        %sign3A_626 = arith.extui %sign3A_625 : i1 to i32
        %sign3A_627 = arith.constant 0 : i32
        %sign3A_628 = arith.cmpi slt, %jit3A_615, %sign3A_627 : i32
        %sign3A_629 = arith.extui %sign3A_628 : i1 to i32
        %sign3A_630 = arith.subi %sign3A_626, %sign3A_629 : i32
        %ne3A_631 = arith.cmpi ne, %sign3A_623, %sign3A_630 : i32
        %rem3A_632 = arith.remsi %add3A_614, %jit3A_615 : i32
        %ne3A_633 = arith.constant 0 : i32
        %ne3A_634 = arith.cmpi ne, %rem3A_632, %ne3A_633 : i32
        %and3A_635 = arith.andi %ne3A_631, %ne3A_634 : i1
        %sub3A_636 = arith.constant 1 : i32
        %sub3A_637 = arith.subi %div3A_616, %sub3A_636 : i32
        %select_n3A_638 = arith.select %and3A_635, %sub3A_637, %div3A_616 : i32
        %jit3A_639 = arith.constant 4 : i32
        %eq3A_640 = arith.constant 0 : i32
        %eq3A_641 = arith.cmpi eq, %jit3A_639, %eq3A_640 : i32
        %jit3A_642 = arith.constant 1 : i32
        %select_n3A_643 = arith.select %eq3A_641, %jit3A_642, %jit3A_639 : i32
        %rem3A_644 = arith.remsi %add3A_614, %select_n3A_643 : i32
        %ne3A_645 = arith.constant 0 : i32
        %ne3A_646 = arith.cmpi ne, %rem3A_644, %ne3A_645 : i32
        %lt3A_647 = arith.constant 0 : i32
        %lt3A_648 = arith.cmpi slt, %rem3A_644, %lt3A_647 : i32
        %lt3A_649 = arith.constant 0 : i32
        %lt3A_650 = arith.cmpi slt, %select_n3A_643, %lt3A_649 : i32
        %ne3A_651 = arith.xori %lt3A_648, %lt3A_650 : i1
        %and3A_652 = arith.andi %ne3A_651, %ne3A_646 : i1
        %add3A_653 = arith.addi %rem3A_644, %select_n3A_643 : i32
        %select_n3A_654 = arith.select %and3A_652, %add3A_653, %rem3A_644 : i32
        %mul3A_655 = arith.constant 32 : i32
        %mul3A_656 = arith.muli %select_n3A_654, %mul3A_655 : i32
        %dma_start3A_657 = tpu.memref_slice %arg5[%select_n3A_638, %mul3A_656] : memref<148x128xi32, #tpu.memory_space<vmem>> -> memref<1x32xi32, #tpu.memory_space<vmem>>
        %dma_start3A_658 = tpu.memref_squeeze %dma_start3A_657 : memref<1x32xi32, #tpu.memory_space<vmem>> -> memref<32xi32, #tpu.memory_space<vmem>>
        %dma_start3A_659 = arith.constant 0 : i32
        %dma_start3A_660 = arith.constant 0 : i32
        %dma_start3A_661 = tpu.memref_slice %arg2[%dma_start3A_659, %dma_start3A_660] : memref<34048x384xf32, #tpu.memory_space<hbm>> -> memref<34048x384xf32, #tpu.memory_space<hbm>>
        tpu.enqueue_indirect_dma source(%dma_start3A_661 : memref<34048x384xf32, #tpu.memory_space<hbm>>) target(%arg12 : memref<32x384xf32, #tpu.memory_space<vmem>>) offsets(%dma_start3A_658 : memref<32xi32, #tpu.memory_space<vmem>>) semaphore(%arg20 : memref<!tpu.dma_semaphore, #tpu.memory_space<semaphore_mem>>)
      } else {
      }
    }
    %scan3A_62 = arith.constant 74 : i32
    %add3A_63 = arith.constant 18688 : i32
    %add3A_64 = arith.addi %mul3A_2, %add3A_63 : i32
    %dma_wait3A = arith.constant 0 : i32
    %dma_wait3A_65 = tpu.memref_slice %arg4[%add3A_64, %dma_wait3A] : memref<606208x384xf32, #tpu.memory_space<hbm>> -> memref<32x384xf32, #tpu.memory_space<hbm>>
    %dma_wait3A_66 = arith.constant 0 : i32
    %dma_wait3A_67 = tpu.memref_slice %arg4[%add3A_64, %dma_wait3A_66] : memref<606208x384xf32, #tpu.memory_space<hbm>> -> memref<32x384xf32, #tpu.memory_space<hbm>>
    tpu.wait_dma2 semaphore(%arg22 : memref<!tpu.dma_semaphore, #tpu.memory_space<semaphore_mem>>) src(%arg6 : memref<32x384xf32, #tpu.memory_space<vmem>>) dst(%dma_wait3A_67 : memref<32x384xf32, #tpu.memory_space<hbm>>)
    %add3A_68 = arith.constant 18720 : i32
    %add3A_69 = arith.addi %mul3A_2, %add3A_68 : i32
    %dma_wait3A_70 = arith.constant 0 : i32
    %dma_wait3A_71 = tpu.memref_slice %arg4[%add3A_69, %dma_wait3A_70] : memref<606208x384xf32, #tpu.memory_space<hbm>> -> memref<32x384xf32, #tpu.memory_space<hbm>>
    %dma_wait3A_72 = arith.constant 0 : i32
    %dma_wait3A_73 = tpu.memref_slice %arg4[%add3A_69, %dma_wait3A_72] : memref<606208x384xf32, #tpu.memory_space<hbm>> -> memref<32x384xf32, #tpu.memory_space<hbm>>
    tpu.wait_dma2 semaphore(%arg23 : memref<!tpu.dma_semaphore, #tpu.memory_space<semaphore_mem>>) src(%arg7 : memref<32x384xf32, #tpu.memory_space<vmem>>) dst(%dma_wait3A_73 : memref<32x384xf32, #tpu.memory_space<hbm>>)
    %add3A_74 = arith.constant 18752 : i32
    %add3A_75 = arith.addi %mul3A_2, %add3A_74 : i32
    %dma_wait3A_76 = arith.constant 0 : i32
    %dma_wait3A_77 = tpu.memref_slice %arg4[%add3A_75, %dma_wait3A_76] : memref<606208x384xf32, #tpu.memory_space<hbm>> -> memref<32x384xf32, #tpu.memory_space<hbm>>
    %dma_wait3A_78 = arith.constant 0 : i32
    %dma_wait3A_79 = tpu.memref_slice %arg4[%add3A_75, %dma_wait3A_78] : memref<606208x384xf32, #tpu.memory_space<hbm>> -> memref<32x384xf32, #tpu.memory_space<hbm>>
    tpu.wait_dma2 semaphore(%arg24 : memref<!tpu.dma_semaphore, #tpu.memory_space<semaphore_mem>>) src(%arg8 : memref<32x384xf32, #tpu.memory_space<vmem>>) dst(%dma_wait3A_79 : memref<32x384xf32, #tpu.memory_space<hbm>>)
    %add3A_80 = arith.constant 18784 : i32
    %add3A_81 = arith.addi %mul3A_2, %add3A_80 : i32
    %dma_wait3A_82 = arith.constant 0 : i32
    %dma_wait3A_83 = tpu.memref_slice %arg4[%add3A_81, %dma_wait3A_82] : memref<606208x384xf32, #tpu.memory_space<hbm>> -> memref<32x384xf32, #tpu.memory_space<hbm>>
    %dma_wait3A_84 = arith.constant 0 : i32
    %dma_wait3A_85 = tpu.memref_slice %arg4[%add3A_81, %dma_wait3A_84] : memref<606208x384xf32, #tpu.memory_space<hbm>> -> memref<32x384xf32, #tpu.memory_space<hbm>>
    tpu.wait_dma2 semaphore(%arg25 : memref<!tpu.dma_semaphore, #tpu.memory_space<semaphore_mem>>) src(%arg9 : memref<32x384xf32, #tpu.memory_space<vmem>>) dst(%dma_wait3A_85 : memref<32x384xf32, #tpu.memory_space<hbm>>)
    %add3A_86 = arith.constant 18816 : i32
    %add3A_87 = arith.addi %mul3A_2, %add3A_86 : i32
    %dma_wait3A_88 = arith.constant 0 : i32
    %dma_wait3A_89 = tpu.memref_slice %arg4[%add3A_87, %dma_wait3A_88] : memref<606208x384xf32, #tpu.memory_space<hbm>> -> memref<32x384xf32, #tpu.memory_space<hbm>>
    %dma_wait3A_90 = arith.constant 0 : i32
    %dma_wait3A_91 = tpu.memref_slice %arg4[%add3A_87, %dma_wait3A_90] : memref<606208x384xf32, #tpu.memory_space<hbm>> -> memref<32x384xf32, #tpu.memory_space<hbm>>
    tpu.wait_dma2 semaphore(%arg26 : memref<!tpu.dma_semaphore, #tpu.memory_space<semaphore_mem>>) src(%arg10 : memref<32x384xf32, #tpu.memory_space<vmem>>) dst(%dma_wait3A_91 : memref<32x384xf32, #tpu.memory_space<hbm>>)
    %add3A_92 = arith.constant 18848 : i32
    %add3A_93 = arith.addi %mul3A_2, %add3A_92 : i32
    %dma_wait3A_94 = arith.constant 0 : i32
    %dma_wait3A_95 = tpu.memref_slice %arg4[%add3A_93, %dma_wait3A_94] : memref<606208x384xf32, #tpu.memory_space<hbm>> -> memref<32x384xf32, #tpu.memory_space<hbm>>
    %dma_wait3A_96 = arith.constant 0 : i32
    %dma_wait3A_97 = tpu.memref_slice %arg4[%add3A_93, %dma_wait3A_96] : memref<606208x384xf32, #tpu.memory_space<hbm>> -> memref<32x384xf32, #tpu.memory_space<hbm>>
    tpu.wait_dma2 semaphore(%arg27 : memref<!tpu.dma_semaphore, #tpu.memory_space<semaphore_mem>>) src(%arg11 : memref<32x384xf32, #tpu.memory_space<vmem>>) dst(%dma_wait3A_97 : memref<32x384xf32, #tpu.memory_space<hbm>>)
    %add3A_98 = arith.constant 18880 : i32
    %add3A_99 = arith.addi %mul3A_2, %add3A_98 : i32
    %dma_wait3A_100 = arith.constant 0 : i32
    %dma_wait3A_101 = tpu.memref_slice %arg4[%add3A_99, %dma_wait3A_100] : memref<606208x384xf32, #tpu.memory_space<hbm>> -> memref<32x384xf32, #tpu.memory_space<hbm>>
    %dma_wait3A_102 = arith.constant 0 : i32
    %dma_wait3A_103 = tpu.memref_slice %arg4[%add3A_99, %dma_wait3A_102] : memref<606208x384xf32, #tpu.memory_space<hbm>> -> memref<32x384xf32, #tpu.memory_space<hbm>>
    tpu.wait_dma2 semaphore(%arg28 : memref<!tpu.dma_semaphore, #tpu.memory_space<semaphore_mem>>) src(%arg12 : memref<32x384xf32, #tpu.memory_space<vmem>>) dst(%dma_wait3A_103 : memref<32x384xf32, #tpu.memory_space<hbm>>)
    %add3A_104 = arith.constant 18912 : i32
    %add3A_105 = arith.addi %mul3A_2, %add3A_104 : i32
    %dma_wait3A_106 = arith.constant 0 : i32
    %dma_wait3A_107 = tpu.memref_slice %arg4[%add3A_105, %dma_wait3A_106] : memref<606208x384xf32, #tpu.memory_space<hbm>> -> memref<32x384xf32, #tpu.memory_space<hbm>>
    %dma_wait3A_108 = arith.constant 0 : i32
    %dma_wait3A_109 = tpu.memref_slice %arg4[%add3A_105, %dma_wait3A_108] : memref<606208x384xf32, #tpu.memory_space<hbm>> -> memref<32x384xf32, #tpu.memory_space<hbm>>
    tpu.wait_dma2 semaphore(%arg29 : memref<!tpu.dma_semaphore, #tpu.memory_space<semaphore_mem>>) src(%arg13 : memref<32x384xf32, #tpu.memory_space<vmem>>) dst(%dma_wait3A_109 : memref<32x384xf32, #tpu.memory_space<hbm>>)
    return
  }
}

module attributes {stable_mosaic.version = 14 : i64} {
  func.func @_build_body(%arg0: i32, %arg1: memref<16x384xf32, #tpu.memory_space<vmem>>, %arg2: memref<64x384xf32, #tpu.memory_space<vmem>>, %arg3: memref<64x384xf32, #tpu.memory_space<vmem>>, %arg4: memref<9x384xf32, #tpu.memory_space<vmem>>, %arg5: memref<4x384xf32, #tpu.memory_space<vmem>>, %arg6: memref<16x384xf32, #tpu.memory_space<vmem>>, %arg7: memref<1x37x384xf32, #tpu.memory_space<vmem>>, %arg8: memref<1x2128x384xf32, #tpu.memory_space<vmem>>) attributes {dimension_semantics = [#tpu.dimension_semantics<arbitrary>], iteration_bounds = array<i64: 16>, scalar_prefetch = 0 : i64, scratch_operands = 0 : i64, tpu.core_type = #tpu.core_type<tc>, window_params = [{pipeline_mode = #tpu.pipeline_mode<synchronous>, transform_indices = @transform_0, window_bounds = array<i64: 16, 384>}, {pipeline_mode = #tpu.pipeline_mode<synchronous>, transform_indices = @transform_1, window_bounds = array<i64: 64, 384>}, {pipeline_mode = #tpu.pipeline_mode<synchronous>, transform_indices = @transform_2, window_bounds = array<i64: 64, 384>}, {pipeline_mode = #tpu.pipeline_mode<synchronous>, transform_indices = @transform_3, window_bounds = array<i64: 9, 384>}, {pipeline_mode = #tpu.pipeline_mode<synchronous>, transform_indices = @transform_4, window_bounds = array<i64: 4, 384>}, {pipeline_mode = #tpu.pipeline_mode<synchronous>, transform_indices = @transform_5, window_bounds = array<i64: 16, 384>}, {transform_indices = @transform_6, window_bounds = array<i64: 1, 37, 384>}, {transform_indices = @transform_7, window_bounds = array<i64: 1, 2128, 384>}]} {
    %get3A = arith.constant 0 : index
    %get3A_0 = arith.constant 0 : index
    %get3A_1 = vector.load %arg1[%get3A, %get3A_0] : memref<16x384xf32, #tpu.memory_space<vmem>>, vector<16x384xf32>
    %get3A_2 = arith.constant 0 : index
    %get3A_3 = arith.constant 0 : index
    %get3A_4 = vector.load %arg5[%get3A_2, %get3A_3] : memref<4x384xf32, #tpu.memory_space<vmem>>, vector<1x384xf32>
    %add3A = vector.broadcast %get3A_4 : vector<1x384xf32> to vector<16x384xf32>
    %add3A_5 = arith.addf %get3A_1, %add3A : vector<16x384xf32>
    %get3A_6 = arith.constant 0 : index
    %get3A_7 = arith.constant 0 : index
    %get3A_8 = vector.load %arg6[%get3A_6, %get3A_7] : memref<16x384xf32, #tpu.memory_space<vmem>>, vector<1x384xf32>
    %get3A_9 = arith.constant 0 : index
    %get3A_10 = arith.constant 0 : index
    %get3A_11 = arith.constant 0 : index
    %get3A_12 = vector.load %arg7[%get3A_9, %get3A_10, %get3A_11] : memref<1x37x384xf32, #tpu.memory_space<vmem>>, vector<1x1x384xf32>
    %get3A_13 = vector.shape_cast %get3A_12 : vector<1x1x384xf32> to vector<1x384xf32>
    %add3A_14 = arith.addf %get3A_8, %get3A_13 : vector<1x384xf32>
    %add3A_15 = vector.broadcast %add3A_14 : vector<1x384xf32> to vector<16x384xf32>
    %add3A_16 = arith.addf %add3A_5, %add3A_15 : vector<16x384xf32>
    %swap3A = arith.constant 0 : index
    %swap3A_17 = arith.constant 0 : index
    %swap3A_18 = arith.constant 0 : index
    %swap3A_19 = vector.load %arg8[%swap3A, %swap3A_17, %swap3A_18] : memref<1x2128x384xf32, #tpu.memory_space<vmem>>, vector<1x16x384xf32>
    %swap3A_20 = vector.shape_cast %swap3A_19 : vector<1x16x384xf32> to vector<16x384xf32>
    %swap3A_21 = vector.shape_cast %add3A_16 : vector<16x384xf32> to vector<1x16x384xf32>
    tpu.vector_store %arg8[%swap3A, %swap3A_17, %swap3A_18], %swap3A_21 {strides = array<i32>} : memref<1x2128x384xf32, #tpu.memory_space<vmem>>, vector<1x16x384xf32>,
    %get3A_22 = arith.constant 1 : index
    %get3A_23 = arith.constant 0 : index
    %get3A_24 = vector.load %arg6[%get3A_22, %get3A_23] : memref<16x384xf32, #tpu.memory_space<vmem>>, vector<1x384xf32>
    %get3A_25 = arith.constant 0 : index
    %get3A_26 = arith.constant 1 : index
    %get3A_27 = arith.constant 0 : index
    %get3A_28 = vector.load %arg7[%get3A_25, %get3A_26, %get3A_27] : memref<1x37x384xf32, #tpu.memory_space<vmem>>, vector<1x1x384xf32>
    %get3A_29 = vector.shape_cast %get3A_28 : vector<1x1x384xf32> to vector<1x384xf32>
    %add3A_30 = arith.addf %get3A_24, %get3A_29 : vector<1x384xf32>
    %add3A_31 = vector.broadcast %add3A_30 : vector<1x384xf32> to vector<16x384xf32>
    %add3A_32 = arith.addf %add3A_5, %add3A_31 : vector<16x384xf32>
    %swap3A_33 = arith.constant 0 : index
    %swap3A_34 = arith.constant 16 : index
    %swap3A_35 = arith.constant 0 : index
    %swap3A_36 = vector.load %arg8[%swap3A_33, %swap3A_34, %swap3A_35] : memref<1x2128x384xf32, #tpu.memory_space<vmem>>, vector<1x16x384xf32>
    %swap3A_37 = vector.shape_cast %swap3A_36 : vector<1x16x384xf32> to vector<16x384xf32>
    %swap3A_38 = vector.shape_cast %add3A_32 : vector<16x384xf32> to vector<1x16x384xf32>
    tpu.vector_store %arg8[%swap3A_33, %swap3A_34, %swap3A_35], %swap3A_38 {strides = array<i32>} : memref<1x2128x384xf32, #tpu.memory_space<vmem>>, vector<1x16x384xf32>,
    %get3A_39 = arith.constant 2 : index
    %get3A_40 = arith.constant 0 : index
    %get3A_41 = vector.load %arg6[%get3A_39, %get3A_40] : memref<16x384xf32, #tpu.memory_space<vmem>>, vector<1x384xf32>
    %get3A_42 = arith.constant 0 : index
    %get3A_43 = arith.constant 2 : index
    %get3A_44 = arith.constant 0 : index
    %get3A_45 = vector.load %arg7[%get3A_42, %get3A_43, %get3A_44] : memref<1x37x384xf32, #tpu.memory_space<vmem>>, vector<1x1x384xf32>
    %get3A_46 = vector.shape_cast %get3A_45 : vector<1x1x384xf32> to vector<1x384xf32>
    %add3A_47 = arith.addf %get3A_41, %get3A_46 : vector<1x384xf32>
    %add3A_48 = vector.broadcast %add3A_47 : vector<1x384xf32> to vector<16x384xf32>
    %add3A_49 = arith.addf %add3A_5, %add3A_48 : vector<16x384xf32>
    %swap3A_50 = arith.constant 0 : index
    %swap3A_51 = arith.constant 32 : index
    %swap3A_52 = arith.constant 0 : index
    %swap3A_53 = vector.load %arg8[%swap3A_50, %swap3A_51, %swap3A_52] : memref<1x2128x384xf32, #tpu.memory_space<vmem>>, vector<1x16x384xf32>
    %swap3A_54 = vector.shape_cast %swap3A_53 : vector<1x16x384xf32> to vector<16x384xf32>
    %swap3A_55 = vector.shape_cast %add3A_49 : vector<16x384xf32> to vector<1x16x384xf32>
    tpu.vector_store %arg8[%swap3A_50, %swap3A_51, %swap3A_52], %swap3A_55 {strides = array<i32>} : memref<1x2128x384xf32, #tpu.memory_space<vmem>>, vector<1x16x384xf32>,
    %get3A_56 = arith.constant 3 : index
    %get3A_57 = arith.constant 0 : index
    %get3A_58 = vector.load %arg6[%get3A_56, %get3A_57] : memref<16x384xf32, #tpu.memory_space<vmem>>, vector<1x384xf32>
    %get3A_59 = arith.constant 0 : index
    %get3A_60 = arith.constant 3 : index
    %get3A_61 = arith.constant 0 : index
    %get3A_62 = vector.load %arg7[%get3A_59, %get3A_60, %get3A_61] : memref<1x37x384xf32, #tpu.memory_space<vmem>>, vector<1x1x384xf32>
    %get3A_63 = vector.shape_cast %get3A_62 : vector<1x1x384xf32> to vector<1x384xf32>
    %add3A_64 = arith.addf %get3A_58, %get3A_63 : vector<1x384xf32>
    %add3A_65 = vector.broadcast %add3A_64 : vector<1x384xf32> to vector<16x384xf32>
    %add3A_66 = arith.addf %add3A_5, %add3A_65 : vector<16x384xf32>
    %swap3A_67 = arith.constant 0 : index
    %swap3A_68 = arith.constant 48 : index
    %swap3A_69 = arith.constant 0 : index
    %swap3A_70 = vector.load %arg8[%swap3A_67, %swap3A_68, %swap3A_69] : memref<1x2128x384xf32, #tpu.memory_space<vmem>>, vector<1x16x384xf32>
    %swap3A_71 = vector.shape_cast %swap3A_70 : vector<1x16x384xf32> to vector<16x384xf32>
    %swap3A_72 = vector.shape_cast %add3A_66 : vector<16x384xf32> to vector<1x16x384xf32>
    tpu.vector_store %arg8[%swap3A_67, %swap3A_68, %swap3A_69], %swap3A_72 {strides = array<i32>} : memref<1x2128x384xf32, #tpu.memory_space<vmem>>, vector<1x16x384xf32>,
    %get3A_73 = arith.constant 0 : index
    %get3A_74 = arith.constant 0 : index
    %get3A_75 = vector.load %arg2[%get3A_73, %get3A_74] : memref<64x384xf32, #tpu.memory_space<vmem>>, vector<64x384xf32>
    %get3A_76 = arith.constant 1 : index
    %get3A_77 = arith.constant 0 : index
    %get3A_78 = vector.load %arg5[%get3A_76, %get3A_77] : memref<4x384xf32, #tpu.memory_space<vmem>>, vector<1x384xf32>
    %add3A_79 = vector.broadcast %get3A_78 : vector<1x384xf32> to vector<64x384xf32>
    %add3A_80 = arith.addf %get3A_75, %add3A_79 : vector<64x384xf32>
    %get3A_81 = arith.constant 0 : index
    %get3A_82 = arith.constant 0 : index
    %get3A_83 = vector.load %arg6[%get3A_81, %get3A_82] : memref<16x384xf32, #tpu.memory_space<vmem>>, vector<1x384xf32>
    %get3A_84 = arith.constant 0 : index
    %get3A_85 = arith.constant 4 : index
    %get3A_86 = arith.constant 0 : index
    %get3A_87 = vector.load %arg7[%get3A_84, %get3A_85, %get3A_86] : memref<1x37x384xf32, #tpu.memory_space<vmem>>, vector<1x1x384xf32>
    %get3A_88 = vector.shape_cast %get3A_87 : vector<1x1x384xf32> to vector<1x384xf32>
    %add3A_89 = arith.addf %get3A_83, %get3A_88 : vector<1x384xf32>
    %add3A_90 = vector.broadcast %add3A_89 : vector<1x384xf32> to vector<64x384xf32>
    %add3A_91 = arith.addf %add3A_80, %add3A_90 : vector<64x384xf32>
    %swap3A_92 = arith.constant 0 : index
    %swap3A_93 = arith.constant 64 : index
    %swap3A_94 = arith.constant 0 : index
    %swap3A_95 = vector.load %arg8[%swap3A_92, %swap3A_93, %swap3A_94] : memref<1x2128x384xf32, #tpu.memory_space<vmem>>, vector<1x64x384xf32>
    %swap3A_96 = vector.shape_cast %swap3A_95 : vector<1x64x384xf32> to vector<64x384xf32>
    %swap3A_97 = vector.shape_cast %add3A_91 : vector<64x384xf32> to vector<1x64x384xf32>
    tpu.vector_store %arg8[%swap3A_92, %swap3A_93, %swap3A_94], %swap3A_97 {strides = array<i32>} : memref<1x2128x384xf32, #tpu.memory_space<vmem>>, vector<1x64x384xf32>,
    %get3A_98 = arith.constant 1 : index
    %get3A_99 = arith.constant 0 : index
    %get3A_100 = vector.load %arg6[%get3A_98, %get3A_99] : memref<16x384xf32, #tpu.memory_space<vmem>>, vector<1x384xf32>
    %get3A_101 = arith.constant 0 : index
    %get3A_102 = arith.constant 5 : index
    %get3A_103 = arith.constant 0 : index
    %get3A_104 = vector.load %arg7[%get3A_101, %get3A_102, %get3A_103] : memref<1x37x384xf32, #tpu.memory_space<vmem>>, vector<1x1x384xf32>
    %get3A_105 = vector.shape_cast %get3A_104 : vector<1x1x384xf32> to vector<1x384xf32>
    %add3A_106 = arith.addf %get3A_100, %get3A_105 : vector<1x384xf32>
    %add3A_107 = vector.broadcast %add3A_106 : vector<1x384xf32> to vector<64x384xf32>
    %add3A_108 = arith.addf %add3A_80, %add3A_107 : vector<64x384xf32>
    %swap3A_109 = arith.constant 0 : index
    %swap3A_110 = arith.constant 128 : index
    %swap3A_111 = arith.constant 0 : index
    %swap3A_112 = vector.load %arg8[%swap3A_109, %swap3A_110, %swap3A_111] : memref<1x2128x384xf32, #tpu.memory_space<vmem>>, vector<1x64x384xf32>
    %swap3A_113 = vector.shape_cast %swap3A_112 : vector<1x64x384xf32> to vector<64x384xf32>
    %swap3A_114 = vector.shape_cast %add3A_108 : vector<64x384xf32> to vector<1x64x384xf32>
    tpu.vector_store %arg8[%swap3A_109, %swap3A_110, %swap3A_111], %swap3A_114 {strides = array<i32>} : memref<1x2128x384xf32, #tpu.memory_space<vmem>>, vector<1x64x384xf32>,
    %get3A_115 = arith.constant 2 : index
    %get3A_116 = arith.constant 0 : index
    %get3A_117 = vector.load %arg6[%get3A_115, %get3A_116] : memref<16x384xf32, #tpu.memory_space<vmem>>, vector<1x384xf32>
    %get3A_118 = arith.constant 0 : index
    %get3A_119 = arith.constant 6 : index
    %get3A_120 = arith.constant 0 : index
    %get3A_121 = vector.load %arg7[%get3A_118, %get3A_119, %get3A_120] : memref<1x37x384xf32, #tpu.memory_space<vmem>>, vector<1x1x384xf32>
    %get3A_122 = vector.shape_cast %get3A_121 : vector<1x1x384xf32> to vector<1x384xf32>
    %add3A_123 = arith.addf %get3A_117, %get3A_122 : vector<1x384xf32>
    %add3A_124 = vector.broadcast %add3A_123 : vector<1x384xf32> to vector<64x384xf32>
    %add3A_125 = arith.addf %add3A_80, %add3A_124 : vector<64x384xf32>
    %swap3A_126 = arith.constant 0 : index
    %swap3A_127 = arith.constant 192 : index
    %swap3A_128 = arith.constant 0 : index
    %swap3A_129 = vector.load %arg8[%swap3A_126, %swap3A_127, %swap3A_128] : memref<1x2128x384xf32, #tpu.memory_space<vmem>>, vector<1x64x384xf32>
    %swap3A_130 = vector.shape_cast %swap3A_129 : vector<1x64x384xf32> to vector<64x384xf32>
    %swap3A_131 = vector.shape_cast %add3A_125 : vector<64x384xf32> to vector<1x64x384xf32>
    tpu.vector_store %arg8[%swap3A_126, %swap3A_127, %swap3A_128], %swap3A_131 {strides = array<i32>} : memref<1x2128x384xf32, #tpu.memory_space<vmem>>, vector<1x64x384xf32>,
    %get3A_132 = arith.constant 3 : index
    %get3A_133 = arith.constant 0 : index
    %get3A_134 = vector.load %arg6[%get3A_132, %get3A_133] : memref<16x384xf32, #tpu.memory_space<vmem>>, vector<1x384xf32>
    %get3A_135 = arith.constant 0 : index
    %get3A_136 = arith.constant 7 : index
    %get3A_137 = arith.constant 0 : index
    %get3A_138 = vector.load %arg7[%get3A_135, %get3A_136, %get3A_137] : memref<1x37x384xf32, #tpu.memory_space<vmem>>, vector<1x1x384xf32>
    %get3A_139 = vector.shape_cast %get3A_138 : vector<1x1x384xf32> to vector<1x384xf32>
    %add3A_140 = arith.addf %get3A_134, %get3A_139 : vector<1x384xf32>
    %add3A_141 = vector.broadcast %add3A_140 : vector<1x384xf32> to vector<64x384xf32>
    %add3A_142 = arith.addf %add3A_80, %add3A_141 : vector<64x384xf32>
    %swap3A_143 = arith.constant 0 : index
    %swap3A_144 = arith.constant 256 : index
    %swap3A_145 = arith.constant 0 : index
    %swap3A_146 = vector.load %arg8[%swap3A_143, %swap3A_144, %swap3A_145] : memref<1x2128x384xf32, #tpu.memory_space<vmem>>, vector<1x64x384xf32>
    %swap3A_147 = vector.shape_cast %swap3A_146 : vector<1x64x384xf32> to vector<64x384xf32>
    %swap3A_148 = vector.shape_cast %add3A_142 : vector<64x384xf32> to vector<1x64x384xf32>
    tpu.vector_store %arg8[%swap3A_143, %swap3A_144, %swap3A_145], %swap3A_148 {strides = array<i32>} : memref<1x2128x384xf32, #tpu.memory_space<vmem>>, vector<1x64x384xf32>,
    %get3A_149 = arith.constant 4 : index
    %get3A_150 = arith.constant 0 : index
    %get3A_151 = vector.load %arg6[%get3A_149, %get3A_150] : memref<16x384xf32, #tpu.memory_space<vmem>>, vector<1x384xf32>
    %get3A_152 = arith.constant 0 : index
    %get3A_153 = arith.constant 8 : index
    %get3A_154 = arith.constant 0 : index
    %get3A_155 = vector.load %arg7[%get3A_152, %get3A_153, %get3A_154] : memref<1x37x384xf32, #tpu.memory_space<vmem>>, vector<1x1x384xf32>
    %get3A_156 = vector.shape_cast %get3A_155 : vector<1x1x384xf32> to vector<1x384xf32>
    %add3A_157 = arith.addf %get3A_151, %get3A_156 : vector<1x384xf32>
    %add3A_158 = vector.broadcast %add3A_157 : vector<1x384xf32> to vector<64x384xf32>
    %add3A_159 = arith.addf %add3A_80, %add3A_158 : vector<64x384xf32>
    %swap3A_160 = arith.constant 0 : index
    %swap3A_161 = arith.constant 320 : index
    %swap3A_162 = arith.constant 0 : index
    %swap3A_163 = vector.load %arg8[%swap3A_160, %swap3A_161, %swap3A_162] : memref<1x2128x384xf32, #tpu.memory_space<vmem>>, vector<1x64x384xf32>
    %swap3A_164 = vector.shape_cast %swap3A_163 : vector<1x64x384xf32> to vector<64x384xf32>
    %swap3A_165 = vector.shape_cast %add3A_159 : vector<64x384xf32> to vector<1x64x384xf32>
    tpu.vector_store %arg8[%swap3A_160, %swap3A_161, %swap3A_162], %swap3A_165 {strides = array<i32>} : memref<1x2128x384xf32, #tpu.memory_space<vmem>>, vector<1x64x384xf32>,
    %get3A_166 = arith.constant 5 : index
    %get3A_167 = arith.constant 0 : index
    %get3A_168 = vector.load %arg6[%get3A_166, %get3A_167] : memref<16x384xf32, #tpu.memory_space<vmem>>, vector<1x384xf32>
    %get3A_169 = arith.constant 0 : index
    %get3A_170 = arith.constant 9 : index
    %get3A_171 = arith.constant 0 : index
    %get3A_172 = vector.load %arg7[%get3A_169, %get3A_170, %get3A_171] : memref<1x37x384xf32, #tpu.memory_space<vmem>>, vector<1x1x384xf32>
    %get3A_173 = vector.shape_cast %get3A_172 : vector<1x1x384xf32> to vector<1x384xf32>
    %add3A_174 = arith.addf %get3A_168, %get3A_173 : vector<1x384xf32>
    %add3A_175 = vector.broadcast %add3A_174 : vector<1x384xf32> to vector<64x384xf32>
    %add3A_176 = arith.addf %add3A_80, %add3A_175 : vector<64x384xf32>
    %swap3A_177 = arith.constant 0 : index
    %swap3A_178 = arith.constant 384 : index
    %swap3A_179 = arith.constant 0 : index
    %swap3A_180 = vector.load %arg8[%swap3A_177, %swap3A_178, %swap3A_179] : memref<1x2128x384xf32, #tpu.memory_space<vmem>>, vector<1x64x384xf32>
    %swap3A_181 = vector.shape_cast %swap3A_180 : vector<1x64x384xf32> to vector<64x384xf32>
    %swap3A_182 = vector.shape_cast %add3A_176 : vector<64x384xf32> to vector<1x64x384xf32>
    tpu.vector_store %arg8[%swap3A_177, %swap3A_178, %swap3A_179], %swap3A_182 {strides = array<i32>} : memref<1x2128x384xf32, #tpu.memory_space<vmem>>, vector<1x64x384xf32>,
    %get3A_183 = arith.constant 6 : index
    %get3A_184 = arith.constant 0 : index
    %get3A_185 = vector.load %arg6[%get3A_183, %get3A_184] : memref<16x384xf32, #tpu.memory_space<vmem>>, vector<1x384xf32>
    %get3A_186 = arith.constant 0 : index
    %get3A_187 = arith.constant 10 : index
    %get3A_188 = arith.constant 0 : index
    %get3A_189 = vector.load %arg7[%get3A_186, %get3A_187, %get3A_188] : memref<1x37x384xf32, #tpu.memory_space<vmem>>, vector<1x1x384xf32>
    %get3A_190 = vector.shape_cast %get3A_189 : vector<1x1x384xf32> to vector<1x384xf32>
    %add3A_191 = arith.addf %get3A_185, %get3A_190 : vector<1x384xf32>
    %add3A_192 = vector.broadcast %add3A_191 : vector<1x384xf32> to vector<64x384xf32>
    %add3A_193 = arith.addf %add3A_80, %add3A_192 : vector<64x384xf32>
    %swap3A_194 = arith.constant 0 : index
    %swap3A_195 = arith.constant 448 : index
    %swap3A_196 = arith.constant 0 : index
    %swap3A_197 = vector.load %arg8[%swap3A_194, %swap3A_195, %swap3A_196] : memref<1x2128x384xf32, #tpu.memory_space<vmem>>, vector<1x64x384xf32>
    %swap3A_198 = vector.shape_cast %swap3A_197 : vector<1x64x384xf32> to vector<64x384xf32>
    %swap3A_199 = vector.shape_cast %add3A_193 : vector<64x384xf32> to vector<1x64x384xf32>
    tpu.vector_store %arg8[%swap3A_194, %swap3A_195, %swap3A_196], %swap3A_199 {strides = array<i32>} : memref<1x2128x384xf32, #tpu.memory_space<vmem>>, vector<1x64x384xf32>,
    %get3A_200 = arith.constant 7 : index
    %get3A_201 = arith.constant 0 : index
    %get3A_202 = vector.load %arg6[%get3A_200, %get3A_201] : memref<16x384xf32, #tpu.memory_space<vmem>>, vector<1x384xf32>
    %get3A_203 = arith.constant 0 : index
    %get3A_204 = arith.constant 11 : index
    %get3A_205 = arith.constant 0 : index
    %get3A_206 = vector.load %arg7[%get3A_203, %get3A_204, %get3A_205] : memref<1x37x384xf32, #tpu.memory_space<vmem>>, vector<1x1x384xf32>
    %get3A_207 = vector.shape_cast %get3A_206 : vector<1x1x384xf32> to vector<1x384xf32>
    %add3A_208 = arith.addf %get3A_202, %get3A_207 : vector<1x384xf32>
    %add3A_209 = vector.broadcast %add3A_208 : vector<1x384xf32> to vector<64x384xf32>
    %add3A_210 = arith.addf %add3A_80, %add3A_209 : vector<64x384xf32>
    %swap3A_211 = arith.constant 0 : index
    %swap3A_212 = arith.constant 512 : index
    %swap3A_213 = arith.constant 0 : index
    %swap3A_214 = vector.load %arg8[%swap3A_211, %swap3A_212, %swap3A_213] : memref<1x2128x384xf32, #tpu.memory_space<vmem>>, vector<1x64x384xf32>
    %swap3A_215 = vector.shape_cast %swap3A_214 : vector<1x64x384xf32> to vector<64x384xf32>
    %swap3A_216 = vector.shape_cast %add3A_210 : vector<64x384xf32> to vector<1x64x384xf32>
    tpu.vector_store %arg8[%swap3A_211, %swap3A_212, %swap3A_213], %swap3A_216 {strides = array<i32>} : memref<1x2128x384xf32, #tpu.memory_space<vmem>>, vector<1x64x384xf32>,
    %get3A_217 = arith.constant 8 : index
    %get3A_218 = arith.constant 0 : index
    %get3A_219 = vector.load %arg6[%get3A_217, %get3A_218] : memref<16x384xf32, #tpu.memory_space<vmem>>, vector<1x384xf32>
    %get3A_220 = arith.constant 0 : index
    %get3A_221 = arith.constant 12 : index
    %get3A_222 = arith.constant 0 : index
    %get3A_223 = vector.load %arg7[%get3A_220, %get3A_221, %get3A_222] : memref<1x37x384xf32, #tpu.memory_space<vmem>>, vector<1x1x384xf32>
    %get3A_224 = vector.shape_cast %get3A_223 : vector<1x1x384xf32> to vector<1x384xf32>
    %add3A_225 = arith.addf %get3A_219, %get3A_224 : vector<1x384xf32>
    %add3A_226 = vector.broadcast %add3A_225 : vector<1x384xf32> to vector<64x384xf32>
    %add3A_227 = arith.addf %add3A_80, %add3A_226 : vector<64x384xf32>
    %swap3A_228 = arith.constant 0 : index
    %swap3A_229 = arith.constant 576 : index
    %swap3A_230 = arith.constant 0 : index
    %swap3A_231 = vector.load %arg8[%swap3A_228, %swap3A_229, %swap3A_230] : memref<1x2128x384xf32, #tpu.memory_space<vmem>>, vector<1x64x384xf32>
    %swap3A_232 = vector.shape_cast %swap3A_231 : vector<1x64x384xf32> to vector<64x384xf32>
    %swap3A_233 = vector.shape_cast %add3A_227 : vector<64x384xf32> to vector<1x64x384xf32>
    tpu.vector_store %arg8[%swap3A_228, %swap3A_229, %swap3A_230], %swap3A_233 {strides = array<i32>} : memref<1x2128x384xf32, #tpu.memory_space<vmem>>, vector<1x64x384xf32>,
    %get3A_234 = arith.constant 9 : index
    %get3A_235 = arith.constant 0 : index
    %get3A_236 = vector.load %arg6[%get3A_234, %get3A_235] : memref<16x384xf32, #tpu.memory_space<vmem>>, vector<1x384xf32>
    %get3A_237 = arith.constant 0 : index
    %get3A_238 = arith.constant 13 : index
    %get3A_239 = arith.constant 0 : index
    %get3A_240 = vector.load %arg7[%get3A_237, %get3A_238, %get3A_239] : memref<1x37x384xf32, #tpu.memory_space<vmem>>, vector<1x1x384xf32>
    %get3A_241 = vector.shape_cast %get3A_240 : vector<1x1x384xf32> to vector<1x384xf32>
    %add3A_242 = arith.addf %get3A_236, %get3A_241 : vector<1x384xf32>
    %add3A_243 = vector.broadcast %add3A_242 : vector<1x384xf32> to vector<64x384xf32>
    %add3A_244 = arith.addf %add3A_80, %add3A_243 : vector<64x384xf32>
    %swap3A_245 = arith.constant 0 : index
    %swap3A_246 = arith.constant 640 : index
    %swap3A_247 = arith.constant 0 : index
    %swap3A_248 = vector.load %arg8[%swap3A_245, %swap3A_246, %swap3A_247] : memref<1x2128x384xf32, #tpu.memory_space<vmem>>, vector<1x64x384xf32>
    %swap3A_249 = vector.shape_cast %swap3A_248 : vector<1x64x384xf32> to vector<64x384xf32>
    %swap3A_250 = vector.shape_cast %add3A_244 : vector<64x384xf32> to vector<1x64x384xf32>
    tpu.vector_store %arg8[%swap3A_245, %swap3A_246, %swap3A_247], %swap3A_250 {strides = array<i32>} : memref<1x2128x384xf32, #tpu.memory_space<vmem>>, vector<1x64x384xf32>,
    %get3A_251 = arith.constant 10 : index
    %get3A_252 = arith.constant 0 : index
    %get3A_253 = vector.load %arg6[%get3A_251, %get3A_252] : memref<16x384xf32, #tpu.memory_space<vmem>>, vector<1x384xf32>
    %get3A_254 = arith.constant 0 : index
    %get3A_255 = arith.constant 14 : index
    %get3A_256 = arith.constant 0 : index
    %get3A_257 = vector.load %arg7[%get3A_254, %get3A_255, %get3A_256] : memref<1x37x384xf32, #tpu.memory_space<vmem>>, vector<1x1x384xf32>
    %get3A_258 = vector.shape_cast %get3A_257 : vector<1x1x384xf32> to vector<1x384xf32>
    %add3A_259 = arith.addf %get3A_253, %get3A_258 : vector<1x384xf32>
    %add3A_260 = vector.broadcast %add3A_259 : vector<1x384xf32> to vector<64x384xf32>
    %add3A_261 = arith.addf %add3A_80, %add3A_260 : vector<64x384xf32>
    %swap3A_262 = arith.constant 0 : index
    %swap3A_263 = arith.constant 704 : index
    %swap3A_264 = arith.constant 0 : index
    %swap3A_265 = vector.load %arg8[%swap3A_262, %swap3A_263, %swap3A_264] : memref<1x2128x384xf32, #tpu.memory_space<vmem>>, vector<1x64x384xf32>
    %swap3A_266 = vector.shape_cast %swap3A_265 : vector<1x64x384xf32> to vector<64x384xf32>
    %swap3A_267 = vector.shape_cast %add3A_261 : vector<64x384xf32> to vector<1x64x384xf32>
    tpu.vector_store %arg8[%swap3A_262, %swap3A_263, %swap3A_264], %swap3A_267 {strides = array<i32>} : memref<1x2128x384xf32, #tpu.memory_space<vmem>>, vector<1x64x384xf32>,
    %get3A_268 = arith.constant 11 : index
    %get3A_269 = arith.constant 0 : index
    %get3A_270 = vector.load %arg6[%get3A_268, %get3A_269] : memref<16x384xf32, #tpu.memory_space<vmem>>, vector<1x384xf32>
    %get3A_271 = arith.constant 0 : index
    %get3A_272 = arith.constant 15 : index
    %get3A_273 = arith.constant 0 : index
    %get3A_274 = vector.load %arg7[%get3A_271, %get3A_272, %get3A_273] : memref<1x37x384xf32, #tpu.memory_space<vmem>>, vector<1x1x384xf32>
    %get3A_275 = vector.shape_cast %get3A_274 : vector<1x1x384xf32> to vector<1x384xf32>
    %add3A_276 = arith.addf %get3A_270, %get3A_275 : vector<1x384xf32>
    %add3A_277 = vector.broadcast %add3A_276 : vector<1x384xf32> to vector<64x384xf32>
    %add3A_278 = arith.addf %add3A_80, %add3A_277 : vector<64x384xf32>
    %swap3A_279 = arith.constant 0 : index
    %swap3A_280 = arith.constant 768 : index
    %swap3A_281 = arith.constant 0 : index
    %swap3A_282 = vector.load %arg8[%swap3A_279, %swap3A_280, %swap3A_281] : memref<1x2128x384xf32, #tpu.memory_space<vmem>>, vector<1x64x384xf32>
    %swap3A_283 = vector.shape_cast %swap3A_282 : vector<1x64x384xf32> to vector<64x384xf32>
    %swap3A_284 = vector.shape_cast %add3A_278 : vector<64x384xf32> to vector<1x64x384xf32>
    tpu.vector_store %arg8[%swap3A_279, %swap3A_280, %swap3A_281], %swap3A_284 {strides = array<i32>} : memref<1x2128x384xf32, #tpu.memory_space<vmem>>, vector<1x64x384xf32>,
    %get3A_285 = arith.constant 12 : index
    %get3A_286 = arith.constant 0 : index
    %get3A_287 = vector.load %arg6[%get3A_285, %get3A_286] : memref<16x384xf32, #tpu.memory_space<vmem>>, vector<1x384xf32>
    %get3A_288 = arith.constant 0 : index
    %get3A_289 = arith.constant 16 : index
    %get3A_290 = arith.constant 0 : index
    %get3A_291 = vector.load %arg7[%get3A_288, %get3A_289, %get3A_290] : memref<1x37x384xf32, #tpu.memory_space<vmem>>, vector<1x1x384xf32>
    %get3A_292 = vector.shape_cast %get3A_291 : vector<1x1x384xf32> to vector<1x384xf32>
    %add3A_293 = arith.addf %get3A_287, %get3A_292 : vector<1x384xf32>
    %add3A_294 = vector.broadcast %add3A_293 : vector<1x384xf32> to vector<64x384xf32>
    %add3A_295 = arith.addf %add3A_80, %add3A_294 : vector<64x384xf32>
    %swap3A_296 = arith.constant 0 : index
    %swap3A_297 = arith.constant 832 : index
    %swap3A_298 = arith.constant 0 : index
    %swap3A_299 = vector.load %arg8[%swap3A_296, %swap3A_297, %swap3A_298] : memref<1x2128x384xf32, #tpu.memory_space<vmem>>, vector<1x64x384xf32>
    %swap3A_300 = vector.shape_cast %swap3A_299 : vector<1x64x384xf32> to vector<64x384xf32>
    %swap3A_301 = vector.shape_cast %add3A_295 : vector<64x384xf32> to vector<1x64x384xf32>
    tpu.vector_store %arg8[%swap3A_296, %swap3A_297, %swap3A_298], %swap3A_301 {strides = array<i32>} : memref<1x2128x384xf32, #tpu.memory_space<vmem>>, vector<1x64x384xf32>,
    %get3A_302 = arith.constant 13 : index
    %get3A_303 = arith.constant 0 : index
    %get3A_304 = vector.load %arg6[%get3A_302, %get3A_303] : memref<16x384xf32, #tpu.memory_space<vmem>>, vector<1x384xf32>
    %get3A_305 = arith.constant 0 : index
    %get3A_306 = arith.constant 17 : index
    %get3A_307 = arith.constant 0 : index
    %get3A_308 = vector.load %arg7[%get3A_305, %get3A_306, %get3A_307] : memref<1x37x384xf32, #tpu.memory_space<vmem>>, vector<1x1x384xf32>
    %get3A_309 = vector.shape_cast %get3A_308 : vector<1x1x384xf32> to vector<1x384xf32>
    %add3A_310 = arith.addf %get3A_304, %get3A_309 : vector<1x384xf32>
    %add3A_311 = vector.broadcast %add3A_310 : vector<1x384xf32> to vector<64x384xf32>
    %add3A_312 = arith.addf %add3A_80, %add3A_311 : vector<64x384xf32>
    %swap3A_313 = arith.constant 0 : index
    %swap3A_314 = arith.constant 896 : index
    %swap3A_315 = arith.constant 0 : index
    %swap3A_316 = vector.load %arg8[%swap3A_313, %swap3A_314, %swap3A_315] : memref<1x2128x384xf32, #tpu.memory_space<vmem>>, vector<1x64x384xf32>
    %swap3A_317 = vector.shape_cast %swap3A_316 : vector<1x64x384xf32> to vector<64x384xf32>
    %swap3A_318 = vector.shape_cast %add3A_312 : vector<64x384xf32> to vector<1x64x384xf32>
    tpu.vector_store %arg8[%swap3A_313, %swap3A_314, %swap3A_315], %swap3A_318 {strides = array<i32>} : memref<1x2128x384xf32, #tpu.memory_space<vmem>>, vector<1x64x384xf32>,
    %get3A_319 = arith.constant 14 : index
    %get3A_320 = arith.constant 0 : index
    %get3A_321 = vector.load %arg6[%get3A_319, %get3A_320] : memref<16x384xf32, #tpu.memory_space<vmem>>, vector<1x384xf32>
    %get3A_322 = arith.constant 0 : index
    %get3A_323 = arith.constant 18 : index
    %get3A_324 = arith.constant 0 : index
    %get3A_325 = vector.load %arg7[%get3A_322, %get3A_323, %get3A_324] : memref<1x37x384xf32, #tpu.memory_space<vmem>>, vector<1x1x384xf32>
    %get3A_326 = vector.shape_cast %get3A_325 : vector<1x1x384xf32> to vector<1x384xf32>
    %add3A_327 = arith.addf %get3A_321, %get3A_326 : vector<1x384xf32>
    %add3A_328 = vector.broadcast %add3A_327 : vector<1x384xf32> to vector<64x384xf32>
    %add3A_329 = arith.addf %add3A_80, %add3A_328 : vector<64x384xf32>
    %swap3A_330 = arith.constant 0 : index
    %swap3A_331 = arith.constant 960 : index
    %swap3A_332 = arith.constant 0 : index
    %swap3A_333 = vector.load %arg8[%swap3A_330, %swap3A_331, %swap3A_332] : memref<1x2128x384xf32, #tpu.memory_space<vmem>>, vector<1x64x384xf32>
    %swap3A_334 = vector.shape_cast %swap3A_333 : vector<1x64x384xf32> to vector<64x384xf32>
    %swap3A_335 = vector.shape_cast %add3A_329 : vector<64x384xf32> to vector<1x64x384xf32>
    tpu.vector_store %arg8[%swap3A_330, %swap3A_331, %swap3A_332], %swap3A_335 {strides = array<i32>} : memref<1x2128x384xf32, #tpu.memory_space<vmem>>, vector<1x64x384xf32>,
    %get3A_336 = arith.constant 15 : index
    %get3A_337 = arith.constant 0 : index
    %get3A_338 = vector.load %arg6[%get3A_336, %get3A_337] : memref<16x384xf32, #tpu.memory_space<vmem>>, vector<1x384xf32>
    %get3A_339 = arith.constant 0 : index
    %get3A_340 = arith.constant 19 : index
    %get3A_341 = arith.constant 0 : index
    %get3A_342 = vector.load %arg7[%get3A_339, %get3A_340, %get3A_341] : memref<1x37x384xf32, #tpu.memory_space<vmem>>, vector<1x1x384xf32>
    %get3A_343 = vector.shape_cast %get3A_342 : vector<1x1x384xf32> to vector<1x384xf32>
    %add3A_344 = arith.addf %get3A_338, %get3A_343 : vector<1x384xf32>
    %add3A_345 = vector.broadcast %add3A_344 : vector<1x384xf32> to vector<64x384xf32>
    %add3A_346 = arith.addf %add3A_80, %add3A_345 : vector<64x384xf32>
    %swap3A_347 = arith.constant 0 : index
    %swap3A_348 = arith.constant 1024 : index
    %swap3A_349 = arith.constant 0 : index
    %swap3A_350 = vector.load %arg8[%swap3A_347, %swap3A_348, %swap3A_349] : memref<1x2128x384xf32, #tpu.memory_space<vmem>>, vector<1x64x384xf32>
    %swap3A_351 = vector.shape_cast %swap3A_350 : vector<1x64x384xf32> to vector<64x384xf32>
    %swap3A_352 = vector.shape_cast %add3A_346 : vector<64x384xf32> to vector<1x64x384xf32>
    tpu.vector_store %arg8[%swap3A_347, %swap3A_348, %swap3A_349], %swap3A_352 {strides = array<i32>} : memref<1x2128x384xf32, #tpu.memory_space<vmem>>, vector<1x64x384xf32>,
    %get3A_353 = arith.constant 0 : index
    %get3A_354 = arith.constant 0 : index
    %get3A_355 = vector.load %arg3[%get3A_353, %get3A_354] : memref<64x384xf32, #tpu.memory_space<vmem>>, vector<64x384xf32>
    %get3A_356 = arith.constant 2 : index
    %get3A_357 = arith.constant 0 : index
    %get3A_358 = vector.load %arg5[%get3A_356, %get3A_357] : memref<4x384xf32, #tpu.memory_space<vmem>>, vector<1x384xf32>
    %add3A_359 = vector.broadcast %get3A_358 : vector<1x384xf32> to vector<64x384xf32>
    %add3A_360 = arith.addf %get3A_355, %add3A_359 : vector<64x384xf32>
    %get3A_361 = arith.constant 0 : index
    %get3A_362 = arith.constant 0 : index
    %get3A_363 = vector.load %arg6[%get3A_361, %get3A_362] : memref<16x384xf32, #tpu.memory_space<vmem>>, vector<1x384xf32>
    %get3A_364 = arith.constant 0 : index
    %get3A_365 = arith.constant 20 : index
    %get3A_366 = arith.constant 0 : index
    %get3A_367 = vector.load %arg7[%get3A_364, %get3A_365, %get3A_366] : memref<1x37x384xf32, #tpu.memory_space<vmem>>, vector<1x1x384xf32>
    %get3A_368 = vector.shape_cast %get3A_367 : vector<1x1x384xf32> to vector<1x384xf32>
    %add3A_369 = arith.addf %get3A_363, %get3A_368 : vector<1x384xf32>
    %add3A_370 = vector.broadcast %add3A_369 : vector<1x384xf32> to vector<64x384xf32>
    %add3A_371 = arith.addf %add3A_360, %add3A_370 : vector<64x384xf32>
    %swap3A_372 = arith.constant 0 : index
    %swap3A_373 = arith.constant 1088 : index
    %swap3A_374 = arith.constant 0 : index
    %swap3A_375 = vector.load %arg8[%swap3A_372, %swap3A_373, %swap3A_374] : memref<1x2128x384xf32, #tpu.memory_space<vmem>>, vector<1x64x384xf32>
    %swap3A_376 = vector.shape_cast %swap3A_375 : vector<1x64x384xf32> to vector<64x384xf32>
    %swap3A_377 = vector.shape_cast %add3A_371 : vector<64x384xf32> to vector<1x64x384xf32>
    tpu.vector_store %arg8[%swap3A_372, %swap3A_373, %swap3A_374], %swap3A_377 {strides = array<i32>} : memref<1x2128x384xf32, #tpu.memory_space<vmem>>, vector<1x64x384xf32>,
    %get3A_378 = arith.constant 1 : index
    %get3A_379 = arith.constant 0 : index
    %get3A_380 = vector.load %arg6[%get3A_378, %get3A_379] : memref<16x384xf32, #tpu.memory_space<vmem>>, vector<1x384xf32>
    %get3A_381 = arith.constant 0 : index
    %get3A_382 = arith.constant 21 : index
    %get3A_383 = arith.constant 0 : index
    %get3A_384 = vector.load %arg7[%get3A_381, %get3A_382, %get3A_383] : memref<1x37x384xf32, #tpu.memory_space<vmem>>, vector<1x1x384xf32>
    %get3A_385 = vector.shape_cast %get3A_384 : vector<1x1x384xf32> to vector<1x384xf32>
    %add3A_386 = arith.addf %get3A_380, %get3A_385 : vector<1x384xf32>
    %add3A_387 = vector.broadcast %add3A_386 : vector<1x384xf32> to vector<64x384xf32>
    %add3A_388 = arith.addf %add3A_360, %add3A_387 : vector<64x384xf32>
    %swap3A_389 = arith.constant 0 : index
    %swap3A_390 = arith.constant 1152 : index
    %swap3A_391 = arith.constant 0 : index
    %swap3A_392 = vector.load %arg8[%swap3A_389, %swap3A_390, %swap3A_391] : memref<1x2128x384xf32, #tpu.memory_space<vmem>>, vector<1x64x384xf32>
    %swap3A_393 = vector.shape_cast %swap3A_392 : vector<1x64x384xf32> to vector<64x384xf32>
    %swap3A_394 = vector.shape_cast %add3A_388 : vector<64x384xf32> to vector<1x64x384xf32>
    tpu.vector_store %arg8[%swap3A_389, %swap3A_390, %swap3A_391], %swap3A_394 {strides = array<i32>} : memref<1x2128x384xf32, #tpu.memory_space<vmem>>, vector<1x64x384xf32>,
    %get3A_395 = arith.constant 2 : index
    %get3A_396 = arith.constant 0 : index
    %get3A_397 = vector.load %arg6[%get3A_395, %get3A_396] : memref<16x384xf32, #tpu.memory_space<vmem>>, vector<1x384xf32>
    %get3A_398 = arith.constant 0 : index
    %get3A_399 = arith.constant 22 : index
    %get3A_400 = arith.constant 0 : index
    %get3A_401 = vector.load %arg7[%get3A_398, %get3A_399, %get3A_400] : memref<1x37x384xf32, #tpu.memory_space<vmem>>, vector<1x1x384xf32>
    %get3A_402 = vector.shape_cast %get3A_401 : vector<1x1x384xf32> to vector<1x384xf32>
    %add3A_403 = arith.addf %get3A_397, %get3A_402 : vector<1x384xf32>
    %add3A_404 = vector.broadcast %add3A_403 : vector<1x384xf32> to vector<64x384xf32>
    %add3A_405 = arith.addf %add3A_360, %add3A_404 : vector<64x384xf32>
    %swap3A_406 = arith.constant 0 : index
    %swap3A_407 = arith.constant 1216 : index
    %swap3A_408 = arith.constant 0 : index
    %swap3A_409 = vector.load %arg8[%swap3A_406, %swap3A_407, %swap3A_408] : memref<1x2128x384xf32, #tpu.memory_space<vmem>>, vector<1x64x384xf32>
    %swap3A_410 = vector.shape_cast %swap3A_409 : vector<1x64x384xf32> to vector<64x384xf32>
    %swap3A_411 = vector.shape_cast %add3A_405 : vector<64x384xf32> to vector<1x64x384xf32>
    tpu.vector_store %arg8[%swap3A_406, %swap3A_407, %swap3A_408], %swap3A_411 {strides = array<i32>} : memref<1x2128x384xf32, #tpu.memory_space<vmem>>, vector<1x64x384xf32>,
    %get3A_412 = arith.constant 3 : index
    %get3A_413 = arith.constant 0 : index
    %get3A_414 = vector.load %arg6[%get3A_412, %get3A_413] : memref<16x384xf32, #tpu.memory_space<vmem>>, vector<1x384xf32>
    %get3A_415 = arith.constant 0 : index
    %get3A_416 = arith.constant 23 : index
    %get3A_417 = arith.constant 0 : index
    %get3A_418 = vector.load %arg7[%get3A_415, %get3A_416, %get3A_417] : memref<1x37x384xf32, #tpu.memory_space<vmem>>, vector<1x1x384xf32>
    %get3A_419 = vector.shape_cast %get3A_418 : vector<1x1x384xf32> to vector<1x384xf32>
    %add3A_420 = arith.addf %get3A_414, %get3A_419 : vector<1x384xf32>
    %add3A_421 = vector.broadcast %add3A_420 : vector<1x384xf32> to vector<64x384xf32>
    %add3A_422 = arith.addf %add3A_360, %add3A_421 : vector<64x384xf32>
    %swap3A_423 = arith.constant 0 : index
    %swap3A_424 = arith.constant 1280 : index
    %swap3A_425 = arith.constant 0 : index
    %swap3A_426 = vector.load %arg8[%swap3A_423, %swap3A_424, %swap3A_425] : memref<1x2128x384xf32, #tpu.memory_space<vmem>>, vector<1x64x384xf32>
    %swap3A_427 = vector.shape_cast %swap3A_426 : vector<1x64x384xf32> to vector<64x384xf32>
    %swap3A_428 = vector.shape_cast %add3A_422 : vector<64x384xf32> to vector<1x64x384xf32>
    tpu.vector_store %arg8[%swap3A_423, %swap3A_424, %swap3A_425], %swap3A_428 {strides = array<i32>} : memref<1x2128x384xf32, #tpu.memory_space<vmem>>, vector<1x64x384xf32>,
    %get3A_429 = arith.constant 4 : index
    %get3A_430 = arith.constant 0 : index
    %get3A_431 = vector.load %arg6[%get3A_429, %get3A_430] : memref<16x384xf32, #tpu.memory_space<vmem>>, vector<1x384xf32>
    %get3A_432 = arith.constant 0 : index
    %get3A_433 = arith.constant 24 : index
    %get3A_434 = arith.constant 0 : index
    %get3A_435 = vector.load %arg7[%get3A_432, %get3A_433, %get3A_434] : memref<1x37x384xf32, #tpu.memory_space<vmem>>, vector<1x1x384xf32>
    %get3A_436 = vector.shape_cast %get3A_435 : vector<1x1x384xf32> to vector<1x384xf32>
    %add3A_437 = arith.addf %get3A_431, %get3A_436 : vector<1x384xf32>
    %add3A_438 = vector.broadcast %add3A_437 : vector<1x384xf32> to vector<64x384xf32>
    %add3A_439 = arith.addf %add3A_360, %add3A_438 : vector<64x384xf32>
    %swap3A_440 = arith.constant 0 : index
    %swap3A_441 = arith.constant 1344 : index
    %swap3A_442 = arith.constant 0 : index
    %swap3A_443 = vector.load %arg8[%swap3A_440, %swap3A_441, %swap3A_442] : memref<1x2128x384xf32, #tpu.memory_space<vmem>>, vector<1x64x384xf32>
    %swap3A_444 = vector.shape_cast %swap3A_443 : vector<1x64x384xf32> to vector<64x384xf32>
    %swap3A_445 = vector.shape_cast %add3A_439 : vector<64x384xf32> to vector<1x64x384xf32>
    tpu.vector_store %arg8[%swap3A_440, %swap3A_441, %swap3A_442], %swap3A_445 {strides = array<i32>} : memref<1x2128x384xf32, #tpu.memory_space<vmem>>, vector<1x64x384xf32>,
    %get3A_446 = arith.constant 5 : index
    %get3A_447 = arith.constant 0 : index
    %get3A_448 = vector.load %arg6[%get3A_446, %get3A_447] : memref<16x384xf32, #tpu.memory_space<vmem>>, vector<1x384xf32>
    %get3A_449 = arith.constant 0 : index
    %get3A_450 = arith.constant 25 : index
    %get3A_451 = arith.constant 0 : index
    %get3A_452 = vector.load %arg7[%get3A_449, %get3A_450, %get3A_451] : memref<1x37x384xf32, #tpu.memory_space<vmem>>, vector<1x1x384xf32>
    %get3A_453 = vector.shape_cast %get3A_452 : vector<1x1x384xf32> to vector<1x384xf32>
    %add3A_454 = arith.addf %get3A_448, %get3A_453 : vector<1x384xf32>
    %add3A_455 = vector.broadcast %add3A_454 : vector<1x384xf32> to vector<64x384xf32>
    %add3A_456 = arith.addf %add3A_360, %add3A_455 : vector<64x384xf32>
    %swap3A_457 = arith.constant 0 : index
    %swap3A_458 = arith.constant 1408 : index
    %swap3A_459 = arith.constant 0 : index
    %swap3A_460 = vector.load %arg8[%swap3A_457, %swap3A_458, %swap3A_459] : memref<1x2128x384xf32, #tpu.memory_space<vmem>>, vector<1x64x384xf32>
    %swap3A_461 = vector.shape_cast %swap3A_460 : vector<1x64x384xf32> to vector<64x384xf32>
    %swap3A_462 = vector.shape_cast %add3A_456 : vector<64x384xf32> to vector<1x64x384xf32>
    tpu.vector_store %arg8[%swap3A_457, %swap3A_458, %swap3A_459], %swap3A_462 {strides = array<i32>} : memref<1x2128x384xf32, #tpu.memory_space<vmem>>, vector<1x64x384xf32>,
    %get3A_463 = arith.constant 6 : index
    %get3A_464 = arith.constant 0 : index
    %get3A_465 = vector.load %arg6[%get3A_463, %get3A_464] : memref<16x384xf32, #tpu.memory_space<vmem>>, vector<1x384xf32>
    %get3A_466 = arith.constant 0 : index
    %get3A_467 = arith.constant 26 : index
    %get3A_468 = arith.constant 0 : index
    %get3A_469 = vector.load %arg7[%get3A_466, %get3A_467, %get3A_468] : memref<1x37x384xf32, #tpu.memory_space<vmem>>, vector<1x1x384xf32>
    %get3A_470 = vector.shape_cast %get3A_469 : vector<1x1x384xf32> to vector<1x384xf32>
    %add3A_471 = arith.addf %get3A_465, %get3A_470 : vector<1x384xf32>
    %add3A_472 = vector.broadcast %add3A_471 : vector<1x384xf32> to vector<64x384xf32>
    %add3A_473 = arith.addf %add3A_360, %add3A_472 : vector<64x384xf32>
    %swap3A_474 = arith.constant 0 : index
    %swap3A_475 = arith.constant 1472 : index
    %swap3A_476 = arith.constant 0 : index
    %swap3A_477 = vector.load %arg8[%swap3A_474, %swap3A_475, %swap3A_476] : memref<1x2128x384xf32, #tpu.memory_space<vmem>>, vector<1x64x384xf32>
    %swap3A_478 = vector.shape_cast %swap3A_477 : vector<1x64x384xf32> to vector<64x384xf32>
    %swap3A_479 = vector.shape_cast %add3A_473 : vector<64x384xf32> to vector<1x64x384xf32>
    tpu.vector_store %arg8[%swap3A_474, %swap3A_475, %swap3A_476], %swap3A_479 {strides = array<i32>} : memref<1x2128x384xf32, #tpu.memory_space<vmem>>, vector<1x64x384xf32>,
    %get3A_480 = arith.constant 7 : index
    %get3A_481 = arith.constant 0 : index
    %get3A_482 = vector.load %arg6[%get3A_480, %get3A_481] : memref<16x384xf32, #tpu.memory_space<vmem>>, vector<1x384xf32>
    %get3A_483 = arith.constant 0 : index
    %get3A_484 = arith.constant 27 : index
    %get3A_485 = arith.constant 0 : index
    %get3A_486 = vector.load %arg7[%get3A_483, %get3A_484, %get3A_485] : memref<1x37x384xf32, #tpu.memory_space<vmem>>, vector<1x1x384xf32>
    %get3A_487 = vector.shape_cast %get3A_486 : vector<1x1x384xf32> to vector<1x384xf32>
    %add3A_488 = arith.addf %get3A_482, %get3A_487 : vector<1x384xf32>
    %add3A_489 = vector.broadcast %add3A_488 : vector<1x384xf32> to vector<64x384xf32>
    %add3A_490 = arith.addf %add3A_360, %add3A_489 : vector<64x384xf32>
    %swap3A_491 = arith.constant 0 : index
    %swap3A_492 = arith.constant 1536 : index
    %swap3A_493 = arith.constant 0 : index
    %swap3A_494 = vector.load %arg8[%swap3A_491, %swap3A_492, %swap3A_493] : memref<1x2128x384xf32, #tpu.memory_space<vmem>>, vector<1x64x384xf32>
    %swap3A_495 = vector.shape_cast %swap3A_494 : vector<1x64x384xf32> to vector<64x384xf32>
    %swap3A_496 = vector.shape_cast %add3A_490 : vector<64x384xf32> to vector<1x64x384xf32>
    tpu.vector_store %arg8[%swap3A_491, %swap3A_492, %swap3A_493], %swap3A_496 {strides = array<i32>} : memref<1x2128x384xf32, #tpu.memory_space<vmem>>, vector<1x64x384xf32>,
    %get3A_497 = arith.constant 8 : index
    %get3A_498 = arith.constant 0 : index
    %get3A_499 = vector.load %arg6[%get3A_497, %get3A_498] : memref<16x384xf32, #tpu.memory_space<vmem>>, vector<1x384xf32>
    %get3A_500 = arith.constant 0 : index
    %get3A_501 = arith.constant 28 : index
    %get3A_502 = arith.constant 0 : index
    %get3A_503 = vector.load %arg7[%get3A_500, %get3A_501, %get3A_502] : memref<1x37x384xf32, #tpu.memory_space<vmem>>, vector<1x1x384xf32>
    %get3A_504 = vector.shape_cast %get3A_503 : vector<1x1x384xf32> to vector<1x384xf32>
    %add3A_505 = arith.addf %get3A_499, %get3A_504 : vector<1x384xf32>
    %add3A_506 = vector.broadcast %add3A_505 : vector<1x384xf32> to vector<64x384xf32>
    %add3A_507 = arith.addf %add3A_360, %add3A_506 : vector<64x384xf32>
    %swap3A_508 = arith.constant 0 : index
    %swap3A_509 = arith.constant 1600 : index
    %swap3A_510 = arith.constant 0 : index
    %swap3A_511 = vector.load %arg8[%swap3A_508, %swap3A_509, %swap3A_510] : memref<1x2128x384xf32, #tpu.memory_space<vmem>>, vector<1x64x384xf32>
    %swap3A_512 = vector.shape_cast %swap3A_511 : vector<1x64x384xf32> to vector<64x384xf32>
    %swap3A_513 = vector.shape_cast %add3A_507 : vector<64x384xf32> to vector<1x64x384xf32>
    tpu.vector_store %arg8[%swap3A_508, %swap3A_509, %swap3A_510], %swap3A_513 {strides = array<i32>} : memref<1x2128x384xf32, #tpu.memory_space<vmem>>, vector<1x64x384xf32>,
    %get3A_514 = arith.constant 9 : index
    %get3A_515 = arith.constant 0 : index
    %get3A_516 = vector.load %arg6[%get3A_514, %get3A_515] : memref<16x384xf32, #tpu.memory_space<vmem>>, vector<1x384xf32>
    %get3A_517 = arith.constant 0 : index
    %get3A_518 = arith.constant 29 : index
    %get3A_519 = arith.constant 0 : index
    %get3A_520 = vector.load %arg7[%get3A_517, %get3A_518, %get3A_519] : memref<1x37x384xf32, #tpu.memory_space<vmem>>, vector<1x1x384xf32>
    %get3A_521 = vector.shape_cast %get3A_520 : vector<1x1x384xf32> to vector<1x384xf32>
    %add3A_522 = arith.addf %get3A_516, %get3A_521 : vector<1x384xf32>
    %add3A_523 = vector.broadcast %add3A_522 : vector<1x384xf32> to vector<64x384xf32>
    %add3A_524 = arith.addf %add3A_360, %add3A_523 : vector<64x384xf32>
    %swap3A_525 = arith.constant 0 : index
    %swap3A_526 = arith.constant 1664 : index
    %swap3A_527 = arith.constant 0 : index
    %swap3A_528 = vector.load %arg8[%swap3A_525, %swap3A_526, %swap3A_527] : memref<1x2128x384xf32, #tpu.memory_space<vmem>>, vector<1x64x384xf32>
    %swap3A_529 = vector.shape_cast %swap3A_528 : vector<1x64x384xf32> to vector<64x384xf32>
    %swap3A_530 = vector.shape_cast %add3A_524 : vector<64x384xf32> to vector<1x64x384xf32>
    tpu.vector_store %arg8[%swap3A_525, %swap3A_526, %swap3A_527], %swap3A_530 {strides = array<i32>} : memref<1x2128x384xf32, #tpu.memory_space<vmem>>, vector<1x64x384xf32>,
    %get3A_531 = arith.constant 10 : index
    %get3A_532 = arith.constant 0 : index
    %get3A_533 = vector.load %arg6[%get3A_531, %get3A_532] : memref<16x384xf32, #tpu.memory_space<vmem>>, vector<1x384xf32>
    %get3A_534 = arith.constant 0 : index
    %get3A_535 = arith.constant 30 : index
    %get3A_536 = arith.constant 0 : index
    %get3A_537 = vector.load %arg7[%get3A_534, %get3A_535, %get3A_536] : memref<1x37x384xf32, #tpu.memory_space<vmem>>, vector<1x1x384xf32>
    %get3A_538 = vector.shape_cast %get3A_537 : vector<1x1x384xf32> to vector<1x384xf32>
    %add3A_539 = arith.addf %get3A_533, %get3A_538 : vector<1x384xf32>
    %add3A_540 = vector.broadcast %add3A_539 : vector<1x384xf32> to vector<64x384xf32>
    %add3A_541 = arith.addf %add3A_360, %add3A_540 : vector<64x384xf32>
    %swap3A_542 = arith.constant 0 : index
    %swap3A_543 = arith.constant 1728 : index
    %swap3A_544 = arith.constant 0 : index
    %swap3A_545 = vector.load %arg8[%swap3A_542, %swap3A_543, %swap3A_544] : memref<1x2128x384xf32, #tpu.memory_space<vmem>>, vector<1x64x384xf32>
    %swap3A_546 = vector.shape_cast %swap3A_545 : vector<1x64x384xf32> to vector<64x384xf32>
    %swap3A_547 = vector.shape_cast %add3A_541 : vector<64x384xf32> to vector<1x64x384xf32>
    tpu.vector_store %arg8[%swap3A_542, %swap3A_543, %swap3A_544], %swap3A_547 {strides = array<i32>} : memref<1x2128x384xf32, #tpu.memory_space<vmem>>, vector<1x64x384xf32>,
    %get3A_548 = arith.constant 11 : index
    %get3A_549 = arith.constant 0 : index
    %get3A_550 = vector.load %arg6[%get3A_548, %get3A_549] : memref<16x384xf32, #tpu.memory_space<vmem>>, vector<1x384xf32>
    %get3A_551 = arith.constant 0 : index
    %get3A_552 = arith.constant 31 : index
    %get3A_553 = arith.constant 0 : index
    %get3A_554 = vector.load %arg7[%get3A_551, %get3A_552, %get3A_553] : memref<1x37x384xf32, #tpu.memory_space<vmem>>, vector<1x1x384xf32>
    %get3A_555 = vector.shape_cast %get3A_554 : vector<1x1x384xf32> to vector<1x384xf32>
    %add3A_556 = arith.addf %get3A_550, %get3A_555 : vector<1x384xf32>
    %add3A_557 = vector.broadcast %add3A_556 : vector<1x384xf32> to vector<64x384xf32>
    %add3A_558 = arith.addf %add3A_360, %add3A_557 : vector<64x384xf32>
    %swap3A_559 = arith.constant 0 : index
    %swap3A_560 = arith.constant 1792 : index
    %swap3A_561 = arith.constant 0 : index
    %swap3A_562 = vector.load %arg8[%swap3A_559, %swap3A_560, %swap3A_561] : memref<1x2128x384xf32, #tpu.memory_space<vmem>>, vector<1x64x384xf32>
    %swap3A_563 = vector.shape_cast %swap3A_562 : vector<1x64x384xf32> to vector<64x384xf32>
    %swap3A_564 = vector.shape_cast %add3A_558 : vector<64x384xf32> to vector<1x64x384xf32>
    tpu.vector_store %arg8[%swap3A_559, %swap3A_560, %swap3A_561], %swap3A_564 {strides = array<i32>} : memref<1x2128x384xf32, #tpu.memory_space<vmem>>, vector<1x64x384xf32>,
    %get3A_565 = arith.constant 12 : index
    %get3A_566 = arith.constant 0 : index
    %get3A_567 = vector.load %arg6[%get3A_565, %get3A_566] : memref<16x384xf32, #tpu.memory_space<vmem>>, vector<1x384xf32>
    %get3A_568 = arith.constant 0 : index
    %get3A_569 = arith.constant 32 : index
    %get3A_570 = arith.constant 0 : index
    %get3A_571 = vector.load %arg7[%get3A_568, %get3A_569, %get3A_570] : memref<1x37x384xf32, #tpu.memory_space<vmem>>, vector<1x1x384xf32>
    %get3A_572 = vector.shape_cast %get3A_571 : vector<1x1x384xf32> to vector<1x384xf32>
    %add3A_573 = arith.addf %get3A_567, %get3A_572 : vector<1x384xf32>
    %add3A_574 = vector.broadcast %add3A_573 : vector<1x384xf32> to vector<64x384xf32>
    %add3A_575 = arith.addf %add3A_360, %add3A_574 : vector<64x384xf32>
    %swap3A_576 = arith.constant 0 : index
    %swap3A_577 = arith.constant 1856 : index
    %swap3A_578 = arith.constant 0 : index
    %swap3A_579 = vector.load %arg8[%swap3A_576, %swap3A_577, %swap3A_578] : memref<1x2128x384xf32, #tpu.memory_space<vmem>>, vector<1x64x384xf32>
    %swap3A_580 = vector.shape_cast %swap3A_579 : vector<1x64x384xf32> to vector<64x384xf32>
    %swap3A_581 = vector.shape_cast %add3A_575 : vector<64x384xf32> to vector<1x64x384xf32>
    tpu.vector_store %arg8[%swap3A_576, %swap3A_577, %swap3A_578], %swap3A_581 {strides = array<i32>} : memref<1x2128x384xf32, #tpu.memory_space<vmem>>, vector<1x64x384xf32>,
    %get3A_582 = arith.constant 13 : index
    %get3A_583 = arith.constant 0 : index
    %get3A_584 = vector.load %arg6[%get3A_582, %get3A_583] : memref<16x384xf32, #tpu.memory_space<vmem>>, vector<1x384xf32>
    %get3A_585 = arith.constant 0 : index
    %get3A_586 = arith.constant 33 : index
    %get3A_587 = arith.constant 0 : index
    %get3A_588 = vector.load %arg7[%get3A_585, %get3A_586, %get3A_587] : memref<1x37x384xf32, #tpu.memory_space<vmem>>, vector<1x1x384xf32>
    %get3A_589 = vector.shape_cast %get3A_588 : vector<1x1x384xf32> to vector<1x384xf32>
    %add3A_590 = arith.addf %get3A_584, %get3A_589 : vector<1x384xf32>
    %add3A_591 = vector.broadcast %add3A_590 : vector<1x384xf32> to vector<64x384xf32>
    %add3A_592 = arith.addf %add3A_360, %add3A_591 : vector<64x384xf32>
    %swap3A_593 = arith.constant 0 : index
    %swap3A_594 = arith.constant 1920 : index
    %swap3A_595 = arith.constant 0 : index
    %swap3A_596 = vector.load %arg8[%swap3A_593, %swap3A_594, %swap3A_595] : memref<1x2128x384xf32, #tpu.memory_space<vmem>>, vector<1x64x384xf32>
    %swap3A_597 = vector.shape_cast %swap3A_596 : vector<1x64x384xf32> to vector<64x384xf32>
    %swap3A_598 = vector.shape_cast %add3A_592 : vector<64x384xf32> to vector<1x64x384xf32>
    tpu.vector_store %arg8[%swap3A_593, %swap3A_594, %swap3A_595], %swap3A_598 {strides = array<i32>} : memref<1x2128x384xf32, #tpu.memory_space<vmem>>, vector<1x64x384xf32>,
    %get3A_599 = arith.constant 14 : index
    %get3A_600 = arith.constant 0 : index
    %get3A_601 = vector.load %arg6[%get3A_599, %get3A_600] : memref<16x384xf32, #tpu.memory_space<vmem>>, vector<1x384xf32>
    %get3A_602 = arith.constant 0 : index
    %get3A_603 = arith.constant 34 : index
    %get3A_604 = arith.constant 0 : index
    %get3A_605 = vector.load %arg7[%get3A_602, %get3A_603, %get3A_604] : memref<1x37x384xf32, #tpu.memory_space<vmem>>, vector<1x1x384xf32>
    %get3A_606 = vector.shape_cast %get3A_605 : vector<1x1x384xf32> to vector<1x384xf32>
    %add3A_607 = arith.addf %get3A_601, %get3A_606 : vector<1x384xf32>
    %add3A_608 = vector.broadcast %add3A_607 : vector<1x384xf32> to vector<64x384xf32>
    %add3A_609 = arith.addf %add3A_360, %add3A_608 : vector<64x384xf32>
    %swap3A_610 = arith.constant 0 : index
    %swap3A_611 = arith.constant 1984 : index
    %swap3A_612 = arith.constant 0 : index
    %swap3A_613 = vector.load %arg8[%swap3A_610, %swap3A_611, %swap3A_612] : memref<1x2128x384xf32, #tpu.memory_space<vmem>>, vector<1x64x384xf32>
    %swap3A_614 = vector.shape_cast %swap3A_613 : vector<1x64x384xf32> to vector<64x384xf32>
    %swap3A_615 = vector.shape_cast %add3A_609 : vector<64x384xf32> to vector<1x64x384xf32>
    tpu.vector_store %arg8[%swap3A_610, %swap3A_611, %swap3A_612], %swap3A_615 {strides = array<i32>} : memref<1x2128x384xf32, #tpu.memory_space<vmem>>, vector<1x64x384xf32>,
    %get3A_616 = arith.constant 15 : index
    %get3A_617 = arith.constant 0 : index
    %get3A_618 = vector.load %arg6[%get3A_616, %get3A_617] : memref<16x384xf32, #tpu.memory_space<vmem>>, vector<1x384xf32>
    %get3A_619 = arith.constant 0 : index
    %get3A_620 = arith.constant 35 : index
    %get3A_621 = arith.constant 0 : index
    %get3A_622 = vector.load %arg7[%get3A_619, %get3A_620, %get3A_621] : memref<1x37x384xf32, #tpu.memory_space<vmem>>, vector<1x1x384xf32>
    %get3A_623 = vector.shape_cast %get3A_622 : vector<1x1x384xf32> to vector<1x384xf32>
    %add3A_624 = arith.addf %get3A_618, %get3A_623 : vector<1x384xf32>
    %add3A_625 = vector.broadcast %add3A_624 : vector<1x384xf32> to vector<64x384xf32>
    %add3A_626 = arith.addf %add3A_360, %add3A_625 : vector<64x384xf32>
    %swap3A_627 = arith.constant 0 : index
    %swap3A_628 = arith.constant 2048 : index
    %swap3A_629 = arith.constant 0 : index
    %swap3A_630 = vector.load %arg8[%swap3A_627, %swap3A_628, %swap3A_629] : memref<1x2128x384xf32, #tpu.memory_space<vmem>>, vector<1x64x384xf32>
    %swap3A_631 = vector.shape_cast %swap3A_630 : vector<1x64x384xf32> to vector<64x384xf32>
    %swap3A_632 = vector.shape_cast %add3A_626 : vector<64x384xf32> to vector<1x64x384xf32>
    tpu.vector_store %arg8[%swap3A_627, %swap3A_628, %swap3A_629], %swap3A_632 {strides = array<i32>} : memref<1x2128x384xf32, #tpu.memory_space<vmem>>, vector<1x64x384xf32>,
    %get3A_633 = arith.constant 0 : index
    %get3A_634 = arith.constant 0 : index
    %get3A_635 = vector.load %arg4[%get3A_633, %get3A_634] : memref<9x384xf32, #tpu.memory_space<vmem>>, vector<9x384xf32>
    %get3A_636 = arith.constant 3 : index
    %get3A_637 = arith.constant 0 : index
    %get3A_638 = vector.load %arg5[%get3A_636, %get3A_637] : memref<4x384xf32, #tpu.memory_space<vmem>>, vector<1x384xf32>
    %get3A_639 = arith.constant 0 : index
    %get3A_640 = arith.constant 36 : index
    %get3A_641 = arith.constant 0 : index
    %get3A_642 = vector.load %arg7[%get3A_639, %get3A_640, %get3A_641] : memref<1x37x384xf32, #tpu.memory_space<vmem>>, vector<1x1x384xf32>
    %get3A_643 = vector.shape_cast %get3A_642 : vector<1x1x384xf32> to vector<1x384xf32>
    %add3A_644 = arith.addf %get3A_638, %get3A_643 : vector<1x384xf32>
    %add3A_645 = vector.broadcast %add3A_644 : vector<1x384xf32> to vector<9x384xf32>
    %add3A_646 = arith.addf %get3A_635, %add3A_645 : vector<9x384xf32>
    %broadcast_in_dim3A = arith.constant 0.000000e+00 : f32
    %broadcast_in_dim3A_647 = vector.broadcast %broadcast_in_dim3A : f32 to vector<7x384xf32>
    %concatenate3A = tpu.concatenate %add3A_646, %broadcast_in_dim3A_647 in 0 : vector<9x384xf32>, vector<7x384xf32> -> vector<16x384xf32>
    %swap3A_648 = arith.constant 0 : index
    %swap3A_649 = arith.constant 2112 : index
    %swap3A_650 = arith.constant 0 : index
    %swap3A_651 = vector.load %arg8[%swap3A_648, %swap3A_649, %swap3A_650] : memref<1x2128x384xf32, #tpu.memory_space<vmem>>, vector<1x16x384xf32>
    %swap3A_652 = vector.shape_cast %swap3A_651 : vector<1x16x384xf32> to vector<16x384xf32>
    %swap3A_653 = vector.shape_cast %concatenate3A : vector<16x384xf32> to vector<1x16x384xf32>
    tpu.vector_store %arg8[%swap3A_648, %swap3A_649, %swap3A_650], %swap3A_653 {strides = array<i32>} : memref<1x2128x384xf32, #tpu.memory_space<vmem>>, vector<1x16x384xf32>,
    return
  }
  func.func @transform_0(%arg0: i32) -> (i32, i32) {
    %c0_i32 = arith.constant 0 : i32
    %c0_i32_0 = arith.constant 0 : i32
    %c0_i32_1 = arith.constant 0 : i32
    return %c0_i32, %c0_i32_0 : i32, i32
  }
  func.func @transform_1(%arg0: i32) -> (i32, i32) {
    %c0_i32 = arith.constant 0 : i32
    %c0_i32_0 = arith.constant 0 : i32
    %c0_i32_1 = arith.constant 0 : i32
    return %c0_i32, %c0_i32_0 : i32, i32
  }
  func.func @transform_2(%arg0: i32) -> (i32, i32) {
    %c0_i32 = arith.constant 0 : i32
    %c0_i32_0 = arith.constant 0 : i32
    %c0_i32_1 = arith.constant 0 : i32
    return %c0_i32, %c0_i32_0 : i32, i32
  }
  func.func @transform_3(%arg0: i32) -> (i32, i32) {
    %c0_i32 = arith.constant 0 : i32
    %c0_i32_0 = arith.constant 0 : i32
    %c0_i32_1 = arith.constant 0 : i32
    return %c0_i32, %c0_i32_0 : i32, i32
  }
  func.func @transform_4(%arg0: i32) -> (i32, i32) {
    %c0_i32 = arith.constant 0 : i32
    %c0_i32_0 = arith.constant 0 : i32
    %c0_i32_1 = arith.constant 0 : i32
    return %c0_i32, %c0_i32_0 : i32, i32
  }
  func.func @transform_5(%arg0: i32) -> (i32, i32) {
    %c0_i32 = arith.constant 0 : i32
    %c0_i32_0 = arith.constant 0 : i32
    %c0_i32_1 = arith.constant 0 : i32
    return %c0_i32, %c0_i32_0 : i32, i32
  }
  func.func @transform_6(%arg0: i32) -> (i32, i32, i32) {
    %c0_i32 = arith.constant 0 : i32
    %c0_i32_0 = arith.constant 0 : i32
    %c0_i32_1 = arith.constant 0 : i32
    return %arg0, %c0_i32, %c0_i32_0 : i32, i32, i32
  }
  func.func @transform_7(%arg0: i32) -> (i32, i32, i32) {
    %c0_i32 = arith.constant 0 : i32
    %c0_i32_0 = arith.constant 0 : i32
    %c0_i32_1 = arith.constant 0 : i32
    return %arg0, %c0_i32, %c0_i32_0 : i32, i32, i32
  }
}

</mosaic_0001>

<sc_bundles>
// kernel: kernel.4.cloned.1.call-start
scs
__scs_entry_jumppad:
0x0: {  	(pc) =	sbr.rel $0x88, $3  }
0x1: {  	(tag) =	ssettag $0x0;
	lr =	simm.s32 $0x1  }
0x2: {  	[smem:$0x3F96] =	sst lr;
	_ =	strace $0xD0000000  }
0x3: {  	_ = 	snop  }
0x4: {  	_ = 	snop  }
0x5: {  	_ = 	snop  }
0x6: {  	_ = 	snop  }
0x7: {  	_ = 	snop  }
__scs_overlays_trampoline_lowered:
0x8: {  	[smem:$0x3FA5] =	sst s0  }
0x9: {  	[smem:$0x3FA6] =	sst s1  }
0xa: {  	[smem:$0x3FA7] =	sst s2  }
0xb: {  	[smem:$0x3FA8] =	sst s3  }
0xc: {  	[smem:$0x3FA9] =	sst s4  }
0xd: {  	[smem:$0x3FAA] =	sst s5  }
0xe: {  	[smem:$0x3FAB] =	sst s6  }
0xf: {  	[smem:$0x3FAC] =	sst s7  }
0x10: {  	[smem:$0x3FAD] =	sst s8  }
0x11: {  	[smem:$0x3FAE] =	sst s9;
	s0 =	simm.s32 @!p0 $0x0  }
0x12: {  	s1 =	sld [smem:$0x3F94];
	s0 =	simm.s32 @p0 $0x1  }
0x13: {  	[smem:$0x3FAF] =	sst s0;
	s0 =	simm.s32 @!p1 $0x0  }
0x14: {  	s2 =	sld [smem:$0x3F93];
	s0 =	simm.s32 @p1 $0x1  }
0x15: {  	[smem:$0x3FB0] =	sst s0;
	s0 =	simm.s32 @!p2 $0x0  }
0x16: {  	s3 =	sld [smem:$0x3FDB];
	s0 =	simm.s32 @p2 $0x1  }
0x17: {  	s4 =	simm.s32 $0x1BF5;
	[smem:$0x3FB2] =	sst s0  }
0x18: {  	s0 =	sld [smem:$0x3F95];
	_ =	swait.ge [sflag:s4], $0x0  }
0x19: {  	s7 =	sld [smem:$0x3F96]  }
0x1a: {  	s8 =	sadd.s32 $0xFFFFE003, lr  }
0x1b: {  	s9 =	sadd.s32 $0xFFFFFEF7, lr;
	s5 =	simm.s32 $0xFFFFFFFF;
	p2 =	slt.u32 s8, $0xFFFFF086  }
0x1c: {  	p1 =	slt.u32 s9, $0xF7A;
	s5 =	simm.s32 @!p2 $0x0  }
0x1d: {  	s5 =	simm.s32 @p1 $0x1;
	p0 =	seq.s32 s7, s2  }
0x1e: {  	s7 =	smul.u32 @!p0 $0xF7A, s2;
	p2 =	seq.s32 @!p0 s5, $0x0  }
0x1f: {  	s9 =	smul.u32 $0xF7A, s1;
	s8 =	simm.s32 @!p0 $0x1BF5;
	p2 =	por !p2, p0  }
0x20: {  	[sflag:s8] =	ssyncset.s32 @!p0 $0xFFFFF086;
	s6 =	sadd.s32 @!p0 s3, s7;
	s7 =	simm.s32 @!p0 $0x108  }
0x21: {  	s3 =	sadd.s32 s3, s9;
	s6 =	sadd.s32 @!p0 $0x88, s6;
	s7 =	simm.s32 @p2 $0x1082  }
0x22: {  	[simem:s7], [sflag:s8] =	dma.local @!p0 [hbm:s6], $0xF7A  }
0x23: {  	s9 =	sor.u32 $0xD0000000, s2;
	s6 =	simm.s32 $0x108;
	_ =	swait.ge @!p0 [sflag:s8], $0x0  }
0x24: {  	s3 =	sadd.s32 $0x88, s3;
	s6 =	simm.s32 @!p1 $0x1082;
	[sflag:s4] =	ssyncset.s32 $0xFFFFF086  }
0x25: {  	[simem:s6], [sflag:s4] =	dma.local [hbm:s3], $0xF7A  }
0x26: {  	[smem:$0x3F96] =	sst s1;
	(tag) =	ssettag s2;
	_ =	strace s9  }
0x27: {  	s1 =	sld [smem:$0x3FA6]  }
0x28: {  	s2 =	sld [smem:$0x3FA7]  }
0x29: {  	s4 =	sld [smem:$0x3FA9]  }
0x2a: {  	p0 =	seq.s32 s5, $0x0;
	s5 =	sld [smem:$0x3FAA]  }
0x2b: {  	s6 =	sld [smem:$0x3FAB]  }
0x2c: {  	s7 =	sld [smem:$0x3FAC]  }
0x2d: {  	s3 =	simm.s32 $0x108;
	s8 =	sld [smem:$0x3FAD]  }
0x2e: {  	s3 =	simm.s32 @!p0 $0x1082;
	s9 =	sld [smem:$0x3FAE]  }
0x2f: {  	lr =	sadd.s32 s0, s3;
	s0 =	sld [smem:$0x3FA5]  }
0x30: {  	s3 =	sld [smem:$0x3FA8]  }
0x31: {  	[smem:$0x3FB1] =	sst s10  }
0x32: {  	s10 =	sld [smem:$0x3FAF];
	_ =	sdelay $0x3  }
0x33: {  	p0 =	seq.s32 s10, $0x1;
	s10 =	sld [smem:$0x3FB1];
	_ =	sdelay $0x3  }
0x34: {  	[smem:$0x3FB1] =	sst s10  }
0x35: {  	s10 =	sld [smem:$0x3FB0];
	_ =	sdelay $0x3  }
0x36: {  	p1 =	seq.s32 s10, $0x1;
	s10 =	sld [smem:$0x3FB1];
	_ =	sdelay $0x3  }
0x37: {  	[smem:$0x3FB1] =	sst s10  }
0x38: {  	s10 =	sld [smem:$0x3FB2]  }
0x39: {  	_ = 	snop;
	(pc) =	sbr.ind lr, $3  }
0x3a: {  	_ = 	snop  }
0x3b: {  	_ = 	snop  }
0x3c: {  	p2 =	seq.s32 s10, $0x1;
	s10 =	sld [smem:$0x3FB1]  }
0x3d: {  	_ =	shalt  }
0x3e: {  	_ =	shalt  }
0x3f: {  	_ =	shalt  }
0x40: {  	_ =	shalt  }
0x41: {  	_ =	shalt  }
0x42: {  	_ =	shalt  }
0x43: {  	_ =	shalt  }
0x44: {  	_ =	shalt  }
0x45: {  	_ =	shalt  }
0x46: {  	_ =	shalt  }
0x47: {  	_ =	shalt  }
0x48: {  	_ =	shalt  }
0x49: {  	_ =	shalt  }
0x4a: {  	_ =	shalt  }
0x4b: {  	_ =	shalt  }
0x4c: {  	_ =	shalt  }
0x4d: {  	_ =	shalt  }
0x4e: {  	_ =	shalt  }
0x4f: {  	_ =	shalt  }
0x50: {  	_ =	shalt  }
0x51: {  	_ =	shalt  }
0x52: {  	_ =	shalt  }
0x53: {  	_ =	shalt  }
0x54: {  	_ =	shalt  }
0x55: {  	_ =	shalt  }
0x56: {  	_ =	shalt  }
0x57: {  	_ =	shalt  }
0x58: {  	_ =	shalt  }
0x59: {  	_ =	shalt  }
0x5a: {  	_ =	shalt  }
0x5b: {  	_ =	shalt  }
0x5c: {  	_ =	shalt  }
0x5d: {  	_ =	shalt  }
0x5e: {  	_ =	shalt  }
0x5f: {  	_ =	shalt  }
0x60: {  	_ =	shalt  }
0x61: {  	_ =	shalt  }
0x62: {  	_ =	shalt  }
0x63: {  	_ =	shalt  }
0x64: {  	_ =	shalt  }
0x65: {  	_ =	shalt  }
0x66: {  	_ =	shalt  }
0x67: {  	_ =	shalt  }
0x68: {  	_ =	shalt  }
0x69: {  	_ =	shalt  }
0x6a: {  	_ =	shalt  }
0x6b: {  	_ =	shalt  }
0x6c: {  	_ =	shalt  }
0x6d: {  	_ =	shalt  }
0x6e: {  	_ =	shalt  }
0x6f: {  	_ =	shalt  }
0x70: {  	_ =	shalt  }
0x71: {  	_ =	shalt  }
0x72: {  	_ =	shalt  }
0x73: {  	_ =	shalt  }
0x74: {  	_ =	shalt  }
0x75: {  	_ =	shalt  }
0x76: {  	_ =	shalt  }
0x77: {  	_ =	shalt  }
0x78: {  	_ =	shalt  }
0x79: {  	_ =	shalt  }
0x7a: {  	_ =	shalt  }
0x7b: {  	_ =	shalt  }
0x7c: {  	_ =	shalt  }
0x7d: {  	_ =	shalt  }
0x7e: {  	_ =	shalt  }
0x7f: {  	_ =	shalt  }
0x80: {  	_ =	shalt  }
0x81: {  	_ =	shalt  }
0x82: {  	_ =	shalt  }
0x83: {  	_ =	shalt  }
0x84: {  	_ =	shalt  }
0x85: {  	_ =	shalt  }
0x86: {  	_ =	shalt  }
0x87: {  	_ =	shalt  }
.Lfunc_end0:
.L_simem_size_0:
called_computation_lowered:
.L_overlay_start_0:
0x88: {  	s2 =	sld [smem:$0x3FD9]  }
0x89: {  	s3 =	sld [smem:$0x3FFE];
	_ =	sdelay $0x1  }
0x8a: {  	s1 =	srdreg.scid  }
0x8b: {  	s0 =	sand.u32 $0x1, s1  }
0x8c: {  	s17 =	sshll.u32 s0, $0xA;
	s2 =	sadd.s32 s3, s2  }
0x8d: {  	s2 =	sadd.s32 s2, s17  }
0x8e: {  	[smem:$0x3FBD] =	sst s2  }
0x8f: {  	_ = 	snop  }
0x90: {  	s2 =	sld [smem:$0x3FD0];
	(tm) =	ssettm $0x1  }
0x91: {  	s18 =	sld [smem:$0x3FFB];
	_ =	sdelay $0x3  }
0x92: {  	_ =	strace s18  }
0x93: {  	s3 =	sld [smem:$0x3FFC];
	_ =	sdelay $0x3  }
0x94: {  	_ =	strace s3  }
0x95: {  	s3 =	sld [smem:$0x3FFD];
	_ =	sdelay $0x3  }
0x96: {  	_ =	strace s3  }
0x97: {  	_ =	strace $0x8FFFFFFF  }
0x98: {  	s19 =	sld [smem:$0x3FDB];
	_ =	sdelay $0x1  }
0x99: {  	s4 =	simm.s32 $_scs_section_size  }
0x9a: {  	s5 =	simm.s32 $_size__tile_overlayer_lowered;
	s6 =	simm.s32 $_tile_overlayer_lowered  }
0x9b: {  	s22 =	simm.s32 $0x1BFF;
	s21 =	sshll.u32 s6, $0x1;
	s3 =	sadd.s32 s4, s19  }
0x9c: {  	s7 =	simm.s32 $0x0;
	s20 =	sshll.u32 s5, $0x1;
	s5 =	sadd.s32 s21, s3  }
0x9d: {  	[timem:s7], [sflag:s22] =	dma.local [hbm:s5], s20  }
0x9e: {  	_ =	swait.ge [sflag:s22], s20  }
0x9f: {  	s4 =	ssub.s32 $0x0, s20;
	[sflag:s22] =	ssyncset.done $0x0  }
0xa0: {  	[sflag:s22] =	ssyncadd.s32 s4;
	_ =	sdelay $0x1  }
0xa1: {  	s23 =	simm.s32 $0x1B8B  }
0xa2: {  	_ =	swait.ge [sflag:s23], $0x1  }
0xa3: {  	[sflag:s23] =	ssyncset.done $0x0  }
0xa4: {  	s25 =	simm.s32 $0x1B8E;
	s24 =	sld [smem:$0x3FFE];
	[sflag:s23] =	ssyncadd.s32 $0xFFFFFFFF  }
0xa5: {  	s26 =	simm.s32 $execute0_lowered;
	[smem:$0x3FD2] =	sst s25  }
0xa6: {  	s5 =	sshll.u32 s26, $0x1;
	_ =	strace $0x80000046;
	[dreg:$0x1] =	wrdreg $0xFFFFFFFF  }
0xa7: {  	s28 =	simm.s32 $_size_execute0_lowered;
	s3 =	sadd.s32 s3, s5;
	[dreg:$0x0] =	wrdreg $0x0  }
0xa8: {  	s5 =	sshll.u32 s28, $0x1;
	[dreg:$0x2] =	wrdreg s3  }
0xa9: {  	[dreg:$0x3] =	wrdreg s5  }
0xaa: {  	[dreg:$0x4] =	wrdreg $0xC0  }
0xab: {  	_ =	task [dreg:s7], $0x5FFFF  }
0xac: {  	[dreg:$0x1] =	wrdreg $0xFFFFFFFF  }
0xad: {  	[dreg:$0x0] =	wrdreg $0x60  }
0xae: {  	[dreg:$0x2] =	wrdreg s24  }
0xaf: {  	[dreg:$0x3] =	wrdreg s2  }
0xb0: {  	[dreg:$0x4] =	wrdreg $0x9  }
0xb1: {  	_ =	task.clear_ibuf [dreg:s7], $0x5FFFF;
	_ =	strace $0x90000046  }
0xb2: {  	s29 =	simm.s32 $0x9;
	_ =	strace $0x80000048  }
0xb3: {  	_ =	swait.ge [sflag:s29], $0x1  }
0xb4: {  	[sflag:s29] =	ssyncadd.s32 $0xFFFFFFFF  }
0xb5: {  	_ =	strace $0x90000048  }
0xb6: {  	_ =	sfence  }
0xb7: {  	s30 =	sld [smem:$0x0];
	_ =	sdelay $0x2  }
0xb8: {  	s31 =	sshll.u32 s1, $0xD;
	s1 =	sshrl.u32 s1, $0x2  }
0xb9: {  	s3 =	sand.u32 $0x4000, s31;
	s1 =	sadd.s32 s1, s30  }
0xba: {  	s0 =	sor.u32 s3, s0;
	s1 =	sshll.u32 s1, $0x11  }
0xbb: {  	s0 =	sor.u32 s1, s0  }
0xbc: {  	s0 =	sadd.s32 $0x8F2B, s0  }
0xbd: {  	[sflag:s0] =	ssyncadd.remote.s32 $0x1  }
0xbe: {  	_ =	sfence.sel $0xFFFF  }
0xbf: {  	[dreg:$0x0] =	wrdreg $0xFFFFFFFF;
	(pc) =	sbr.abs _section_cstart, $3  }
0xc0: {  	[dreg:$0x1] =	wrdreg $0xFFFFFFFF  }
0xc1: {  	_ =	task.clear_ibuf [dreg:s7], $0x2FFFF;
	_ =	strace $0x9FFFFFFF  }
0xc2: {  	(tm) =	ssettm $0x7FFFFFFF  }
0xc3: {  	_ =	shalt  }
tec
execute0_lowered:
.L_overlay_start_1:
0x0: {  	(tag) =	ssettag $0x1  }
0x1: {  	s0 =	srdreg.scid  }
0x2: {  	s3 =	stileid.u32;
	s4 =	rddreg [dreg:$0x0]  }
0x3: {  	s6 =	rddreg [dreg:$0x1];
	s2 =	simm.s32 $0x0;
	s29 =	simm.s32 $0x13C00  }
0x4: {  	s31 =	simm.s32 $0x18C00;
	s15 =	simm.s32 $0x5;
	s16 =	simm.s32 $0x6  }
0x5: {  	s0 =	sand.u32 $0x1, s0;
	s1 =	sshll.u32 s3, $0x1;
	s5 =	smul.u32 $0x9400, s3  }
0x6: {  	[smem:$0x7FF] =	sst s2;
	s1 =	sor.u32 s0, s1;
	s7 =	smul.u32 $0x4A00, s0  }
0x7: {  	s3 =	sadd.s32 $0x14600, s4;
	s0 =	ssub.s32 $0x2, s0;
	s1 =	smul.u32 $0x980, s1  }
0x8: {  	_ =	strace $0x80000047;
	s8 =	sshrl.u32 s0, $0x1;
	s9 =	sadd.s32 s7, s5  }
0x9: {  	s0 =	ssub.s32 s0, s8;
	s5 =	sadd.s32 $0x14700, s4;
	s1 =	sadd.s32 s1, s4  }
0xa: {  	s17 =	sor.u32 $0xE0, s9;
	s18 =	sor.u32 $0xC0, s9;
	s7 =	sor.u32 $0xA0, s9  }
0xb: {  	s19 =	sor.u32 $0x80, s9;
	s21 =	sor.u32 $0x60, s9;
	s23 =	sor.u32 $0x40, s9  }
0xc: {  	s25 =	sor.u32 $0x20, s9;
	s0 =	smax.u32 s0, $0x1;
	s13 =	sshrl.u32 s9, $0x3  }
0xd: {  	s1 =	sadd.s32 $0x1600, s1;
	s4 =	sshrl.u32 s18, $0x3;
	s30 =	smul.u32 $0x180, s13  }
0xe: {  	s7 =	sshrl.u32 s7, $0x3;
	s20 =	sshrl.u32 s19, $0x3;
	s4 =	smul.u32 $0x180, s4  }
0xf: {  	s22 =	sshrl.u32 s21, $0x3;
	s24 =	sshrl.u32 s23, $0x3;
	s10 =	smul.u32 $0x180, s7  }
0x10: {  	[dreg:$0x4] =	wrdreg s0;
	s8 =	sshrl.u32 s25, $0x3;
	s11 =	smul.u32 $0x180, s20  }
0x11: {  	s19 =	simm.s32 $0x19C00;
	s21 =	simm.s32 $0x1;
	s12 =	smul.u32 $0x180, s22  }
0x12: {  	s0 =	simm.s32 $0x8;
	s25 =	simm.s32 $0xF;
	s26 =	smul.u32 $0x180, s24  }
0x13: {  	[dreg:$0x3] =	wrdreg s1;
	s1 =	sshrl.u32 s17, $0x3;
	s28 =	smul.u32 $0x180, s8  }
0x14: {  	s22 =	simm.s32 $0x16C00;
	s17 =	simm.s32 $0x19800;
	s1 =	smul.u32 $0x180, s1  }
.Ltmp0:
0x15: {  	s20 =	simm.s32 $0x2;
	s24 =	simm.s32 $0x7;
	(pc) =	sbr.rel .LBB2_1-.Ltmp0, $4  }
0x16: {  	s14 =	sadd.s32 s30, s6;
	s8 =	sadd.s32 s4, s6;
	s9 =	sadd.s32 s10, s6  }
0x17: {  	v2 =	vlaneseq.u32;
	s10 =	sadd.s32 s11, s6;
	s11 =	sadd.s32 s12, s6;
	s12 =	sadd.s32 s26, s6  }
0x18: {  	vm0 =	vmmov $0xffff;
	vm1 =	vmmov $0xff;
	v1 =	vshrl.u32 v2, $0x3;
	s13 =	sadd.s32 s28, s6;
	s4 =	simm.s32 $0x3;
	s26 =	simm.s32 $0x0  }
0x19: {  	v0 =	vand.u32 $0x7, v2;
	v2 =	vor.u32 $0x8, v2;
	v1 =	vmul.u32 $0x8, v1;
	s7 =	sadd.s32 s1, s6;
	s1 =	simm.s32 $0x19000;
	s6 =	simm.s32 $0x4  }
.LBB2_4:
0x1a: {  	s18 =	simm.s32 $0x9  }
0x1b: {  	_ =	swait.ge [sflag:s18], $0x3000  }
0x1c: {  	[sflag:s18] =	ssyncset.done $0x0  }
0x1d: {  	s28 =	simm.s32 $0xA;
	[sflag:s18] =	ssyncadd.s32 $0xFFFFD000  }
0x1e: {  	_ =	swait.ge [sflag:s28], $0x3000  }
0x1f: {  	[sflag:s28] =	ssyncset.done $0x0  }
0x20: {  	s30 =	simm.s32 $0xB;
	[sflag:s28] =	ssyncadd.s32 $0xFFFFD000  }
0x21: {  	_ =	swait.ge [sflag:s30], $0x3000  }
0x22: {  	[sflag:s30] =	ssyncset.done $0x0  }
0x23: {  	s23 =	simm.s32 $0xC;
	[sflag:s30] =	ssyncadd.s32 $0xFFFFD000  }
0x24: {  	_ =	swait.ge [sflag:s23], $0x3000  }
0x25: {  	[sflag:s23] =	ssyncset.done $0x0  }
0x26: {  	s26 =	simm.s32 $0xD;
	[sflag:s23] =	ssyncadd.s32 $0xFFFFD000  }
0x27: {  	_ =	swait.ge [sflag:s26], $0x3000  }
0x28: {  	[sflag:s26] =	ssyncset.done $0x0  }
0x29: {  	s28 =	simm.s32 $0xE;
	[sflag:s26] =	ssyncadd.s32 $0xFFFFD000  }
0x2a: {  	_ =	swait.ge [sflag:s28], $0x3000  }
0x2b: {  	[sflag:s28] =	ssyncset.done $0x0  }
0x2c: {  	[sflag:s28] =	ssyncadd.s32 $0xFFFFD000  }
0x2d: {  	_ =	swait.ge [sflag:s25], $0x3000  }
0x2e: {  	[sflag:s25] =	ssyncset.done $0x0  }
0x2f: {  	s30 =	simm.s32 $0x10;
	[sflag:s25] =	ssyncadd.s32 $0xFFFFD000  }
0x30: {  	_ =	swait.ge [sflag:s30], $0x3000  }
0x31: {  	s26 =	rddreg [dreg:$0x5]  }
0x32: {  	s23 =	rddreg [dreg:$0x4];
	s26 =	sadd.s32 $0x1, s26  }
0x33: {  	p0 =	sne.s32 s26, s23  }
.Ltmp1:
0x34: {  	_ = 	snop;
	(pc) =	sbr.rel @!p0 .LBB2_5-.Ltmp1, $3  }
0x35: {  	_ =	sdelay $0x1  }
0x36: {  	[sflag:s30] =	ssyncset.done $0x0  }
0x37: {  	[sflag:s30] =	ssyncadd.s32 $0xFFFFD000  }
.LBB2_1:
0x38: {  	[dreg:$0x5] =	wrdreg s26  }
0x39: {  	s23 =	rddreg [dreg:$0x3];
	s30 =	simm.s32 $0x11  }
0x3a: {  	[tilespmem:s2], [sflag:$0x11] =	stream.linear.gather [hbm4b:s23+s2], $0x4A00, $0x38;
	[tilespmem:$0x1CC00] =	vst v63  }
0x3b: {  	_ =	swait.ge [sflag:s30], $0x4A00  }
0x3c: {  	[sflag:s30] =	ssyncset.done $0x0  }
0x3d: {  	[sflag:s30] =	ssyncadd.s32 $0xFFFFB600  }
0x3e: {  	v3 =	vld [tilespmem:$0x0];
	_ =	sdelay $0x4  }
0x3f: {  	v4 =	vshrl.u32 v3, $0x3  }
0x40: {  	v4 =	vmul.u32 $0x18, v4  }
0x41: {  	v3 =	vand.u32 $0x7, v3  }
0x42: {  	v3 =	vor.u32 v3, v4  }
0x43: {  	v4 =	vperm.xlane v3, v0;
	_ =	sdelay $0x1  }
0x44: {  	v4 =	vadd.s32 v1, v4;
	_ =	sdelay $0x1  }
0x45: {  	v3 =	vperm.xlane v3, v2;
	_ =	sdelay $0x1  }
0x46: {  	s18 =	simm.s32 $0x4C00;
	v3 =	vadd.s32 v1, v3  }
0x47: {  	[tilespmem:s18], [sflag:$0x1] =	stream.indirect_vreg.gather [hbm4b:s3+s2], $0x80, v4, vm0, $0xb8;
	[tilespmem:$0x1CC00] =	vst v63  }
0x48: {  	s26 =	simm.s32 $0x5400  }
0x49: {  	[tilespmem:s26], [sflag:$0x1] =	stream.indirect_vreg.gather [hbm4b:s5+s2], $0x80, v4, vm1, $0xb8;
	[tilespmem:$0x1CC00] =	vst v63  }
0x4a: {  	s28 =	simm.s32 $0x5800  }
0x4b: {  	[tilespmem:s28], [sflag:$0x1] =	stream.indirect_vreg.gather [hbm4b:s3+s2], $0x80, v3, vm0, $0xb8;
	[tilespmem:$0x1CC00] =	vst v63  }
0x4c: {  	s30 =	simm.s32 $0x6000  }
0x4d: {  	[tilespmem:s30], [sflag:$0x1] =	stream.indirect_vreg.gather [hbm4b:s5+s2], $0x80, v3, vm1, $0xb8;
	[tilespmem:$0x1CC00] =	vst v63  }
0x4e: {  	v3 =	vld [tilespmem:$0x10];
	_ =	sdelay $0x4  }
0x4f: {  	v49 =	vshrl.u32 v3, $0x3  }
0x50: {  	v4 =	vmul.u32 $0x18, v49  }
0x51: {  	v3 =	vand.u32 $0x7, v3  }
0x52: {  	v3 =	vor.u32 v3, v4  }
0x53: {  	v4 =	vperm.xlane v3, v0;
	_ =	sdelay $0x1  }
0x54: {  	v4 =	vadd.s32 v1, v4;
	_ =	sdelay $0x1  }
0x55: {  	v3 =	vperm.xlane v3, v2;
	_ =	sdelay $0x1  }
0x56: {  	s18 =	simm.s32 $0x6400;
	v3 =	vadd.s32 v1, v3  }
0x57: {  	[tilespmem:s18], [sflag:$0x1] =	stream.indirect_vreg.gather [hbm4b:s3+s2], $0x80, v4, vm0, $0xb8;
	[tilespmem:$0x1CC00] =	vst v63  }
0x58: {  	s26 =	simm.s32 $0x6C00  }
0x59: {  	[tilespmem:s26], [sflag:$0x1] =	stream.indirect_vreg.gather [hbm4b:s5+s2], $0x80, v4, vm1, $0xb8;
	[tilespmem:$0x1CC00] =	vst v63  }
0x5a: {  	s28 =	simm.s32 $0x7000  }
0x5b: {  	[tilespmem:s28], [sflag:$0x1] =	stream.indirect_vreg.gather [hbm4b:s3+s2], $0x80, v3, vm0, $0xb8;
	[tilespmem:$0x1CC00] =	vst v63  }
0x5c: {  	s30 =	simm.s32 $0x7800  }
0x5d: {  	[tilespmem:s30], [sflag:$0x1] =	stream.indirect_vreg.gather [hbm4b:s5+s2], $0x80, v3, vm1, $0xb8;
	[tilespmem:$0x1CC00] =	vst v63  }
0x5e: {  	v3 =	vld [tilespmem:$0x20];
	_ =	sdelay $0x4  }
0x5f: {  	v50 =	vshrl.u32 v3, $0x3  }
0x60: {  	v4 =	vmul.u32 $0x18, v50  }
0x61: {  	v3 =	vand.u32 $0x7, v3  }
0x62: {  	v3 =	vor.u32 v3, v4  }
0x63: {  	v4 =	vperm.xlane v3, v0;
	_ =	sdelay $0x1  }
0x64: {  	v4 =	vadd.s32 v1, v4;
	_ =	sdelay $0x1  }
0x65: {  	v3 =	vperm.xlane v3, v2;
	_ =	sdelay $0x1  }
0x66: {  	s18 =	simm.s32 $0x7C00;
	v3 =	vadd.s32 v1, v3  }
0x67: {  	[tilespmem:s18], [sflag:$0x2] =	stream.indirect_vreg.gather [hbm4b:s3+s2], $0x80, v4, vm0, $0xb8;
	[tilespmem:$0x1CC00] =	vst v63  }
0x68: {  	s26 =	simm.s32 $0x8400  }
0x69: {  	[tilespmem:s26], [sflag:$0x2] =	stream.indirect_vreg.gather [hbm4b:s5+s2], $0x80, v4, vm1, $0xb8;
	[tilespmem:$0x1CC00] =	vst v63  }
0x6a: {  	s28 =	simm.s32 $0x8800  }
0x6b: {  	[tilespmem:s28], [sflag:$0x2] =	stream.indirect_vreg.gather [hbm4b:s3+s2], $0x80, v3, vm0, $0xb8;
	[tilespmem:$0x1CC00] =	vst v63  }
0x6c: {  	s30 =	simm.s32 $0x9000  }
0x6d: {  	[tilespmem:s30], [sflag:$0x2] =	stream.indirect_vreg.gather [hbm4b:s5+s2], $0x80, v3, vm1, $0xb8;
	[tilespmem:$0x1CC00] =	vst v63  }
0x6e: {  	v3 =	vld [tilespmem:$0x30];
	_ =	sdelay $0x4  }
0x6f: {  	v51 =	vshrl.u32 v3, $0x3  }
0x70: {  	v4 =	vmul.u32 $0x18, v51  }
0x71: {  	v3 =	vand.u32 $0x7, v3  }
0x72: {  	v3 =	vor.u32 v3, v4  }
0x73: {  	v4 =	vperm.xlane v3, v0;
	_ =	sdelay $0x1  }
0x74: {  	v4 =	vadd.s32 v1, v4;
	_ =	sdelay $0x1  }
0x75: {  	v3 =	vperm.xlane v3, v2;
	_ =	sdelay $0x1  }
0x76: {  	s18 =	simm.s32 $0x9400;
	v3 =	vadd.s32 v1, v3  }
0x77: {  	[tilespmem:s18], [sflag:$0x2] =	stream.indirect_vreg.gather [hbm4b:s3+s2], $0x80, v4, vm0, $0xb8;
	[tilespmem:$0x1CC00] =	vst v63  }
0x78: {  	s26 =	simm.s32 $0x9C00  }
0x79: {  	[tilespmem:s26], [sflag:$0x2] =	stream.indirect_vreg.gather [hbm4b:s5+s2], $0x80, v4, vm1, $0xb8;
	[tilespmem:$0x1CC00] =	vst v63  }
0x7a: {  	s28 =	simm.s32 $0xA000  }
0x7b: {  	[tilespmem:s28], [sflag:$0x2] =	stream.indirect_vreg.gather [hbm4b:s3+s2], $0x80, v3, vm0, $0xb8;
	[tilespmem:$0x1CC00] =	vst v63  }
0x7c: {  	s30 =	simm.s32 $0xA800  }
0x7d: {  	[tilespmem:s30], [sflag:$0x2] =	stream.indirect_vreg.gather [hbm4b:s5+s2], $0x80, v3, vm1, $0xb8;
	[tilespmem:$0x1CC00] =	vst v63  }
0x7e: {  	v3 =	vld [tilespmem:$0x40];
	_ =	sdelay $0x4  }
0x7f: {  	v52 =	vshrl.u32 v3, $0x3  }
0x80: {  	v4 =	vmul.u32 $0x18, v52  }
0x81: {  	v3 =	vand.u32 $0x7, v3  }
0x82: {  	v3 =	vor.u32 v3, v4  }
0x83: {  	v4 =	vperm.xlane v3, v0;
	_ =	sdelay $0x1  }
0x84: {  	v4 =	vadd.s32 v1, v4;
	_ =	sdelay $0x1  }
0x85: {  	v3 =	vperm.xlane v3, v2;
	_ =	sdelay $0x1  }
0x86: {  	s18 =	simm.s32 $0xAC00;
	v3 =	vadd.s32 v1, v3  }
0x87: {  	[tilespmem:s18], [sflag:$0x3] =	stream.indirect_vreg.gather [hbm4b:s3+s2], $0x80, v4, vm0, $0xb8;
	[tilespmem:$0x1CC00] =	vst v63  }
0x88: {  	s18 =	simm.s32 $0xB400  }
0x89: {  	[tilespmem:s18], [sflag:$0x3] =	stream.indirect_vreg.gather [hbm4b:s5+s2], $0x80, v4, vm1, $0xb8;
	[tilespmem:$0x1CC00] =	vst v63  }
0x8a: {  	s23 =	simm.s32 $0xB800  }
0x8b: {  	[tilespmem:s23], [sflag:$0x3] =	stream.indirect_vreg.gather [hbm4b:s3+s2], $0x80, v3, vm0, $0xb8;
	[tilespmem:$0x1CC00] =	vst v63  }
0x8c: {  	s26 =	simm.s32 $0xC000  }
0x8d: {  	[tilespmem:s26], [sflag:$0x3] =	stream.indirect_vreg.gather [hbm4b:s5+s2], $0x80, v3, vm1, $0xb8;
	[tilespmem:$0x1CC00] =	vst v63  }
0x8e: {  	v3 =	vld [tilespmem:$0x50];
	_ =	sdelay $0x4  }
0x8f: {  	v53 =	vshrl.u32 v3, $0x3  }
0x90: {  	v4 =	vmul.u32 $0x18, v53  }
0x91: {  	v3 =	vand.u32 $0x7, v3  }
0x92: {  	v3 =	vor.u32 v3, v4  }
0x93: {  	v4 =	vperm.xlane v3, v0;
	_ =	sdelay $0x1  }
0x94: {  	v4 =	vadd.s32 v1, v4;
	_ =	sdelay $0x1  }
0x95: {  	v3 =	vperm.xlane v3, v2;
	_ =	sdelay $0x1  }
0x96: {  	s28 =	simm.s32 $0xC400;
	v3 =	vadd.s32 v1, v3  }
0x97: {  	[tilespmem:s28], [sflag:$0x3] =	stream.indirect_vreg.gather [hbm4b:s3+s2], $0x80, v4, vm0, $0xb8;
	[tilespmem:$0x1CC00] =	vst v63  }
0x98: {  	s30 =	simm.s32 $0xCC00  }
0x99: {  	[tilespmem:s30], [sflag:$0x3] =	stream.indirect_vreg.gather [hbm4b:s5+s2], $0x80, v4, vm1, $0xb8;
	[tilespmem:$0x1CC00] =	vst v63  }
0x9a: {  	s23 =	simm.s32 $0xD000  }
0x9b: {  	[tilespmem:s23], [sflag:$0x3] =	stream.indirect_vreg.gather [hbm4b:s3+s2], $0x80, v3, vm0, $0xb8;
	[tilespmem:$0x1CC00] =	vst v63  }
0x9c: {  	s26 =	simm.s32 $0xD800  }
0x9d: {  	[tilespmem:s26], [sflag:$0x3] =	stream.indirect_vreg.gather [hbm4b:s5+s2], $0x80, v3, vm1, $0xb8;
	[tilespmem:$0x1CC00] =	vst v63  }
0x9e: {  	v3 =	vld [tilespmem:$0x60];
	_ =	sdelay $0x4  }
0x9f: {  	v54 =	vshrl.u32 v3, $0x3  }
0xa0: {  	v4 =	vmul.u32 $0x18, v54  }
0xa1: {  	v3 =	vand.u32 $0x7, v3  }
0xa2: {  	v3 =	vor.u32 v3, v4  }
0xa3: {  	v4 =	vperm.xlane v3, v0;
	_ =	sdelay $0x1  }
0xa4: {  	v4 =	vadd.s32 v1, v4;
	_ =	sdelay $0x1  }
0xa5: {  	v3 =	vperm.xlane v3, v2;
	_ =	sdelay $0x1  }
0xa6: {  	s28 =	simm.s32 $0xDC00;
	v3 =	vadd.s32 v1, v3  }
0xa7: {  	[tilespmem:s28], [sflag:$0x4] =	stream.indirect_vreg.gather [hbm4b:s3+s2], $0x80, v4, vm0, $0xb8;
	[tilespmem:$0x1CC00] =	vst v63  }
0xa8: {  	s30 =	simm.s32 $0xE400  }
0xa9: {  	[tilespmem:s30], [sflag:$0x4] =	stream.indirect_vreg.gather [hbm4b:s5+s2], $0x80, v4, vm1, $0xb8;
	[tilespmem:$0x1CC00] =	vst v63  }
0xaa: {  	s23 =	simm.s32 $0xE800  }
0xab: {  	[tilespmem:s23], [sflag:$0x4] =	stream.indirect_vreg.gather [hbm4b:s3+s2], $0x80, v3, vm0, $0xb8;
	[tilespmem:$0x1CC00] =	vst v63  }
0xac: {  	s26 =	simm.s32 $0xF000  }
0xad: {  	[tilespmem:s26], [sflag:$0x4] =	stream.indirect_vreg.gather [hbm4b:s5+s2], $0x80, v3, vm1, $0xb8;
	[tilespmem:$0x1CC00] =	vst v63  }
0xae: {  	v3 =	vld [tilespmem:$0x70];
	_ =	sdelay $0x4  }
0xaf: {  	v55 =	vshrl.u32 v3, $0x3  }
0xb0: {  	v4 =	vmul.u32 $0x18, v55  }
0xb1: {  	v3 =	vand.u32 $0x7, v3  }
0xb2: {  	v3 =	vor.u32 v3, v4  }
0xb3: {  	v4 =	vperm.xlane v3, v0;
	_ =	sdelay $0x1  }
0xb4: {  	v4 =	vadd.s32 v1, v4;
	_ =	sdelay $0x1  }
0xb5: {  	v3 =	vperm.xlane v3, v2;
	_ =	sdelay $0x1  }
0xb6: {  	s28 =	simm.s32 $0xF400;
	v3 =	vadd.s32 v1, v3  }
0xb7: {  	[tilespmem:s28], [sflag:$0x4] =	stream.indirect_vreg.gather [hbm4b:s3+s2], $0x80, v4, vm0, $0xb8;
	[tilespmem:$0x1CC00] =	vst v63  }
0xb8: {  	s30 =	simm.s32 $0xFC00  }
0xb9: {  	[tilespmem:s30], [sflag:$0x4] =	stream.indirect_vreg.gather [hbm4b:s5+s2], $0x80, v4, vm1, $0xb8;
	[tilespmem:$0x1CC00] =	vst v63  }
0xba: {  	s23 =	simm.s32 $0x10000  }
0xbb: {  	[tilespmem:s23], [sflag:$0x4] =	stream.indirect_vreg.gather [hbm4b:s3+s2], $0x80, v3, vm0, $0xb8;
	[tilespmem:$0x1CC00] =	vst v63  }
0xbc: {  	s26 =	simm.s32 $0x10800  }
0xbd: {  	[tilespmem:s26], [sflag:$0x4] =	stream.indirect_vreg.gather [hbm4b:s5+s2], $0x80, v3, vm1, $0xb8;
	[tilespmem:$0x1CC00] =	vst v63  }
0xbe: {  	v3 =	vld [tilespmem:$0x80];
	_ =	sdelay $0x4  }
0xbf: {  	v56 =	vshrl.u32 v3, $0x3  }
0xc0: {  	v4 =	vmul.u32 $0x18, v56  }
0xc1: {  	v3 =	vand.u32 $0x7, v3  }
0xc2: {  	v3 =	vor.u32 v3, v4  }
0xc3: {  	v4 =	vperm.xlane v3, v0;
	_ =	sdelay $0x1  }
0xc4: {  	v4 =	vadd.s32 v1, v4;
	_ =	sdelay $0x1  }
0xc5: {  	v3 =	vperm.xlane v3, v2;
	_ =	sdelay $0x1  }
0xc6: {  	s28 =	simm.s32 $0x10C00;
	v3 =	vadd.s32 v1, v3  }
0xc7: {  	[tilespmem:s28], [sflag:$0x5] =	stream.indirect_vreg.gather [hbm4b:s3+s2], $0x80, v4, vm0, $0xb8;
	[tilespmem:$0x1CC00] =	vst v63  }
0xc8: {  	s30 =	simm.s32 $0x11400  }
0xc9: {  	[tilespmem:s30], [sflag:$0x5] =	stream.indirect_vreg.gather [hbm4b:s5+s2], $0x80, v4, vm1, $0xb8;
	[tilespmem:$0x1CC00] =	vst v63  }
0xca: {  	s23 =	simm.s32 $0x11800  }
0xcb: {  	[tilespmem:s23], [sflag:$0x5] =	stream.indirect_vreg.gather [hbm4b:s3+s2], $0x80, v3, vm0, $0xb8;
	[tilespmem:$0x1CC00] =	vst v63  }
0xcc: {  	s26 =	simm.s32 $0x12000  }
0xcd: {  	[tilespmem:s26], [sflag:$0x5] =	stream.indirect_vreg.gather [hbm4b:s5+s2], $0x80, v3, vm1, $0xb8;
	[tilespmem:$0x1CC00] =	vst v63  }
0xce: {  	v3 =	vld [tilespmem:$0x90];
	_ =	sdelay $0x4  }
0xcf: {  	v57 =	vshrl.u32 v3, $0x3  }
0xd0: {  	v4 =	vmul.u32 $0x18, v57  }
0xd1: {  	v3 =	vand.u32 $0x7, v3  }
0xd2: {  	v3 =	vor.u32 v3, v4  }
0xd3: {  	v4 =	vperm.xlane v3, v0;
	_ =	sdelay $0x1  }
0xd4: {  	v4 =	vadd.s32 v1, v4;
	_ =	sdelay $0x1  }
0xd5: {  	v3 =	vperm.xlane v3, v2;
	_ =	sdelay $0x1  }
0xd6: {  	s28 =	simm.s32 $0x12400;
	v3 =	vadd.s32 v1, v3  }
0xd7: {  	[tilespmem:s28], [sflag:$0x5] =	stream.indirect_vreg.gather [hbm4b:s3+s2], $0x80, v4, vm0, $0xb8;
	[tilespmem:$0x1CC00] =	vst v63  }
0xd8: {  	s30 =	simm.s32 $0x12C00  }
0xd9: {  	[tilespmem:s30], [sflag:$0x5] =	stream.indirect_vreg.gather [hbm4b:s5+s2], $0x80, v4, vm1, $0xb8;
	[tilespmem:$0x1CC00] =	vst v63  }
0xda: {  	s23 =	simm.s32 $0x13000  }
0xdb: {  	[tilespmem:s23], [sflag:$0x5] =	stream.indirect_vreg.gather [hbm4b:s3+s2], $0x80, v3, vm0, $0xb8;
	[tilespmem:$0x1CC00] =	vst v63  }
0xdc: {  	s26 =	simm.s32 $0x13800  }
0xdd: {  	[tilespmem:s26], [sflag:$0x5] =	stream.indirect_vreg.gather [hbm4b:s5+s2], $0x80, v3, vm1, $0xb8;
	[tilespmem:$0x1CC00] =	vst v63  }
0xde: {  	v3 =	vld [tilespmem:$0xA0];
	_ =	sdelay $0x4  }
0xdf: {  	v58 =	vshrl.u32 v3, $0x3  }
0xe0: {  	v4 =	vmul.u32 $0x18, v58  }
0xe1: {  	v3 =	vand.u32 $0x7, v3  }
0xe2: {  	v3 =	vor.u32 v3, v4  }
0xe3: {  	v4 =	vperm.xlane v3, v0;
	_ =	sdelay $0x1  }
0xe4: {  	v4 =	vadd.s32 v1, v4;
	_ =	sdelay $0x1  }
0xe5: {  	v3 =	vperm.xlane v3, v2;
	_ =	sdelay $0x1  }
0xe6: {  	v3 =	vadd.s32 v1, v3  }
0xe7: {  	[tilespmem:s29], [sflag:$0x6] =	stream.indirect_vreg.gather [hbm4b:s3+s2], $0x80, v4, vm0, $0xb8;
	[tilespmem:$0x1CC00] =	vst v63  }
0xe8: {  	s28 =	simm.s32 $0x14400  }
0xe9: {  	[tilespmem:s28], [sflag:$0x6] =	stream.indirect_vreg.gather [hbm4b:s5+s2], $0x80, v4, vm1, $0xb8;
	[tilespmem:$0x1CC00] =	vst v63  }
0xea: {  	s30 =	simm.s32 $0x14800  }
0xeb: {  	[tilespmem:s30], [sflag:$0x6] =	stream.indirect_vreg.gather [hbm4b:s3+s2], $0x80, v3, vm0, $0xb8;
	[tilespmem:$0x1CC00] =	vst v63  }
0xec: {  	s23 =	simm.s32 $0x15000  }
0xed: {  	[tilespmem:s23], [sflag:$0x6] =	stream.indirect_vreg.gather [hbm4b:s5+s2], $0x80, v3, vm1, $0xb8;
	[tilespmem:$0x1CC00] =	vst v63  }
0xee: {  	v3 =	vld [tilespmem:$0xB0];
	_ =	sdelay $0x4  }
0xef: {  	v59 =	vshrl.u32 v3, $0x3  }
0xf0: {  	v4 =	vmul.u32 $0x18, v59  }
0xf1: {  	v3 =	vand.u32 $0x7, v3  }
0xf2: {  	v3 =	vor.u32 v3, v4  }
0xf3: {  	v4 =	vperm.xlane v3, v0;
	_ =	sdelay $0x1  }
0xf4: {  	v4 =	vadd.s32 v1, v4;
	_ =	sdelay $0x1  }
0xf5: {  	v3 =	vperm.xlane v3, v2;
	_ =	sdelay $0x1  }
0xf6: {  	s26 =	simm.s32 $0x15400;
	v3 =	vadd.s32 v1, v3  }
0xf7: {  	[tilespmem:s26], [sflag:$0x6] =	stream.indirect_vreg.gather [hbm4b:s3+s2], $0x80, v4, vm0, $0xb8;
	[tilespmem:$0x1CC00] =	vst v63  }
0xf8: {  	s28 =	simm.s32 $0x15C00  }
0xf9: {  	[tilespmem:s28], [sflag:$0x6] =	stream.indirect_vreg.gather [hbm4b:s5+s2], $0x80, v4, vm1, $0xb8;
	[tilespmem:$0x1CC00] =	vst v63  }
0xfa: {  	s30 =	simm.s32 $0x16000  }
0xfb: {  	[tilespmem:s30], [sflag:$0x6] =	stream.indirect_vreg.gather [hbm4b:s3+s2], $0x80, v3, vm0, $0xb8;
	[tilespmem:$0x1CC00] =	vst v63  }
0xfc: {  	s23 =	simm.s32 $0x16800  }
0xfd: {  	[tilespmem:s23], [sflag:$0x6] =	stream.indirect_vreg.gather [hbm4b:s5+s2], $0x80, v3, vm1, $0xb8;
	[tilespmem:$0x1CC00] =	vst v63  }
0xfe: {  	v3 =	vld [tilespmem:$0xC0];
	_ =	sdelay $0x4  }
0xff: {  	v60 =	vshrl.u32 v3, $0x3  }
0x100: {  	v4 =	vmul.u32 $0x18, v60  }
0x101: {  	v3 =	vand.u32 $0x7, v3  }
0x102: {  	v3 =	vor.u32 v3, v4  }
0x103: {  	v4 =	vperm.xlane v3, v0;
	_ =	sdelay $0x1  }
0x104: {  	v4 =	vadd.s32 v1, v4;
	_ =	sdelay $0x1  }
0x105: {  	v3 =	vperm.xlane v3, v2;
	_ =	sdelay $0x1  }
0x106: {  	v3 =	vadd.s32 v1, v3  }
0x107: {  	[tilespmem:s22], [sflag:$0x7] =	stream.indirect_vreg.gather [hbm4b:s3+s2], $0x80, v4, vm0, $0xb8;
	[tilespmem:$0x1CC00] =	vst v63  }
0x108: {  	s26 =	simm.s32 $0x17400  }
0x109: {  	[tilespmem:s26], [sflag:$0x7] =	stream.indirect_vreg.gather [hbm4b:s5+s2], $0x80, v4, vm1, $0xb8;
	[tilespmem:$0x1CC00] =	vst v63  }
0x10a: {  	s28 =	simm.s32 $0x17800  }
0x10b: {  	[tilespmem:s28], [sflag:$0x7] =	stream.indirect_vreg.gather [hbm4b:s3+s2], $0x80, v3, vm0, $0xb8;
	[tilespmem:$0x1CC00] =	vst v63  }
0x10c: {  	s30 =	simm.s32 $0x18000  }
0x10d: {  	[tilespmem:s30], [sflag:$0x7] =	stream.indirect_vreg.gather [hbm4b:s5+s2], $0x80, v3, vm1, $0xb8;
	[tilespmem:$0x1CC00] =	vst v63  }
0x10e: {  	v3 =	vld [tilespmem:$0xD0];
	_ =	sdelay $0x4  }
0x10f: {  	v61 =	vshrl.u32 v3, $0x3  }
0x110: {  	v4 =	vmul.u32 $0x18, v61  }
0x111: {  	v3 =	vand.u32 $0x7, v3  }
0x112: {  	v3 =	vor.u32 v3, v4  }
0x113: {  	v4 =	vperm.xlane v3, v0;
	_ =	sdelay $0x1  }
0x114: {  	v4 =	vadd.s32 v1, v4;
	_ =	sdelay $0x1  }
0x115: {  	v3 =	vperm.xlane v3, v2;
	_ =	sdelay $0x1  }
0x116: {  	s23 =	simm.s32 $0x18400;
	v3 =	vadd.s32 v1, v3  }
0x117: {  	[tilespmem:s23], [sflag:$0x7] =	stream.indirect_vreg.gather [hbm4b:s3+s2], $0x80, v4, vm0, $0xb8;
	[tilespmem:$0x1CC00] =	vst v63  }
0x118: {  	_ = 	snop  }
0x119: {  	[tilespmem:s31], [sflag:$0x7] =	stream.indirect_vreg.gather [hbm4b:s5+s2], $0x80, v4, vm1, $0xb8;
	[tilespmem:$0x1CC00] =	vst v63  }
0x11a: {  	_ = 	snop  }
0x11b: {  	[tilespmem:s1], [sflag:$0x7] =	stream.indirect_vreg.gather [hbm4b:s3+s2], $0x80, v3, vm0, $0xb8;
	[tilespmem:$0x1CC00] =	vst v63  }
0x11c: {  	_ = 	snop  }
0x11d: {  	[tilespmem:s17], [sflag:$0x7] =	stream.indirect_vreg.gather [hbm4b:s5+s2], $0x80, v3, vm1, $0xb8;
	[tilespmem:$0x1CC00] =	vst v63  }
0x11e: {  	v3 =	vld [tilespmem:$0xE0];
	_ =	sdelay $0x4  }
0x11f: {  	v62 =	vshrl.u32 v3, $0x3  }
0x120: {  	v4 =	vmul.u32 $0x18, v62  }
0x121: {  	v3 =	vand.u32 $0x7, v3  }
0x122: {  	v3 =	vor.u32 v3, v4  }
0x123: {  	v4 =	vperm.xlane v3, v0;
	_ =	sdelay $0x1  }
0x124: {  	v4 =	vadd.s32 v1, v4;
	_ =	sdelay $0x1  }
0x125: {  	v3 =	vperm.xlane v3, v2;
	_ =	sdelay $0x1  }
0x126: {  	v3 =	vadd.s32 v1, v3  }
0x127: {  	[tilespmem:s19], [sflag:$0x8] =	stream.indirect_vreg.gather [hbm4b:s3+s2], $0x80, v4, vm0, $0xb8;
	[tilespmem:$0x1CC00] =	vst v63  }
0x128: {  	s26 =	simm.s32 $0x1A400  }
0x129: {  	[tilespmem:s26], [sflag:$0x8] =	stream.indirect_vreg.gather [hbm4b:s5+s2], $0x80, v4, vm1, $0xb8;
	[tilespmem:$0x1CC00] =	vst v63  }
0x12a: {  	s28 =	simm.s32 $0x1A800  }
0x12b: {  	[tilespmem:s28], [sflag:$0x8] =	stream.indirect_vreg.gather [hbm4b:s3+s2], $0x80, v3, vm0, $0xb8;
	[tilespmem:$0x1CC00] =	vst v63  }
0x12c: {  	s30 =	simm.s32 $0x1B000  }
0x12d: {  	[tilespmem:s30], [sflag:$0x8] =	stream.indirect_vreg.gather [hbm4b:s5+s2], $0x80, v3, vm1, $0xb8;
	[tilespmem:$0x1CC00] =	vst v63  }
0x12e: {  	v3 =	vld [tilespmem:$0xF0];
	_ =	sdelay $0x4  }
0x12f: {  	v63 =	vshrl.u32 v3, $0x3  }
0x130: {  	v4 =	vmul.u32 $0x18, v63  }
0x131: {  	v3 =	vand.u32 $0x7, v3  }
0x132: {  	v3 =	vor.u32 v3, v4  }
0x133: {  	v4 =	vperm.xlane v3, v0;
	_ =	sdelay $0x1  }
0x134: {  	v4 =	vadd.s32 v1, v4;
	_ =	sdelay $0x1  }
0x135: {  	v3 =	vperm.xlane v3, v2;
	_ =	sdelay $0x1  }
0x136: {  	s23 =	simm.s32 $0x1B400;
	v3 =	vadd.s32 v1, v3  }
0x137: {  	[tilespmem:s23], [sflag:$0x8] =	stream.indirect_vreg.gather [hbm4b:s3+s2], $0x80, v4, vm0, $0xb8;
	[tilespmem:$0x1CC00] =	vst v63  }
0x138: {  	s26 =	simm.s32 $0x1BC00  }
0x139: {  	[tilespmem:s26], [sflag:$0x8] =	stream.indirect_vreg.gather [hbm4b:s5+s2], $0x80, v4, vm1, $0xb8;
	[tilespmem:$0x1CC00] =	vst v63  }
0x13a: {  	s28 =	simm.s32 $0x1C000  }
0x13b: {  	[tilespmem:s28], [sflag:$0x8] =	stream.indirect_vreg.gather [hbm4b:s3+s2], $0x80, v3, vm0, $0xb8;
	[tilespmem:$0x1CC00] =	vst v63  }
0x13c: {  	s30 =	simm.s32 $0x1C800;
	s23 =	simm.s32 $0x1D0;
	s26 =	simm.s32 $0x0  }
0x13d: {  	[tilespmem:s30], [sflag:$0x8] =	stream.indirect_vreg.gather [hbm4b:s5+s2], $0x80, v3, vm1, $0xb8;
	[tilespmem:$0x1CC00] =	vst v63  }
.LBB2_2:
0x13e: {  	_ =	swait.ge [sflag:s21], $0x3000  }
0x13f: {  	s28 =	sadd.s32 s26, s14;
	[sflag:s21] =	ssyncset.done $0x0  }
0x140: {  	s30 =	simm.s32 $0x4C00;
	p0 =	seq.s32 s26, $0x0;
	[sflag:s21] =	ssyncadd.s32 $0xFFFFD000  }
0x141: {  	[hbm4b:s28+s2] =	stream.linear.scatter [tilespmem:s30], [sflag:$0x9], $0x3000, $0x38;
	[tilespmem:$0x1CC00] =	vst v63  }
0x142: {  	s28 =	simm.s32 @!p0 $0x10  }
0x143: {  	_ =	swait.ge @!p0 [sflag:s28], $0x3000  }
0x144: {  	[sflag:s28] =	ssyncset.done @!p0 $0x0  }
0x145: {  	[sflag:s28] =	ssyncadd.s32 @!p0 $0xFFFFD000  }
0x146: {  	v3 =	vld @!p0 [tilespmem:s23+$0xFFFFFF10];
	_ =	sdelay $0x4  }
0x147: {  	v4 =	vshrl.u32 @!p0 v3, $0x3  }
0x148: {  	v4 =	vmul.u32 @!p0 $0x18, v4  }
0x149: {  	v5 =	vlaneseq.u32 @!p0;
	v3 =	vand.u32 @!p0 $0x7, v3  }
0x14a: {  	v6 =	vshrl.u32 @!p0 v5, $0x3;
	v3 =	vor.u32 @!p0 v3, v4;
	v4 =	vand.u32 @!p0 $0x7, v5  }
0x14b: {  	v6 =	vmul.u32 @!p0 $0x8, v6;
	v7 =	vperm.xlane @!p0 v3, v4;
	_ =	sdelay $0x1  }
0x14c: {  	v7 =	vadd.s32 @!p0 v6, v7  }
0x14d: {  	v5 =	vor.u32 @!p0 $0x8, v5  }
0x14e: {  	v3 =	vperm.xlane @!p0 v3, v5;
	_ =	sdelay $0x1  }
0x14f: {  	vm2 =	vmmov @!p0 $0xffff;
	s30 =	simm.s32 @!p0 $0x19C00;
	s28 =	simm.s32 @!p0 $0x0;
	v3 =	vadd.s32 @!p0 v6, v3  }
0x150: {  	[tilespmem:s30], [sflag:$0x8] =	stream.indirect_vreg.gather @!p0 [hbm4b:s3+s28], $0x80, v7, vm2, $0xb8;
	[tilespmem:$0x1CC00] =	vst v63  }
0x151: {  	vm3 =	vmmov @!p0 $0xff;
	s30 =	simm.s32 @!p0 $0x1A400  }
0x152: {  	[tilespmem:s30], [sflag:$0x8] =	stream.indirect_vreg.gather @!p0 [hbm4b:s5+s28], $0x80, v7, vm3, $0xb8;
	[tilespmem:$0x1CC00] =	vst v63  }
0x153: {  	s30 =	simm.s32 @!p0 $0x1A800  }
0x154: {  	[tilespmem:s30], [sflag:$0x8] =	stream.indirect_vreg.gather @!p0 [hbm4b:s3+s28], $0x80, v3, vm2, $0xb8;
	[tilespmem:$0x1CC00] =	vst v63  }
0x155: {  	s30 =	simm.s32 @!p0 $0x1B000  }
0x156: {  	[tilespmem:s30], [sflag:$0x8] =	stream.indirect_vreg.gather @!p0 [hbm4b:s5+s28], $0x80, v3, vm3, $0xb8;
	[tilespmem:$0x1CC00] =	vst v63  }
0x157: {  	v3 =	vld @!p0 [tilespmem:s23+$0xFFFFFF20];
	_ =	sdelay $0x4  }
0x158: {  	v7 =	vshrl.u32 @!p0 v3, $0x3  }
0x159: {  	v7 =	vmul.u32 @!p0 $0x18, v7  }
0x15a: {  	v3 =	vand.u32 @!p0 $0x7, v3  }
0x15b: {  	v3 =	vor.u32 @!p0 v3, v7  }
0x15c: {  	v4 =	vperm.xlane @!p0 v3, v4;
	_ =	sdelay $0x1  }
0x15d: {  	v4 =	vadd.s32 @!p0 v6, v4;
	_ =	sdelay $0x1  }
0x15e: {  	v3 =	vperm.xlane @!p0 v3, v5;
	_ =	sdelay $0x1  }
0x15f: {  	s30 =	simm.s32 @!p0 $0x1B400;
	v3 =	vadd.s32 @!p0 v6, v3  }
0x160: {  	[tilespmem:s30], [sflag:$0x8] =	stream.indirect_vreg.gather @!p0 [hbm4b:s3+s28], $0x80, v4, vm2, $0xb8;
	[tilespmem:$0x1CC00] =	vst v63  }
0x161: {  	s30 =	simm.s32 @!p0 $0x1BC00  }
0x162: {  	[tilespmem:s30], [sflag:$0x8] =	stream.indirect_vreg.gather @!p0 [hbm4b:s5+s28], $0x80, v4, vm3, $0xb8;
	[tilespmem:$0x1CC00] =	vst v63  }
0x163: {  	s30 =	simm.s32 @!p0 $0x1C000  }
0x164: {  	[tilespmem:s30], [sflag:$0x8] =	stream.indirect_vreg.gather @!p0 [hbm4b:s3+s28], $0x80, v3, vm2, $0xb8;
	[tilespmem:$0x1CC00] =	vst v63  }
0x165: {  	s30 =	simm.s32 @!p0 $0x1C800  }
0x166: {  	[tilespmem:s30], [sflag:$0x8] =	stream.indirect_vreg.gather @!p0 [hbm4b:s5+s28], $0x80, v3, vm3, $0xb8;
	[tilespmem:$0x1CC00] =	vst v63  }
0x167: {  	_ =	swait.ge [sflag:s20], $0x3000  }
0x168: {  	s18 =	simm.s32 $0x7C00;
	[sflag:s20] =	ssyncset.done $0x0  }
0x169: {  	s28 =	sadd.s32 s26, s13;
	p0 =	seq.s32 s26, $0xDB000;
	[sflag:s20] =	ssyncadd.s32 $0xFFFFD000  }
0x16a: {  	[hbm4b:s28+s2] =	stream.linear.scatter [tilespmem:s18], [sflag:$0xA], $0x3000, $0x38;
	[tilespmem:$0x1CC00] =	vst v63  }
0x16b: {  	s28 =	simm.s32 @!p0 $0x9  }
0x16c: {  	_ =	swait.ge @!p0 [sflag:s28], $0x3000  }
0x16d: {  	[sflag:s28] =	ssyncset.done @!p0 $0x0  }
0x16e: {  	[sflag:s28] =	ssyncadd.s32 @!p0 $0xFFFFD000  }
0x16f: {  	v3 =	vld @!p0 [tilespmem:s23+$0xFFFFFF30];
	_ =	sdelay $0x4  }
0x170: {  	v4 =	vshrl.u32 @!p0 v3, $0x3  }
0x171: {  	v4 =	vmul.u32 @!p0 $0x18, v4  }
0x172: {  	v5 =	vlaneseq.u32 @!p0;
	v3 =	vand.u32 @!p0 $0x7, v3  }
0x173: {  	v6 =	vor.u32 @!p0 v3, v4;
	v4 =	vand.u32 @!p0 $0x7, v5;
	v3 =	vshrl.u32 @!p0 v5, $0x3  }
0x174: {  	v7 =	vperm.xlane @!p0 v6, v4;
	v3 =	vmul.u32 @!p0 $0x8, v3;
	_ =	sdelay $0x1  }
0x175: {  	v7 =	vadd.s32 @!p0 v3, v7  }
0x176: {  	v5 =	vor.u32 @!p0 $0x8, v5  }
0x177: {  	v6 =	vperm.xlane @!p0 v6, v5;
	_ =	sdelay $0x1  }
0x178: {  	vm2 =	vmmov @!p0 $0xffff;
	s30 =	simm.s32 @!p0 $0x4C00;
	s28 =	simm.s32 @!p0 $0x0;
	v6 =	vadd.s32 @!p0 v3, v6  }
0x179: {  	[tilespmem:s30], [sflag:$0x1] =	stream.indirect_vreg.gather @!p0 [hbm4b:s3+s28], $0x80, v7, vm2, $0xb8;
	[tilespmem:$0x1CC00] =	vst v63  }
0x17a: {  	vm3 =	vmmov @!p0 $0xff;
	s30 =	simm.s32 @!p0 $0x5400  }
0x17b: {  	[tilespmem:s30], [sflag:$0x1] =	stream.indirect_vreg.gather @!p0 [hbm4b:s5+s28], $0x80, v7, vm3, $0xb8;
	[tilespmem:$0x1CC00] =	vst v63  }
0x17c: {  	s30 =	simm.s32 @!p0 $0x5800  }
0x17d: {  	[tilespmem:s30], [sflag:$0x1] =	stream.indirect_vreg.gather @!p0 [hbm4b:s3+s28], $0x80, v6, vm2, $0xb8;
	[tilespmem:$0x1CC00] =	vst v63  }
0x17e: {  	s30 =	simm.s32 @!p0 $0x6000  }
0x17f: {  	[tilespmem:s30], [sflag:$0x1] =	stream.indirect_vreg.gather @!p0 [hbm4b:s5+s28], $0x80, v6, vm3, $0xb8;
	[tilespmem:$0x1CC00] =	vst v63  }
0x180: {  	v6 =	vld @!p0 [tilespmem:s23+$0xFFFFFF40];
	_ =	sdelay $0x4  }
0x181: {  	v7 =	vshrl.u32 @!p0 v6, $0x3  }
0x182: {  	v7 =	vmul.u32 @!p0 $0x18, v7  }
0x183: {  	v6 =	vand.u32 @!p0 $0x7, v6  }
0x184: {  	v6 =	vor.u32 @!p0 v6, v7  }
0x185: {  	v7 =	vperm.xlane @!p0 v6, v4;
	_ =	sdelay $0x1  }
0x186: {  	v7 =	vadd.s32 @!p0 v3, v7;
	_ =	sdelay $0x1  }
0x187: {  	v6 =	vperm.xlane @!p0 v6, v5;
	_ =	sdelay $0x1  }
0x188: {  	s30 =	simm.s32 @!p0 $0x6400;
	v6 =	vadd.s32 @!p0 v3, v6  }
0x189: {  	[tilespmem:s30], [sflag:$0x1] =	stream.indirect_vreg.gather @!p0 [hbm4b:s3+s28], $0x80, v7, vm2, $0xb8;
	[tilespmem:$0x1CC00] =	vst v63  }
0x18a: {  	s30 =	simm.s32 @!p0 $0x6C00  }
0x18b: {  	[tilespmem:s30], [sflag:$0x1] =	stream.indirect_vreg.gather @!p0 [hbm4b:s5+s28], $0x80, v7, vm3, $0xb8;
	[tilespmem:$0x1CC00] =	vst v63  }
0x18c: {  	s30 =	simm.s32 @!p0 $0x7000  }
0x18d: {  	[tilespmem:s30], [sflag:$0x1] =	stream.indirect_vreg.gather @!p0 [hbm4b:s3+s28], $0x80, v6, vm2, $0xb8;
	[tilespmem:$0x1CC00] =	vst v63  }
0x18e: {  	s30 =	simm.s32 @!p0 $0x7800  }
0x18f: {  	[tilespmem:s30], [sflag:$0x1] =	stream.indirect_vreg.gather @!p0 [hbm4b:s5+s28], $0x80, v6, vm3, $0xb8;
	[tilespmem:$0x1CC00] =	vst v63  }
0x190: {  	_ =	swait.ge [sflag:s4], $0x3000  }
0x191: {  	[sflag:s4] =	ssyncset.done $0x0  }
0x192: {  	s18 =	simm.s32 $0xAC00;
	s30 =	sadd.s32 s26, s12;
	[sflag:s4] =	ssyncadd.s32 $0xFFFFD000  }
0x193: {  	[hbm4b:s30+s2] =	stream.linear.scatter [tilespmem:s18], [sflag:$0xB], $0x3000, $0x38;
	[tilespmem:$0x1CC00] =	vst v63  }
0x194: {  	s30 =	simm.s32 @!p0 $0xA  }
0x195: {  	_ =	swait.ge @!p0 [sflag:s30], $0x3000  }
0x196: {  	[sflag:s30] =	ssyncset.done @!p0 $0x0  }
0x197: {  	[sflag:s30] =	ssyncadd.s32 @!p0 $0xFFFFD000  }
0x198: {  	v6 =	vld @!p0 [tilespmem:s23+$0xFFFFFF50];
	_ =	sdelay $0x4  }
0x199: {  	v7 =	vshrl.u32 @!p0 v6, $0x3  }
0x19a: {  	v7 =	vmul.u32 @!p0 $0x18, v7  }
0x19b: {  	v6 =	vand.u32 @!p0 $0x7, v6  }
0x19c: {  	v6 =	vor.u32 @!p0 v6, v7  }
0x19d: {  	v7 =	vperm.xlane @!p0 v6, v4;
	_ =	sdelay $0x1  }
0x19e: {  	v7 =	vadd.s32 @!p0 v3, v7;
	_ =	sdelay $0x1  }
0x19f: {  	v6 =	vperm.xlane @!p0 v6, v5;
	_ =	sdelay $0x1  }
0x1a0: {  	s30 =	simm.s32 @!p0 $0x7C00;
	v6 =	vadd.s32 @!p0 v3, v6  }
0x1a1: {  	[tilespmem:s30], [sflag:$0x2] =	stream.indirect_vreg.gather @!p0 [hbm4b:s3+s28], $0x80, v7, vm2, $0xb8;
	[tilespmem:$0x1CC00] =	vst v63  }
0x1a2: {  	s30 =	simm.s32 @!p0 $0x8400  }
0x1a3: {  	[tilespmem:s30], [sflag:$0x2] =	stream.indirect_vreg.gather @!p0 [hbm4b:s5+s28], $0x80, v7, vm3, $0xb8;
	[tilespmem:$0x1CC00] =	vst v63  }
0x1a4: {  	s30 =	simm.s32 @!p0 $0x8800  }
0x1a5: {  	[tilespmem:s30], [sflag:$0x2] =	stream.indirect_vreg.gather @!p0 [hbm4b:s3+s28], $0x80, v6, vm2, $0xb8;
	[tilespmem:$0x1CC00] =	vst v63  }
0x1a6: {  	s30 =	simm.s32 @!p0 $0x9000  }
0x1a7: {  	[tilespmem:s30], [sflag:$0x2] =	stream.indirect_vreg.gather @!p0 [hbm4b:s5+s28], $0x80, v6, vm3, $0xb8;
	[tilespmem:$0x1CC00] =	vst v63  }
0x1a8: {  	v6 =	vld @!p0 [tilespmem:s23+$0xFFFFFF60];
	_ =	sdelay $0x4  }
0x1a9: {  	v7 =	vshrl.u32 @!p0 v6, $0x3  }
0x1aa: {  	v7 =	vmul.u32 @!p0 $0x18, v7  }
0x1ab: {  	v6 =	vand.u32 @!p0 $0x7, v6  }
0x1ac: {  	v6 =	vor.u32 @!p0 v6, v7  }
0x1ad: {  	v7 =	vperm.xlane @!p0 v6, v4;
	_ =	sdelay $0x1  }
0x1ae: {  	v7 =	vadd.s32 @!p0 v3, v7;
	_ =	sdelay $0x1  }
0x1af: {  	v6 =	vperm.xlane @!p0 v6, v5;
	_ =	sdelay $0x1  }
0x1b0: {  	s30 =	simm.s32 @!p0 $0x9400;
	v6 =	vadd.s32 @!p0 v3, v6  }
0x1b1: {  	[tilespmem:s30], [sflag:$0x2] =	stream.indirect_vreg.gather @!p0 [hbm4b:s3+s28], $0x80, v7, vm2, $0xb8;
	[tilespmem:$0x1CC00] =	vst v63  }
0x1b2: {  	s30 =	simm.s32 @!p0 $0x9C00  }
0x1b3: {  	[tilespmem:s30], [sflag:$0x2] =	stream.indirect_vreg.gather @!p0 [hbm4b:s5+s28], $0x80, v7, vm3, $0xb8;
	[tilespmem:$0x1CC00] =	vst v63  }
0x1b4: {  	s30 =	simm.s32 @!p0 $0xA000  }
0x1b5: {  	[tilespmem:s30], [sflag:$0x2] =	stream.indirect_vreg.gather @!p0 [hbm4b:s3+s28], $0x80, v6, vm2, $0xb8;
	[tilespmem:$0x1CC00] =	vst v63  }
0x1b6: {  	s30 =	simm.s32 @!p0 $0xA800  }
0x1b7: {  	[tilespmem:s30], [sflag:$0x2] =	stream.indirect_vreg.gather @!p0 [hbm4b:s5+s28], $0x80, v6, vm3, $0xb8;
	[tilespmem:$0x1CC00] =	vst v63  }
0x1b8: {  	_ =	swait.ge [sflag:s6], $0x3000  }
0x1b9: {  	[sflag:s6] =	ssyncset.done $0x0  }
0x1ba: {  	s18 =	simm.s32 $0xDC00;
	s30 =	sadd.s32 s26, s11;
	[sflag:s6] =	ssyncadd.s32 $0xFFFFD000  }
0x1bb: {  	[hbm4b:s30+s2] =	stream.linear.scatter [tilespmem:s18], [sflag:$0xC], $0x3000, $0x38;
	[tilespmem:$0x1CC00] =	vst v63  }
0x1bc: {  	s30 =	simm.s32 @!p0 $0xB  }
0x1bd: {  	_ =	swait.ge @!p0 [sflag:s30], $0x3000  }
0x1be: {  	[sflag:s30] =	ssyncset.done @!p0 $0x0  }
0x1bf: {  	[sflag:s30] =	ssyncadd.s32 @!p0 $0xFFFFD000  }
0x1c0: {  	v6 =	vld @!p0 [tilespmem:s23+$0xFFFFFF70];
	_ =	sdelay $0x4  }
0x1c1: {  	v7 =	vshrl.u32 @!p0 v6, $0x3  }
0x1c2: {  	v7 =	vmul.u32 @!p0 $0x18, v7  }
0x1c3: {  	v6 =	vand.u32 @!p0 $0x7, v6  }
0x1c4: {  	v6 =	vor.u32 @!p0 v6, v7  }
0x1c5: {  	v7 =	vperm.xlane @!p0 v6, v4;
	_ =	sdelay $0x1  }
0x1c6: {  	v7 =	vadd.s32 @!p0 v3, v7;
	_ =	sdelay $0x1  }
0x1c7: {  	v6 =	vperm.xlane @!p0 v6, v5;
	_ =	sdelay $0x1  }
0x1c8: {  	s30 =	simm.s32 @!p0 $0xAC00;
	v6 =	vadd.s32 @!p0 v3, v6  }
0x1c9: {  	[tilespmem:s30], [sflag:$0x3] =	stream.indirect_vreg.gather @!p0 [hbm4b:s3+s28], $0x80, v7, vm2, $0xb8;
	[tilespmem:$0x1CC00] =	vst v63  }
0x1ca: {  	s30 =	simm.s32 @!p0 $0xB400  }
0x1cb: {  	[tilespmem:s30], [sflag:$0x3] =	stream.indirect_vreg.gather @!p0 [hbm4b:s5+s28], $0x80, v7, vm3, $0xb8;
	[tilespmem:$0x1CC00] =	vst v63  }
0x1cc: {  	s30 =	simm.s32 @!p0 $0xB800  }
0x1cd: {  	[tilespmem:s30], [sflag:$0x3] =	stream.indirect_vreg.gather @!p0 [hbm4b:s3+s28], $0x80, v6, vm2, $0xb8;
	[tilespmem:$0x1CC00] =	vst v63  }
0x1ce: {  	s30 =	simm.s32 @!p0 $0xC000  }
0x1cf: {  	[tilespmem:s30], [sflag:$0x3] =	stream.indirect_vreg.gather @!p0 [hbm4b:s5+s28], $0x80, v6, vm3, $0xb8;
	[tilespmem:$0x1CC00] =	vst v63  }
0x1d0: {  	v6 =	vld @!p0 [tilespmem:s23+$0xFFFFFF80];
	_ =	sdelay $0x4  }
0x1d1: {  	v7 =	vshrl.u32 @!p0 v6, $0x3  }
0x1d2: {  	v7 =	vmul.u32 @!p0 $0x18, v7  }
0x1d3: {  	v6 =	vand.u32 @!p0 $0x7, v6  }
0x1d4: {  	v6 =	vor.u32 @!p0 v6, v7  }
0x1d5: {  	v7 =	vperm.xlane @!p0 v6, v4;
	_ =	sdelay $0x1  }
0x1d6: {  	v7 =	vadd.s32 @!p0 v3, v7;
	_ =	sdelay $0x1  }
0x1d7: {  	v6 =	vperm.xlane @!p0 v6, v5;
	_ =	sdelay $0x1  }
0x1d8: {  	s30 =	simm.s32 @!p0 $0xC400;
	v6 =	vadd.s32 @!p0 v3, v6  }
0x1d9: {  	[tilespmem:s30], [sflag:$0x3] =	stream.indirect_vreg.gather @!p0 [hbm4b:s3+s28], $0x80, v7, vm2, $0xb8;
	[tilespmem:$0x1CC00] =	vst v63  }
0x1da: {  	s30 =	simm.s32 @!p0 $0xCC00  }
0x1db: {  	[tilespmem:s30], [sflag:$0x3] =	stream.indirect_vreg.gather @!p0 [hbm4b:s5+s28], $0x80, v7, vm3, $0xb8;
	[tilespmem:$0x1CC00] =	vst v63  }
0x1dc: {  	s30 =	simm.s32 @!p0 $0xD000  }
0x1dd: {  	[tilespmem:s30], [sflag:$0x3] =	stream.indirect_vreg.gather @!p0 [hbm4b:s3+s28], $0x80, v6, vm2, $0xb8;
	[tilespmem:$0x1CC00] =	vst v63  }
0x1de: {  	s30 =	simm.s32 @!p0 $0xD800  }
0x1df: {  	[tilespmem:s30], [sflag:$0x3] =	stream.indirect_vreg.gather @!p0 [hbm4b:s5+s28], $0x80, v6, vm3, $0xb8;
	[tilespmem:$0x1CC00] =	vst v63  }
0x1e0: {  	_ =	swait.ge [sflag:s15], $0x3000  }
0x1e1: {  	[sflag:s15] =	ssyncset.done $0x0  }
0x1e2: {  	s18 =	simm.s32 $0x10C00;
	s30 =	sadd.s32 s26, s10;
	[sflag:s15] =	ssyncadd.s32 $0xFFFFD000  }
0x1e3: {  	[hbm4b:s30+s2] =	stream.linear.scatter [tilespmem:s18], [sflag:$0xD], $0x3000, $0x38;
	[tilespmem:$0x1CC00] =	vst v63  }
0x1e4: {  	s30 =	simm.s32 @!p0 $0xC  }
0x1e5: {  	_ =	swait.ge @!p0 [sflag:s30], $0x3000  }
0x1e6: {  	[sflag:s30] =	ssyncset.done @!p0 $0x0  }
0x1e7: {  	[sflag:s30] =	ssyncadd.s32 @!p0 $0xFFFFD000  }
0x1e8: {  	v6 =	vld @!p0 [tilespmem:s23+$0xFFFFFF90];
	_ =	sdelay $0x4  }
0x1e9: {  	v7 =	vshrl.u32 @!p0 v6, $0x3  }
0x1ea: {  	v7 =	vmul.u32 @!p0 $0x18, v7  }
0x1eb: {  	v6 =	vand.u32 @!p0 $0x7, v6  }
0x1ec: {  	v6 =	vor.u32 @!p0 v6, v7  }
0x1ed: {  	v7 =	vperm.xlane @!p0 v6, v4;
	_ =	sdelay $0x1  }
0x1ee: {  	v7 =	vadd.s32 @!p0 v3, v7;
	_ =	sdelay $0x1  }
0x1ef: {  	v6 =	vperm.xlane @!p0 v6, v5;
	_ =	sdelay $0x1  }
0x1f0: {  	s30 =	simm.s32 @!p0 $0xDC00;
	v6 =	vadd.s32 @!p0 v3, v6  }
0x1f1: {  	[tilespmem:s30], [sflag:$0x4] =	stream.indirect_vreg.gather @!p0 [hbm4b:s3+s28], $0x80, v7, vm2, $0xb8;
	[tilespmem:$0x1CC00] =	vst v63  }
0x1f2: {  	s30 =	simm.s32 @!p0 $0xE400  }
0x1f3: {  	[tilespmem:s30], [sflag:$0x4] =	stream.indirect_vreg.gather @!p0 [hbm4b:s5+s28], $0x80, v7, vm3, $0xb8;
	[tilespmem:$0x1CC00] =	vst v63  }
0x1f4: {  	s30 =	simm.s32 @!p0 $0xE800  }
0x1f5: {  	[tilespmem:s30], [sflag:$0x4] =	stream.indirect_vreg.gather @!p0 [hbm4b:s3+s28], $0x80, v6, vm2, $0xb8;
	[tilespmem:$0x1CC00] =	vst v63  }
0x1f6: {  	s30 =	simm.s32 @!p0 $0xF000  }
0x1f7: {  	[tilespmem:s30], [sflag:$0x4] =	stream.indirect_vreg.gather @!p0 [hbm4b:s5+s28], $0x80, v6, vm3, $0xb8;
	[tilespmem:$0x1CC00] =	vst v63  }
0x1f8: {  	v6 =	vld @!p0 [tilespmem:s23+$0xFFFFFFA0];
	_ =	sdelay $0x4  }
0x1f9: {  	v7 =	vshrl.u32 @!p0 v6, $0x3  }
0x1fa: {  	v7 =	vmul.u32 @!p0 $0x18, v7  }
0x1fb: {  	v6 =	vand.u32 @!p0 $0x7, v6  }
0x1fc: {  	v6 =	vor.u32 @!p0 v6, v7  }
0x1fd: {  	v7 =	vperm.xlane @!p0 v6, v4;
	_ =	sdelay $0x1  }
0x1fe: {  	v7 =	vadd.s32 @!p0 v3, v7;
	_ =	sdelay $0x1  }
0x1ff: {  	v6 =	vperm.xlane @!p0 v6, v5;
	_ =	sdelay $0x1  }
0x200: {  	s30 =	simm.s32 @!p0 $0xF400;
	v6 =	vadd.s32 @!p0 v3, v6  }
0x201: {  	[tilespmem:s30], [sflag:$0x4] =	stream.indirect_vreg.gather @!p0 [hbm4b:s3+s28], $0x80, v7, vm2, $0xb8;
	[tilespmem:$0x1CC00] =	vst v63  }
0x202: {  	s30 =	simm.s32 @!p0 $0xFC00  }
0x203: {  	[tilespmem:s30], [sflag:$0x4] =	stream.indirect_vreg.gather @!p0 [hbm4b:s5+s28], $0x80, v7, vm3, $0xb8;
	[tilespmem:$0x1CC00] =	vst v63  }
0x204: {  	s30 =	simm.s32 @!p0 $0x10000  }
0x205: {  	[tilespmem:s30], [sflag:$0x4] =	stream.indirect_vreg.gather @!p0 [hbm4b:s3+s28], $0x80, v6, vm2, $0xb8;
	[tilespmem:$0x1CC00] =	vst v63  }
0x206: {  	s30 =	simm.s32 @!p0 $0x10800  }
0x207: {  	[tilespmem:s30], [sflag:$0x4] =	stream.indirect_vreg.gather @!p0 [hbm4b:s5+s28], $0x80, v6, vm3, $0xb8;
	[tilespmem:$0x1CC00] =	vst v63  }
0x208: {  	_ =	swait.ge [sflag:s16], $0x3000  }
0x209: {  	[sflag:s16] =	ssyncset.done $0x0  }
0x20a: {  	s18 =	sadd.s32 s26, s9;
	s30 =	simm.s32 @!p0 $0xD;
	[sflag:s16] =	ssyncadd.s32 $0xFFFFD000  }
0x20b: {  	[hbm4b:s18+s2] =	stream.linear.scatter [tilespmem:s29], [sflag:$0xE], $0x3000, $0x38;
	[tilespmem:$0x1CC00] =	vst v63  }
0x20c: {  	_ =	swait.ge @!p0 [sflag:s30], $0x3000  }
0x20d: {  	[sflag:s30] =	ssyncset.done @!p0 $0x0  }
0x20e: {  	[sflag:s30] =	ssyncadd.s32 @!p0 $0xFFFFD000  }
0x20f: {  	v6 =	vld @!p0 [tilespmem:s23+$0xFFFFFFB0];
	_ =	sdelay $0x4  }
0x210: {  	v7 =	vshrl.u32 @!p0 v6, $0x3  }
0x211: {  	v7 =	vmul.u32 @!p0 $0x18, v7  }
0x212: {  	v6 =	vand.u32 @!p0 $0x7, v6  }
0x213: {  	v6 =	vor.u32 @!p0 v6, v7  }
0x214: {  	v7 =	vperm.xlane @!p0 v6, v4;
	_ =	sdelay $0x1  }
0x215: {  	v7 =	vadd.s32 @!p0 v3, v7;
	_ =	sdelay $0x1  }
0x216: {  	v6 =	vperm.xlane @!p0 v6, v5;
	_ =	sdelay $0x1  }
0x217: {  	s30 =	simm.s32 @!p0 $0x10C00;
	v6 =	vadd.s32 @!p0 v3, v6  }
0x218: {  	[tilespmem:s30], [sflag:$0x5] =	stream.indirect_vreg.gather @!p0 [hbm4b:s3+s28], $0x80, v7, vm2, $0xb8;
	[tilespmem:$0x1CC00] =	vst v63  }
0x219: {  	s30 =	simm.s32 @!p0 $0x11400  }
0x21a: {  	[tilespmem:s30], [sflag:$0x5] =	stream.indirect_vreg.gather @!p0 [hbm4b:s5+s28], $0x80, v7, vm3, $0xb8;
	[tilespmem:$0x1CC00] =	vst v63  }
0x21b: {  	s30 =	simm.s32 @!p0 $0x11800  }
0x21c: {  	[tilespmem:s30], [sflag:$0x5] =	stream.indirect_vreg.gather @!p0 [hbm4b:s3+s28], $0x80, v6, vm2, $0xb8;
	[tilespmem:$0x1CC00] =	vst v63  }
0x21d: {  	s30 =	simm.s32 @!p0 $0x12000  }
0x21e: {  	[tilespmem:s30], [sflag:$0x5] =	stream.indirect_vreg.gather @!p0 [hbm4b:s5+s28], $0x80, v6, vm3, $0xb8;
	[tilespmem:$0x1CC00] =	vst v63  }
0x21f: {  	v6 =	vld @!p0 [tilespmem:s23+$0xFFFFFFC0];
	_ =	sdelay $0x4  }
0x220: {  	v7 =	vshrl.u32 @!p0 v6, $0x3  }
0x221: {  	v7 =	vmul.u32 @!p0 $0x18, v7  }
0x222: {  	v6 =	vand.u32 @!p0 $0x7, v6  }
0x223: {  	v6 =	vor.u32 @!p0 v6, v7  }
0x224: {  	v7 =	vperm.xlane @!p0 v6, v4;
	_ =	sdelay $0x1  }
0x225: {  	v7 =	vadd.s32 @!p0 v3, v7;
	_ =	sdelay $0x1  }
0x226: {  	v6 =	vperm.xlane @!p0 v6, v5;
	_ =	sdelay $0x1  }
0x227: {  	s30 =	simm.s32 @!p0 $0x12400;
	v6 =	vadd.s32 @!p0 v3, v6  }
0x228: {  	[tilespmem:s30], [sflag:$0x5] =	stream.indirect_vreg.gather @!p0 [hbm4b:s3+s28], $0x80, v7, vm2, $0xb8;
	[tilespmem:$0x1CC00] =	vst v63  }
0x229: {  	s30 =	simm.s32 @!p0 $0x12C00  }
0x22a: {  	[tilespmem:s30], [sflag:$0x5] =	stream.indirect_vreg.gather @!p0 [hbm4b:s5+s28], $0x80, v7, vm3, $0xb8;
	[tilespmem:$0x1CC00] =	vst v63  }
0x22b: {  	s30 =	simm.s32 @!p0 $0x13000  }
0x22c: {  	[tilespmem:s30], [sflag:$0x5] =	stream.indirect_vreg.gather @!p0 [hbm4b:s3+s28], $0x80, v6, vm2, $0xb8;
	[tilespmem:$0x1CC00] =	vst v63  }
0x22d: {  	s30 =	simm.s32 @!p0 $0x13800  }
0x22e: {  	[tilespmem:s30], [sflag:$0x5] =	stream.indirect_vreg.gather @!p0 [hbm4b:s5+s28], $0x80, v6, vm3, $0xb8;
	[tilespmem:$0x1CC00] =	vst v63  }
0x22f: {  	_ =	swait.ge [sflag:s24], $0x3000  }
0x230: {  	[sflag:s24] =	ssyncset.done $0x0  }
0x231: {  	s18 =	sadd.s32 s26, s8;
	s30 =	simm.s32 @!p0 $0xE;
	[sflag:s24] =	ssyncadd.s32 $0xFFFFD000  }
0x232: {  	[hbm4b:s18+s2] =	stream.linear.scatter [tilespmem:s22], [sflag:$0xF], $0x3000, $0x38;
	[tilespmem:$0x1CC00] =	vst v63  }
0x233: {  	_ =	swait.ge @!p0 [sflag:s30], $0x3000  }
0x234: {  	[sflag:s30] =	ssyncset.done @!p0 $0x0  }
0x235: {  	[sflag:s30] =	ssyncadd.s32 @!p0 $0xFFFFD000  }
0x236: {  	v6 =	vld @!p0 [tilespmem:s23+$0xFFFFFFD0];
	_ =	sdelay $0x4  }
0x237: {  	v7 =	vshrl.u32 @!p0 v6, $0x3  }
0x238: {  	v7 =	vmul.u32 @!p0 $0x18, v7  }
0x239: {  	v6 =	vand.u32 @!p0 $0x7, v6  }
0x23a: {  	v6 =	vor.u32 @!p0 v6, v7  }
0x23b: {  	v7 =	vperm.xlane @!p0 v6, v4;
	_ =	sdelay $0x1  }
0x23c: {  	v7 =	vadd.s32 @!p0 v3, v7;
	_ =	sdelay $0x1  }
0x23d: {  	v6 =	vperm.xlane @!p0 v6, v5;
	_ =	sdelay $0x1  }
0x23e: {  	s30 =	simm.s32 @!p0 $0x13C00;
	v6 =	vadd.s32 @!p0 v3, v6  }
0x23f: {  	[tilespmem:s30], [sflag:$0x6] =	stream.indirect_vreg.gather @!p0 [hbm4b:s3+s28], $0x80, v7, vm2, $0xb8;
	[tilespmem:$0x1CC00] =	vst v63  }
0x240: {  	s30 =	simm.s32 @!p0 $0x14400  }
0x241: {  	[tilespmem:s30], [sflag:$0x6] =	stream.indirect_vreg.gather @!p0 [hbm4b:s5+s28], $0x80, v7, vm3, $0xb8;
	[tilespmem:$0x1CC00] =	vst v63  }
0x242: {  	s30 =	simm.s32 @!p0 $0x14800  }
0x243: {  	[tilespmem:s30], [sflag:$0x6] =	stream.indirect_vreg.gather @!p0 [hbm4b:s3+s28], $0x80, v6, vm2, $0xb8;
	[tilespmem:$0x1CC00] =	vst v63  }
0x244: {  	s30 =	simm.s32 @!p0 $0x15000  }
0x245: {  	[tilespmem:s30], [sflag:$0x6] =	stream.indirect_vreg.gather @!p0 [hbm4b:s5+s28], $0x80, v6, vm3, $0xb8;
	[tilespmem:$0x1CC00] =	vst v63  }
0x246: {  	v6 =	vld @!p0 [tilespmem:s23+$0xFFFFFFE0];
	_ =	sdelay $0x4  }
0x247: {  	v7 =	vshrl.u32 @!p0 v6, $0x3  }
0x248: {  	v7 =	vmul.u32 @!p0 $0x18, v7  }
0x249: {  	v6 =	vand.u32 @!p0 $0x7, v6  }
0x24a: {  	v6 =	vor.u32 @!p0 v6, v7  }
0x24b: {  	v4 =	vperm.xlane @!p0 v6, v4;
	_ =	sdelay $0x1  }
0x24c: {  	v4 =	vadd.s32 @!p0 v3, v4;
	_ =	sdelay $0x1  }
0x24d: {  	v5 =	vperm.xlane @!p0 v6, v5;
	_ =	sdelay $0x1  }
0x24e: {  	s30 =	simm.s32 @!p0 $0x15400;
	v3 =	vadd.s32 @!p0 v3, v5  }
0x24f: {  	[tilespmem:s30], [sflag:$0x6] =	stream.indirect_vreg.gather @!p0 [hbm4b:s3+s28], $0x80, v4, vm2, $0xb8;
	[tilespmem:$0x1CC00] =	vst v63  }
0x250: {  	s30 =	simm.s32 @!p0 $0x15C00  }
0x251: {  	[tilespmem:s30], [sflag:$0x6] =	stream.indirect_vreg.gather @!p0 [hbm4b:s5+s28], $0x80, v4, vm3, $0xb8;
	[tilespmem:$0x1CC00] =	vst v63  }
0x252: {  	s30 =	simm.s32 @!p0 $0x16000  }
0x253: {  	[tilespmem:s30], [sflag:$0x6] =	stream.indirect_vreg.gather @!p0 [hbm4b:s3+s28], $0x80, v3, vm2, $0xb8;
	[tilespmem:$0x1CC00] =	vst v63  }
0x254: {  	s30 =	simm.s32 @!p0 $0x16800  }
0x255: {  	[tilespmem:s30], [sflag:$0x6] =	stream.indirect_vreg.gather @!p0 [hbm4b:s5+s28], $0x80, v3, vm3, $0xb8;
	[tilespmem:$0x1CC00] =	vst v63  }
.Ltmp2:
0x256: {  	_ = 	snop;
	(pc) =	sbr.rel @p0 .LBB2_4-.Ltmp2, $4  }
0x257: {  	_ =	swait.ge [sflag:s0], $0x3000  }
0x258: {  	[sflag:s0] =	ssyncset.done $0x0  }
0x259: {  	s30 =	sadd.s32 s26, s7;
	[sflag:s0] =	ssyncadd.s32 $0xFFFFD000  }
0x25a: {  	[hbm4b:s30+s2] =	stream.linear.scatter [tilespmem:s19], [sflag:$0x10], $0x3000, $0x38;
	[tilespmem:$0x1CC00] =	vst v63  }
0x25b: {  	_ =	swait.ge [sflag:s25], $0x3000  }
0x25c: {  	[sflag:s25] =	ssyncset.done $0x0  }
0x25d: {  	[sflag:s25] =	ssyncadd.s32 $0xFFFFD000  }
0x25e: {  	v3 =	vld [tilespmem:s23+$0xFFFFFFF0];
	_ =	sdelay $0x4  }
0x25f: {  	v4 =	vshrl.u32 v3, $0x3  }
0x260: {  	v4 =	vmul.u32 $0x18, v4  }
0x261: {  	v3 =	vand.u32 $0x7, v3  }
0x262: {  	v3 =	vor.u32 v3, v4  }
0x263: {  	v4 =	vperm.xlane v3, v0;
	_ =	sdelay $0x1  }
0x264: {  	v4 =	vadd.s32 v1, v4;
	_ =	sdelay $0x1  }
0x265: {  	v3 =	vperm.xlane v3, v2;
	_ =	sdelay $0x1  }
0x266: {  	v3 =	vadd.s32 v1, v3  }
0x267: {  	[tilespmem:s22], [sflag:$0x7] =	stream.indirect_vreg.gather [hbm4b:s3+s2], $0x80, v4, vm0, $0xb8;
	[tilespmem:$0x1CC00] =	vst v63  }
0x268: {  	s18 =	simm.s32 $0x17400  }
0x269: {  	[tilespmem:s18], [sflag:$0x7] =	stream.indirect_vreg.gather [hbm4b:s5+s2], $0x80, v4, vm1, $0xb8;
	[tilespmem:$0x1CC00] =	vst v63  }
0x26a: {  	s30 =	simm.s32 $0x17800  }
0x26b: {  	[tilespmem:s30], [sflag:$0x7] =	stream.indirect_vreg.gather [hbm4b:s3+s2], $0x80, v3, vm0, $0xb8;
	[tilespmem:$0x1CC00] =	vst v63  }
0x26c: {  	s28 =	simm.s32 $0x18000  }
0x26d: {  	[tilespmem:s28], [sflag:$0x7] =	stream.indirect_vreg.gather [hbm4b:s5+s2], $0x80, v3, vm1, $0xb8;
	[tilespmem:$0x1CC00] =	vst v63  }
0x26e: {  	v3 =	vld [tilespmem:s23+$0x0];
	_ =	sdelay $0x4  }
0x26f: {  	v63 =	vshrl.u32 v3, $0x3  }
0x270: {  	v4 =	vmul.u32 $0x18, v63  }
0x271: {  	v3 =	vand.u32 $0x7, v3  }
0x272: {  	v3 =	vor.u32 v3, v4  }
0x273: {  	v4 =	vperm.xlane v3, v0;
	_ =	sdelay $0x1  }
0x274: {  	v4 =	vadd.s32 v1, v4;
	_ =	sdelay $0x2  }
0x275: {  	v3 =	vperm.xlane v3, v2  }
0x276: {  	s30 =	simm.s32 $0x18400  }
0x277: {  	v3 =	vadd.s32 v1, v3;
	[tilespmem:s30], [sflag:$0x7] =	stream.indirect_vreg.gather [hbm4b:s3+s2], $0x80, v4, vm0, $0xb8;
	[tilespmem:$0x1CC00] =	vst v63  }
0x278: {  	_ = 	snop  }
0x279: {  	[tilespmem:s31], [sflag:$0x7] =	stream.indirect_vreg.gather [hbm4b:s5+s2], $0x80, v4, vm1, $0xb8;
	[tilespmem:$0x1CC00] =	vst v63  }
.Ltmp3:
0x27a: {  	_ = 	snop;
	(pc) =	sbr.rel .LBB2_2-.Ltmp3, $4  }
0x27b: {  	_ = 	snop  }
0x27c: {  	[tilespmem:s1], [sflag:$0x7] =	stream.indirect_vreg.gather [hbm4b:s3+s2], $0x80, v3, vm0, $0xb8;
	[tilespmem:$0x1CC00] =	vst v63  }
0x27d: {  	s26 =	sadd.s32 $0x3000, s26;
	s23 =	sadd.s32 $0x100, s23  }
0x27e: {  	[tilespmem:s17], [sflag:$0x7] =	stream.indirect_vreg.gather [hbm4b:s5+s2], $0x80, v3, vm1, $0xb8;
	[tilespmem:$0x1CC00] =	vst v63  }
.LBB2_5:
0x27f: {  	_ =	sfence.sel $0x180000  }
0x280: {  	[bflag:$0x0] =	sbarrier.arrive $0xFFFF  }
0x281: {  	_ =	strace $0x90000047  }
0x282: {  	s0 =	stileid.u32;
	[bflag:$0x2] =	sbarrier.arrive $0xFFFF  }
0x283: {  	p0 =	sne.s32 s0, $0x0;
	s0 =	rddreg [dreg:$0x2]  }
0x284: {  	s0 =	sadd.s32 @!p0 $0x100000, s0  }
0x285: {  	[sflag:s0] =	ssyncadd.tile.s32 @!p0 $0x1;
	_ =	shalt  }
.Lfunc_end2:
_tile_overlayer_lowered:
.L_overlay_start_2:
0x286: {  	(tag) =	ssettag $0x2  }
0x287: {  	s0 =	rddreg [dreg:$0x0];
	s2 =	stileid.u32  }
0x288: {  	s1 =	rddreg [dreg:$0x1];
	p0 =	sne.s32 s2, $0x0  }
0x289: {  	s3 =	rddreg [dreg:$0x2];
	[bflag:$0x3] =	sbarrier.arrive $0xFFFF;
	s2 =	simm.s32 @!p0 $0x1C11  }
0x28a: {  	[timem:s3], [sflag:s2] =	dma.local @!p0 [hbm:s0], s1  }
0x28b: {  	s0 =	simm.s32 @!p0 $0x11  }
0x28c: {  	_ =	swait.ge @!p0 [sflag:s0], s1  }
0x28d: {  	s1 =	ssub.s32 @!p0 $0x0, s1;
	[sflag:s0] =	ssyncset.done @!p0 $0x0  }
0x28e: {  	[sflag:s0] =	ssyncadd.s32 @!p0 s1  }
0x28f: {  	[bflag:$0x3] =	sbarrier.arrive $0xFFFF  }
0x290: {  	_ =	shalt  }

</sc_bundles>
